<compile_context>
chip_gen: v7x
topology: tpu7x:2x2x1
jax: 0.10.2.dev20260603
libtpu: 0.0.44.dev20260713+nightly
codegen_flags: <defaults>
</compile_context>

<pallas_src>
import functools

import jax
import jax.numpy as jnp
from jax import lax
from jax.experimental import pallas as pl
from jax.experimental.pallas import tpu as pltpu
from jax.experimental.pallas import tpu_sc as plsc

D = 128
H = 128
W = 128
BE = 2000
BN = 2000
CHUNKS = (64000, 64000, 64000, 64000, 64000)
SC_CH = 400
NW = 32


def _proj_body(x_ref, w_ref, o_ref):
    o_ref[...] = jnp.dot(x_ref[...], w_ref[...],
                         preferred_element_type=jnp.float32)


def _project(x, w):
    n = x.shape[0]
    return pl.pallas_call(
        _proj_body,
        grid=(n // BN,),
        in_specs=[pl.BlockSpec((BN, D), lambda i: (i, 0)),
                  pl.BlockSpec((D, H), lambda i: (0, 0))],
        out_specs=pl.BlockSpec((BN, H), lambda i: (i, 0)),
        out_shape=jax.ShapeDtypeStruct((n, H), jnp.float32),
    )(x, w)


def _sc_gather(table, idx, off, ce):
    per_w = ce // NW
    mesh = plsc.VectorSubcoreMesh(core_axis_name="c", subcore_axis_name="s")

    @functools.partial(
        pl.kernel, mesh=mesh,
        out_type=jax.ShapeDtypeStruct((ce, H), jnp.float32),
        scratch_types=[pltpu.VMEM((SC_CH,), jnp.int32),
                       pltpu.VMEM((SC_CH, H), jnp.float32),
                       pltpu.SemaphoreType.DMA],
    )
    def k(table_hbm, idx_hbm, out_hbm, idx_v, rows_v, sem):
        wid = lax.axis_index("s") * 2 + lax.axis_index("c")
        base = wid * per_w

        @pl.loop(0, per_w, step=SC_CH)
        def _(j):
            pltpu.sync_copy(idx_hbm.at[pl.ds(off + base + j, SC_CH)], idx_v)
            pltpu.async_copy(table_hbm.at[idx_v], rows_v, sem).wait()
            pltpu.sync_copy(rows_v, out_hbm.at[pl.ds(base + j, SC_CH)])

    return k(table, idx)


def _edge_body(m2g_ref, gsrc_ref, dst_ref, pdst_ref, we1_ref, we2_ref,
               b1_ref, b2_ref, ge_ref, be_ref, agg_ref):
    i = pl.program_id(0)

    @pl.when(i == 0)
    def _():
        agg_ref[...] = jnp.zeros_like(agg_ref)

    dst = dst_ref[0]
    w0 = (dst[0, 0] // 8) * 8
    nwin = (dst[0, BE - 1] - w0) // W + 1

    row_ids = lax.broadcasted_iota(jnp.int32, (W, BE), 0)

    base = (jnp.dot(m2g_ref[...], we1_ref[...],
                    preferred_element_type=jnp.float32)
            + gsrc_ref[...] + b1_ref[...])

    def exp_step(k, acc):
        w = w0 + k * W
        oh = jnp.where(row_ids + w == dst, 1.0, 0.0)
        rows = pdst_ref[pl.ds(w, W), :]
        return acc + lax.dot_general(
            oh, rows, (((0,), (0,)), ((), ())),
            preferred_element_type=jnp.float32)

    h = lax.fori_loop(0, nwin, exp_step, base)
    h = h * jax.nn.sigmoid(h)
    we2 = we2_ref[...]
    we2c = we2 - jnp.mean(we2, axis=1, keepdims=True)
    b2 = b2_ref[...]
    e = jnp.dot(h, we2c, preferred_element_type=jnp.float32) \
        + (b2 - jnp.mean(b2))
    var = jnp.mean(e * e, axis=-1, keepdims=True)
    ef = e * lax.rsqrt(var + 1e-5) * ge_ref[...] + be_ref[...]

    def agg_step(k, _):
        w = w0 + k * W
        oh = jnp.where(row_ids + w == dst, 1.0, 0.0)
        contrib = jnp.dot(oh, ef, preferred_element_type=jnp.float32)
        agg_ref[pl.ds(w, W), :] += contrib
        return 0

    lax.fori_loop(0, nwin, agg_step, 0)


def _edge_agg(m2g, gsrc, dst3, pdst_pad, we1, we2, b1, b2, ge, betae,
              ng_pad, blk_off, nblk):
    return pl.pallas_call(
        _edge_body,
        grid=(nblk,),
        in_specs=[
            pl.BlockSpec((BE, D), lambda i: (blk_off + i, 0)),
            pl.BlockSpec((BE, H), lambda i: (i, 0)),
            pl.BlockSpec((1, 1, BE), lambda i: (blk_off + i, 0, 0)),
            pl.BlockSpec((ng_pad, H), lambda i: (0, 0)),
            pl.BlockSpec((D, H), lambda i: (0, 0)),
            pl.BlockSpec((H, D), lambda i: (0, 0)),
            pl.BlockSpec((1, H), lambda i: (0, 0)),
            pl.BlockSpec((1, D), lambda i: (0, 0)),
            pl.BlockSpec((1, D), lambda i: (0, 0)),
            pl.BlockSpec((1, D), lambda i: (0, 0)),
        ],
        out_specs=pl.BlockSpec((ng_pad, D), lambda i: (0, 0)),
        out_shape=jax.ShapeDtypeStruct((ng_pad, D), jnp.float32),
    )(m2g, gsrc, dst3, pdst_pad, we1, we2, b1, b2, ge, betae)


def _node_body(*refs):
    agg_refs = refs[:len(CHUNKS)]
    (gf_ref, wn1_ref, wn2_ref, bn1_ref, bn2_ref, gn_ref, betan_ref,
     o_ref) = refs[len(CHUNKS):]
    agg = agg_refs[0][...]
    for r in agg_refs[1:]:
        agg = agg + r[...]
    gf = gf_ref[...]
    nh = (jnp.dot(agg, wn1_ref[0:D, :], preferred_element_type=jnp.float32)
          + jnp.dot(gf, wn1_ref[D:2 * D, :],
                    preferred_element_type=jnp.float32)
          + bn1_ref[...])
    nh = nh * jax.nn.sigmoid(nh)
    y = jnp.dot(nh, wn2_ref[...], preferred_element_type=jnp.float32) \
        + bn2_ref[...]
    mu = jnp.mean(y, axis=-1, keepdims=True)
    var = jnp.mean((y - mu) * (y - mu), axis=-1, keepdims=True)
    o_ref[...] = ((y - mu) * lax.rsqrt(var + 1e-5) * gn_ref[...]
                  + betan_ref[...] + gf)


def _node_mlp(aggs, gf, wn1, wn2, bn1, bn2, gn, betan):
    ng = gf.shape[0]
    agg_specs = [pl.BlockSpec((BN, D), lambda i: (i, 0)) for _ in aggs]
    return pl.pallas_call(
        _node_body,
        grid=(ng // BN,),
        in_specs=agg_specs + [
            pl.BlockSpec((BN, D), lambda i: (i, 0)),
            pl.BlockSpec((2 * D, H), lambda i: (0, 0)),
            pl.BlockSpec((H, D), lambda i: (0, 0)),
            pl.BlockSpec((1, H), lambda i: (0, 0)),
            pl.BlockSpec((1, D), lambda i: (0, 0)),
            pl.BlockSpec((1, D), lambda i: (0, 0)),
            pl.BlockSpec((1, D), lambda i: (0, 0)),
        ],
        out_specs=pl.BlockSpec((BN, D), lambda i: (i, 0)),
        out_shape=jax.ShapeDtypeStruct((ng, D), jnp.float32),
    )(*aggs, gf, wn1, wn2, bn1, bn2, gn, betan)


def kernel(m2g_efeat, grid_nfeat, mesh_nfeat, src_idx, dst_idx, We1, Ws1,
           Wd1, b1, We2, b2, ge, betae, Wn1, bn1, Wn2, bn2, gn, betan):
    ne = m2g_efeat.shape[0]
    ng = grid_nfeat.shape[0]
    ng_pad = ng + W

    p_src = _project(mesh_nfeat, Ws1)
    p_dst = _project(grid_nfeat, Wd1)
    p_dst_pad = jnp.pad(p_dst, ((0, W), (0, 0)))

    dst3 = dst_idx.reshape(ne // BE, 1, BE)
    b1r = b1.reshape(1, H)
    b2r = b2.reshape(1, D)
    ger = ge.reshape(1, D)
    betr = betae.reshape(1, D)

    aggs = []
    off = 0
    for ce in CHUNKS:
        gsrc_c = _sc_gather(p_src, src_idx, off, ce)
        aggs.append(_edge_agg(
            m2g_efeat, gsrc_c, dst3, p_dst_pad, We1, We2,
            b1r, b2r, ger, betr, ng_pad,
            blk_off=off // BE, nblk=ce // BE))
        off += ce

    return _node_mlp(aggs, grid_nfeat, Wn1, Wn2,
                     bn1.reshape(1, H), bn2.reshape(1, D),
                     gn.reshape(1, D), betan.reshape(1, D))

# --- scband reference (transcript-rebuilt; emitter-appended) ---
"""Pipeline reference for scband-decoder-cugosum-42777874268719 (READ-ONLY COPY).

The authoritative reference and input builder live on the scoring server;
editing this copy changes nothing except your own understanding.
"""

import jax, jax.numpy as jnp
import numpy as np

D = 128
H = 128
NM = 10000
NG = 10000
E = 320000


def _ln(x, g, b):
    mu = jnp.mean(x, axis=-1, keepdims=True)
    var = jnp.var(x, axis=-1, keepdims=True)
    return (x - mu) / jnp.sqrt(var + 1e-5) * g + b


def setup_inputs(seed: int = 0) -> dict:
    key = jax.random.key(seed)
    ks = jax.random.split(key, 12)
    s1 = 1.0 / np.sqrt(H)
    s_e1 = 1.0 / np.sqrt(3 * D)  # TMLP first layer acts like Linear(concat(e,src,dst)) fan_in=3D
    s_n1 = 1.0 / np.sqrt(2 * D)
    return {
        "m2g_efeat": jax.random.normal(ks[0], (E, D), jnp.float32),
        "grid_nfeat": jax.random.normal(ks[1], (NG, D), jnp.float32),
        "mesh_nfeat": jax.random.normal(ks[2], (NM, D), jnp.float32),
        "src_idx": jax.random.randint(ks[3], (E,), 0, NM, dtype=jnp.int32),
        "dst_idx": jnp.sort(jax.random.randint(ks[4], (E,), 0, NG, dtype=jnp.int32)),
        "We1": jax.random.normal(ks[5], (D, H), jnp.float32) * s_e1,
        "Ws1": jax.random.normal(ks[6], (D, H), jnp.float32) * s_e1,
        "Wd1": jax.random.normal(ks[7], (D, H), jnp.float32) * s_e1,
        "b1": jnp.zeros((H,), jnp.float32),
        "We2": jax.random.normal(ks[8], (H, D), jnp.float32) * s1,
        "b2": jnp.zeros((D,), jnp.float32),
        "ge": jnp.ones((D,), jnp.float32),
        "betae": jnp.zeros((D,), jnp.float32),
        "Wn1": jax.random.normal(ks[9], (2 * D, H), jnp.float32) * s_n1,
        "bn1": jnp.zeros((H,), jnp.float32),
        "Wn2": jax.random.normal(ks[10], (H, D), jnp.float32) * s1,
        "bn2": jnp.zeros((D,), jnp.float32),
        "gn": jnp.ones((D,), jnp.float32),
        "betan": jnp.zeros((D,), jnp.float32),
    }


def reference(m2g_efeat, grid_nfeat, mesh_nfeat, src_idx, dst_idx, We1, Ws1, Wd1, b1, We2, b2, ge, betae, Wn1, bn1, Wn2, bn2, gn, betan):
    # edge TMLP: fused concat(efeat, src_feat, dst_feat) -> Linear -> SiLU -> Linear -> LayerNorm
    h = (m2g_efeat @ We1
         + jnp.take(mesh_nfeat, src_idx, axis=0) @ Ws1
         + jnp.take(grid_nfeat, dst_idx, axis=0) @ Wd1
         + b1)
    h = jax.nn.silu(h)
    efeat = _ln(h @ We2 + b2, ge, betae)
    # agg_concat_e2n: sum edge features per destination (grid) node, concat with dst node features
    agg = jax.ops.segment_sum(efeat, dst_idx, num_segments=grid_nfeat.shape[0])
    cat_feat = jnp.concatenate([agg, grid_nfeat], axis=-1)
    # node MLP: Linear -> SiLU -> Linear -> LayerNorm, then residual add
    nh = jax.nn.silu(cat_feat @ Wn1 + bn1)
    nout = _ln(nh @ Wn2 + bn2, gn, betan)
    return nout + grid_nfeat

if __name__ == "__main__":
    import jax
    _d = setup_inputs()
    print(jax.jit(kernel)(*tuple(_d.values())))

</pallas_src>

<mosaic_0001>
#map = affine_map<(d0, d1) -> (0, 0)>
#map1 = affine_map<(d0, d1) -> (0)>
module attributes {stable_mosaic.version = 14 : i64} {
  func.func @k(%arg0: i32, %arg1: i32, %arg2: memref<10000x128xf32, #tpu.memory_space<hbm>>, %arg3: memref<320000xi32, #tpu.memory_space<hbm>>, %arg4: memref<64000x128xf32, #tpu.memory_space<hbm>>, %arg5: memref<400xi32, #tpu.memory_space<vmem>>, %arg6: memref<400x128xf32, #tpu.memory_space<vmem>>, %arg7: memref<!tpu.dma_semaphore, #tpu.memory_space<semaphore_mem>>) attributes {dimension_semantics = [#tpu.dimension_semantics<core_parallel>, #tpu.dimension_semantics<subcore_parallel>], iteration_bounds = array<i64: 2, 16>, scalar_prefetch = 0 : i64, scratch_operands = 3 : i64, tpu.core_type = #tpu.core_type<sc_vector_subcore>, window_params = [{transform_indices = #map}, {transform_indices = #map1}, {transform_indices = #map}]} {
    %mul3A = arith.constant 2 : i32
    %mul3A_0 = arith.muli %arg1, %mul3A : i32
    %add3A = arith.addi %mul3A_0, %arg0 : i32
    %mul3A_1 = arith.constant 2000 : i32
    %mul3A_2 = arith.muli %add3A, %mul3A_1 : i32
    %scan3A = arith.constant 0 : i32
    %scan3A_3 = arith.constant 5 : i32
    %scan3A_4 = arith.addi %scan3A, %scan3A_3 : i32
    %scan3A_5 = arith.constant 1 : i32
    scf.for %scan3A_7 = %scan3A to %scan3A_4 step %scan3A_5  : i32 {
      %mul3A_8 = arith.constant 400 : i32
      %mul3A_9 = arith.muli %scan3A_7, %mul3A_8 : i32
      %add3A_10 = arith.constant 0 : i32
      %add3A_11 = arith.addi %add3A_10, %mul3A_9 : i32
      %add3A_12 = arith.constant 192000 : i32
      %add3A_13 = arith.addi %add3A_12, %mul3A_2 : i32
      %add3A_14 = arith.addi %add3A_13, %add3A_11 : i32
      "tpu.region"() ({
        %run_scoped3A = tpu.sem_alloc : memref<!tpu.dma_semaphore, #tpu.memory_space<semaphore_mem>>
        %dma_start3A_20 = tpu.memref_slice %arg3[%add3A_14] : memref<320000xi32, #tpu.memory_space<hbm>> -> memref<400xi32, #tpu.memory_space<hbm>>
        %dma_start3A_21 = tpu.memref_slice %arg3[%add3A_14] : memref<320000xi32, #tpu.memory_space<hbm>> -> memref<400xi32, #tpu.memory_space<hbm>>
        tpu.enqueue_dma source(%dma_start3A_21 : memref<400xi32, #tpu.memory_space<hbm>>) target(%arg5 : memref<400xi32, #tpu.memory_space<vmem>>) target_semaphore(%run_scoped3A : memref<!tpu.dma_semaphore, #tpu.memory_space<semaphore_mem>>)
        %dma_wait3A_22 = tpu.memref_slice %arg3[%add3A_14] : memref<320000xi32, #tpu.memory_space<hbm>> -> memref<400xi32, #tpu.memory_space<hbm>>
        %dma_wait3A_23 = tpu.memref_slice %arg3[%add3A_14] : memref<320000xi32, #tpu.memory_space<hbm>> -> memref<400xi32, #tpu.memory_space<hbm>>
        tpu.wait_dma2 semaphore(%run_scoped3A : memref<!tpu.dma_semaphore, #tpu.memory_space<semaphore_mem>>) src(%dma_wait3A_23 : memref<400xi32, #tpu.memory_space<hbm>>) dst(%arg5 : memref<400xi32, #tpu.memory_space<vmem>>)
        tpu.yield
      }) : () -> ()
      %dma_start3A = arith.constant 0 : i32
      %dma_start3A_15 = arith.constant 0 : i32
      %dma_start3A_16 = tpu.memref_slice %arg2[%dma_start3A, %dma_start3A_15] : memref<10000x128xf32, #tpu.memory_space<hbm>> -> memref<10000x128xf32, #tpu.memory_space<hbm>>
      tpu.enqueue_indirect_dma source(%dma_start3A_16 : memref<10000x128xf32, #tpu.memory_space<hbm>>) target(%arg6 : memref<400x128xf32, #tpu.memory_space<vmem>>) offsets(%arg5 : memref<400xi32, #tpu.memory_space<vmem>>) semaphore(%arg7 : memref<!tpu.dma_semaphore, #tpu.memory_space<semaphore_mem>>)
      %dma_wait3A = arith.constant 0 : i32
      %dma_wait3A_17 = arith.constant 0 : i32
      %dma_wait3A_18 = tpu.memref_slice %arg2[%dma_wait3A, %dma_wait3A_17] : memref<10000x128xf32, #tpu.memory_space<hbm>> -> memref<10000x128xf32, #tpu.memory_space<hbm>>
      tpu.wait_indirect_dma semaphore(%arg7 : memref<!tpu.dma_semaphore, #tpu.memory_space<semaphore_mem>>) src(%dma_wait3A_18 : memref<10000x128xf32, #tpu.memory_space<hbm>>) dst(%arg6 : memref<400x128xf32, #tpu.memory_space<vmem>>)
      %add3A_19 = arith.addi %mul3A_2, %add3A_11 : i32
      "tpu.region"() ({
        %run_scoped3A = tpu.sem_alloc : memref<!tpu.dma_semaphore, #tpu.memory_space<semaphore_mem>>
        %dma_start3A_20 = arith.constant 0 : i32
        %dma_start3A_21 = tpu.memref_slice %arg4[%add3A_19, %dma_start3A_20] : memref<64000x128xf32, #tpu.memory_space<hbm>> -> memref<400x128xf32, #tpu.memory_space<hbm>>
        %dma_start3A_22 = arith.constant 0 : i32
        %dma_start3A_23 = tpu.memref_slice %arg4[%add3A_19, %dma_start3A_22] : memref<64000x128xf32, #tpu.memory_space<hbm>> -> memref<400x128xf32, #tpu.memory_space<hbm>>
        tpu.enqueue_dma source(%arg6 : memref<400x128xf32, #tpu.memory_space<vmem>>) target(%dma_start3A_23 : memref<400x128xf32, #tpu.memory_space<hbm>>) target_semaphore(%run_scoped3A : memref<!tpu.dma_semaphore, #tpu.memory_space<semaphore_mem>>)
        %dma_wait3A_24 = arith.constant 0 : i32
        %dma_wait3A_25 = tpu.memref_slice %arg4[%add3A_19, %dma_wait3A_24] : memref<64000x128xf32, #tpu.memory_space<hbm>> -> memref<400x128xf32, #tpu.memory_space<hbm>>
        %dma_wait3A_26 = arith.constant 0 : i32
        %dma_wait3A_27 = tpu.memref_slice %arg4[%add3A_19, %dma_wait3A_26] : memref<64000x128xf32, #tpu.memory_space<hbm>> -> memref<400x128xf32, #tpu.memory_space<hbm>>
        tpu.wait_dma2 semaphore(%run_scoped3A : memref<!tpu.dma_semaphore, #tpu.memory_space<semaphore_mem>>) src(%arg6 : memref<400x128xf32, #tpu.memory_space<vmem>>) dst(%dma_wait3A_27 : memref<400x128xf32, #tpu.memory_space<hbm>>)
        tpu.yield
      }) : () -> ()
    }
    %scan3A_6 = arith.constant 5 : i32
    return
  }
}

#map = affine_map<(d0, d1) -> (0, 0)>
#map1 = affine_map<(d0, d1) -> (0)>
module attributes {stable_mosaic.version = 14 : i64} {
  func.func @k(%arg0: i32, %arg1: i32, %arg2: memref<10000x128xf32, #tpu.memory_space<hbm>>, %arg3: memref<320000xi32, #tpu.memory_space<hbm>>, %arg4: memref<64000x128xf32, #tpu.memory_space<hbm>>, %arg5: memref<400xi32, #tpu.memory_space<vmem>>, %arg6: memref<400x128xf32, #tpu.memory_space<vmem>>, %arg7: memref<!tpu.dma_semaphore, #tpu.memory_space<semaphore_mem>>) attributes {dimension_semantics = [#tpu.dimension_semantics<core_parallel>, #tpu.dimension_semantics<subcore_parallel>], iteration_bounds = array<i64: 2, 16>, scalar_prefetch = 0 : i64, scratch_operands = 3 : i64, tpu.core_type = #tpu.core_type<sc_vector_subcore>, window_params = [{transform_indices = #map}, {transform_indices = #map1}, {transform_indices = #map}]} {
    %mul3A = arith.constant 2 : i32
    %mul3A_0 = arith.muli %arg1, %mul3A : i32
    %add3A = arith.addi %mul3A_0, %arg0 : i32
    %mul3A_1 = arith.constant 2000 : i32
    %mul3A_2 = arith.muli %add3A, %mul3A_1 : i32
    %scan3A = arith.constant 0 : i32
    %scan3A_3 = arith.constant 5 : i32
    %scan3A_4 = arith.addi %scan3A, %scan3A_3 : i32
    %scan3A_5 = arith.constant 1 : i32
    scf.for %scan3A_7 = %scan3A to %scan3A_4 step %scan3A_5  : i32 {
      %mul3A_8 = arith.constant 400 : i32
      %mul3A_9 = arith.muli %scan3A_7, %mul3A_8 : i32
      %add3A_10 = arith.constant 0 : i32
      %add3A_11 = arith.addi %add3A_10, %mul3A_9 : i32
      %add3A_12 = arith.constant 128000 : i32
      %add3A_13 = arith.addi %add3A_12, %mul3A_2 : i32
      %add3A_14 = arith.addi %add3A_13, %add3A_11 : i32
      "tpu.region"() ({
        %run_scoped3A = tpu.sem_alloc : memref<!tpu.dma_semaphore, #tpu.memory_space<semaphore_mem>>
        %dma_start3A_20 = tpu.memref_slice %arg3[%add3A_14] : memref<320000xi32, #tpu.memory_space<hbm>> -> memref<400xi32, #tpu.memory_space<hbm>>
        %dma_start3A_21 = tpu.memref_slice %arg3[%add3A_14] : memref<320000xi32, #tpu.memory_space<hbm>> -> memref<400xi32, #tpu.memory_space<hbm>>
        tpu.enqueue_dma source(%dma_start3A_21 : memref<400xi32, #tpu.memory_space<hbm>>) target(%arg5 : memref<400xi32, #tpu.memory_space<vmem>>) target_semaphore(%run_scoped3A : memref<!tpu.dma_semaphore, #tpu.memory_space<semaphore_mem>>)
        %dma_wait3A_22 = tpu.memref_slice %arg3[%add3A_14] : memref<320000xi32, #tpu.memory_space<hbm>> -> memref<400xi32, #tpu.memory_space<hbm>>
        %dma_wait3A_23 = tpu.memref_slice %arg3[%add3A_14] : memref<320000xi32, #tpu.memory_space<hbm>> -> memref<400xi32, #tpu.memory_space<hbm>>
        tpu.wait_dma2 semaphore(%run_scoped3A : memref<!tpu.dma_semaphore, #tpu.memory_space<semaphore_mem>>) src(%dma_wait3A_23 : memref<400xi32, #tpu.memory_space<hbm>>) dst(%arg5 : memref<400xi32, #tpu.memory_space<vmem>>)
        tpu.yield
      }) : () -> ()
      %dma_start3A = arith.constant 0 : i32
      %dma_start3A_15 = arith.constant 0 : i32
      %dma_start3A_16 = tpu.memref_slice %arg2[%dma_start3A, %dma_start3A_15] : memref<10000x128xf32, #tpu.memory_space<hbm>> -> memref<10000x128xf32, #tpu.memory_space<hbm>>
      tpu.enqueue_indirect_dma source(%dma_start3A_16 : memref<10000x128xf32, #tpu.memory_space<hbm>>) target(%arg6 : memref<400x128xf32, #tpu.memory_space<vmem>>) offsets(%arg5 : memref<400xi32, #tpu.memory_space<vmem>>) semaphore(%arg7 : memref<!tpu.dma_semaphore, #tpu.memory_space<semaphore_mem>>)
      %dma_wait3A = arith.constant 0 : i32
      %dma_wait3A_17 = arith.constant 0 : i32
      %dma_wait3A_18 = tpu.memref_slice %arg2[%dma_wait3A, %dma_wait3A_17] : memref<10000x128xf32, #tpu.memory_space<hbm>> -> memref<10000x128xf32, #tpu.memory_space<hbm>>
      tpu.wait_indirect_dma semaphore(%arg7 : memref<!tpu.dma_semaphore, #tpu.memory_space<semaphore_mem>>) src(%dma_wait3A_18 : memref<10000x128xf32, #tpu.memory_space<hbm>>) dst(%arg6 : memref<400x128xf32, #tpu.memory_space<vmem>>)
      %add3A_19 = arith.addi %mul3A_2, %add3A_11 : i32
      "tpu.region"() ({
        %run_scoped3A = tpu.sem_alloc : memref<!tpu.dma_semaphore, #tpu.memory_space<semaphore_mem>>
        %dma_start3A_20 = arith.constant 0 : i32
        %dma_start3A_21 = tpu.memref_slice %arg4[%add3A_19, %dma_start3A_20] : memref<64000x128xf32, #tpu.memory_space<hbm>> -> memref<400x128xf32, #tpu.memory_space<hbm>>
        %dma_start3A_22 = arith.constant 0 : i32
        %dma_start3A_23 = tpu.memref_slice %arg4[%add3A_19, %dma_start3A_22] : memref<64000x128xf32, #tpu.memory_space<hbm>> -> memref<400x128xf32, #tpu.memory_space<hbm>>
        tpu.enqueue_dma source(%arg6 : memref<400x128xf32, #tpu.memory_space<vmem>>) target(%dma_start3A_23 : memref<400x128xf32, #tpu.memory_space<hbm>>) target_semaphore(%run_scoped3A : memref<!tpu.dma_semaphore, #tpu.memory_space<semaphore_mem>>)
        %dma_wait3A_24 = arith.constant 0 : i32
        %dma_wait3A_25 = tpu.memref_slice %arg4[%add3A_19, %dma_wait3A_24] : memref<64000x128xf32, #tpu.memory_space<hbm>> -> memref<400x128xf32, #tpu.memory_space<hbm>>
        %dma_wait3A_26 = arith.constant 0 : i32
        %dma_wait3A_27 = tpu.memref_slice %arg4[%add3A_19, %dma_wait3A_26] : memref<64000x128xf32, #tpu.memory_space<hbm>> -> memref<400x128xf32, #tpu.memory_space<hbm>>
        tpu.wait_dma2 semaphore(%run_scoped3A : memref<!tpu.dma_semaphore, #tpu.memory_space<semaphore_mem>>) src(%arg6 : memref<400x128xf32, #tpu.memory_space<vmem>>) dst(%dma_wait3A_27 : memref<400x128xf32, #tpu.memory_space<hbm>>)
        tpu.yield
      }) : () -> ()
    }
    %scan3A_6 = arith.constant 5 : i32
    return
  }
}

#map = affine_map<(d0, d1) -> (0, 0)>
#map1 = affine_map<(d0, d1) -> (0)>
module attributes {stable_mosaic.version = 14 : i64} {
  func.func @k(%arg0: i32, %arg1: i32, %arg2: memref<10000x128xf32, #tpu.memory_space<hbm>>, %arg3: memref<320000xi32, #tpu.memory_space<hbm>>, %arg4: memref<64000x128xf32, #tpu.memory_space<hbm>>, %arg5: memref<400xi32, #tpu.memory_space<vmem>>, %arg6: memref<400x128xf32, #tpu.memory_space<vmem>>, %arg7: memref<!tpu.dma_semaphore, #tpu.memory_space<semaphore_mem>>) attributes {dimension_semantics = [#tpu.dimension_semantics<core_parallel>, #tpu.dimension_semantics<subcore_parallel>], iteration_bounds = array<i64: 2, 16>, scalar_prefetch = 0 : i64, scratch_operands = 3 : i64, tpu.core_type = #tpu.core_type<sc_vector_subcore>, window_params = [{transform_indices = #map}, {transform_indices = #map1}, {transform_indices = #map}]} {
    %mul3A = arith.constant 2 : i32
    %mul3A_0 = arith.muli %arg1, %mul3A : i32
    %add3A = arith.addi %mul3A_0, %arg0 : i32
    %mul3A_1 = arith.constant 2000 : i32
    %mul3A_2 = arith.muli %add3A, %mul3A_1 : i32
    %scan3A = arith.constant 0 : i32
    %scan3A_3 = arith.constant 5 : i32
    %scan3A_4 = arith.addi %scan3A, %scan3A_3 : i32
    %scan3A_5 = arith.constant 1 : i32
    scf.for %scan3A_7 = %scan3A to %scan3A_4 step %scan3A_5  : i32 {
      %mul3A_8 = arith.constant 400 : i32
      %mul3A_9 = arith.muli %scan3A_7, %mul3A_8 : i32
      %add3A_10 = arith.constant 0 : i32
      %add3A_11 = arith.addi %add3A_10, %mul3A_9 : i32
      %add3A_12 = arith.constant 256000 : i32
      %add3A_13 = arith.addi %add3A_12, %mul3A_2 : i32
      %add3A_14 = arith.addi %add3A_13, %add3A_11 : i32
      "tpu.region"() ({
        %run_scoped3A = tpu.sem_alloc : memref<!tpu.dma_semaphore, #tpu.memory_space<semaphore_mem>>
        %dma_start3A_20 = tpu.memref_slice %arg3[%add3A_14] : memref<320000xi32, #tpu.memory_space<hbm>> -> memref<400xi32, #tpu.memory_space<hbm>>
        %dma_start3A_21 = tpu.memref_slice %arg3[%add3A_14] : memref<320000xi32, #tpu.memory_space<hbm>> -> memref<400xi32, #tpu.memory_space<hbm>>
        tpu.enqueue_dma source(%dma_start3A_21 : memref<400xi32, #tpu.memory_space<hbm>>) target(%arg5 : memref<400xi32, #tpu.memory_space<vmem>>) target_semaphore(%run_scoped3A : memref<!tpu.dma_semaphore, #tpu.memory_space<semaphore_mem>>)
        %dma_wait3A_22 = tpu.memref_slice %arg3[%add3A_14] : memref<320000xi32, #tpu.memory_space<hbm>> -> memref<400xi32, #tpu.memory_space<hbm>>
        %dma_wait3A_23 = tpu.memref_slice %arg3[%add3A_14] : memref<320000xi32, #tpu.memory_space<hbm>> -> memref<400xi32, #tpu.memory_space<hbm>>
        tpu.wait_dma2 semaphore(%run_scoped3A : memref<!tpu.dma_semaphore, #tpu.memory_space<semaphore_mem>>) src(%dma_wait3A_23 : memref<400xi32, #tpu.memory_space<hbm>>) dst(%arg5 : memref<400xi32, #tpu.memory_space<vmem>>)
        tpu.yield
      }) : () -> ()
      %dma_start3A = arith.constant 0 : i32
      %dma_start3A_15 = arith.constant 0 : i32
      %dma_start3A_16 = tpu.memref_slice %arg2[%dma_start3A, %dma_start3A_15] : memref<10000x128xf32, #tpu.memory_space<hbm>> -> memref<10000x128xf32, #tpu.memory_space<hbm>>
      tpu.enqueue_indirect_dma source(%dma_start3A_16 : memref<10000x128xf32, #tpu.memory_space<hbm>>) target(%arg6 : memref<400x128xf32, #tpu.memory_space<vmem>>) offsets(%arg5 : memref<400xi32, #tpu.memory_space<vmem>>) semaphore(%arg7 : memref<!tpu.dma_semaphore, #tpu.memory_space<semaphore_mem>>)
      %dma_wait3A = arith.constant 0 : i32
      %dma_wait3A_17 = arith.constant 0 : i32
      %dma_wait3A_18 = tpu.memref_slice %arg2[%dma_wait3A, %dma_wait3A_17] : memref<10000x128xf32, #tpu.memory_space<hbm>> -> memref<10000x128xf32, #tpu.memory_space<hbm>>
      tpu.wait_indirect_dma semaphore(%arg7 : memref<!tpu.dma_semaphore, #tpu.memory_space<semaphore_mem>>) src(%dma_wait3A_18 : memref<10000x128xf32, #tpu.memory_space<hbm>>) dst(%arg6 : memref<400x128xf32, #tpu.memory_space<vmem>>)
      %add3A_19 = arith.addi %mul3A_2, %add3A_11 : i32
      "tpu.region"() ({
        %run_scoped3A = tpu.sem_alloc : memref<!tpu.dma_semaphore, #tpu.memory_space<semaphore_mem>>
        %dma_start3A_20 = arith.constant 0 : i32
        %dma_start3A_21 = tpu.memref_slice %arg4[%add3A_19, %dma_start3A_20] : memref<64000x128xf32, #tpu.memory_space<hbm>> -> memref<400x128xf32, #tpu.memory_space<hbm>>
        %dma_start3A_22 = arith.constant 0 : i32
        %dma_start3A_23 = tpu.memref_slice %arg4[%add3A_19, %dma_start3A_22] : memref<64000x128xf32, #tpu.memory_space<hbm>> -> memref<400x128xf32, #tpu.memory_space<hbm>>
        tpu.enqueue_dma source(%arg6 : memref<400x128xf32, #tpu.memory_space<vmem>>) target(%dma_start3A_23 : memref<400x128xf32, #tpu.memory_space<hbm>>) target_semaphore(%run_scoped3A : memref<!tpu.dma_semaphore, #tpu.memory_space<semaphore_mem>>)
        %dma_wait3A_24 = arith.constant 0 : i32
        %dma_wait3A_25 = tpu.memref_slice %arg4[%add3A_19, %dma_wait3A_24] : memref<64000x128xf32, #tpu.memory_space<hbm>> -> memref<400x128xf32, #tpu.memory_space<hbm>>
        %dma_wait3A_26 = arith.constant 0 : i32
        %dma_wait3A_27 = tpu.memref_slice %arg4[%add3A_19, %dma_wait3A_26] : memref<64000x128xf32, #tpu.memory_space<hbm>> -> memref<400x128xf32, #tpu.memory_space<hbm>>
        tpu.wait_dma2 semaphore(%run_scoped3A : memref<!tpu.dma_semaphore, #tpu.memory_space<semaphore_mem>>) src(%arg6 : memref<400x128xf32, #tpu.memory_space<vmem>>) dst(%dma_wait3A_27 : memref<400x128xf32, #tpu.memory_space<hbm>>)
        tpu.yield
      }) : () -> ()
    }
    %scan3A_6 = arith.constant 5 : i32
    return
  }
}

#map = affine_map<(d0, d1) -> (0, 0)>
#map1 = affine_map<(d0, d1) -> (0)>
module attributes {stable_mosaic.version = 14 : i64} {
  func.func @k(%arg0: i32, %arg1: i32, %arg2: memref<10000x128xf32, #tpu.memory_space<hbm>>, %arg3: memref<320000xi32, #tpu.memory_space<hbm>>, %arg4: memref<64000x128xf32, #tpu.memory_space<hbm>>, %arg5: memref<400xi32, #tpu.memory_space<vmem>>, %arg6: memref<400x128xf32, #tpu.memory_space<vmem>>, %arg7: memref<!tpu.dma_semaphore, #tpu.memory_space<semaphore_mem>>) attributes {dimension_semantics = [#tpu.dimension_semantics<core_parallel>, #tpu.dimension_semantics<subcore_parallel>], iteration_bounds = array<i64: 2, 16>, scalar_prefetch = 0 : i64, scratch_operands = 3 : i64, tpu.core_type = #tpu.core_type<sc_vector_subcore>, window_params = [{transform_indices = #map}, {transform_indices = #map1}, {transform_indices = #map}]} {
    %mul3A = arith.constant 2 : i32
    %mul3A_0 = arith.muli %arg1, %mul3A : i32
    %add3A = arith.addi %mul3A_0, %arg0 : i32
    %mul3A_1 = arith.constant 2000 : i32
    %mul3A_2 = arith.muli %add3A, %mul3A_1 : i32
    %scan3A = arith.constant 0 : i32
    %scan3A_3 = arith.constant 5 : i32
    %scan3A_4 = arith.addi %scan3A, %scan3A_3 : i32
    %scan3A_5 = arith.constant 1 : i32
    scf.for %scan3A_7 = %scan3A to %scan3A_4 step %scan3A_5  : i32 {
      %mul3A_8 = arith.constant 400 : i32
      %mul3A_9 = arith.muli %scan3A_7, %mul3A_8 : i32
      %add3A_10 = arith.constant 0 : i32
      %add3A_11 = arith.addi %add3A_10, %mul3A_9 : i32
      %add3A_12 = arith.constant 64000 : i32
      %add3A_13 = arith.addi %add3A_12, %mul3A_2 : i32
      %add3A_14 = arith.addi %add3A_13, %add3A_11 : i32
      "tpu.region"() ({
        %run_scoped3A = tpu.sem_alloc : memref<!tpu.dma_semaphore, #tpu.memory_space<semaphore_mem>>
        %dma_start3A_20 = tpu.memref_slice %arg3[%add3A_14] : memref<320000xi32, #tpu.memory_space<hbm>> -> memref<400xi32, #tpu.memory_space<hbm>>
        %dma_start3A_21 = tpu.memref_slice %arg3[%add3A_14] : memref<320000xi32, #tpu.memory_space<hbm>> -> memref<400xi32, #tpu.memory_space<hbm>>
        tpu.enqueue_dma source(%dma_start3A_21 : memref<400xi32, #tpu.memory_space<hbm>>) target(%arg5 : memref<400xi32, #tpu.memory_space<vmem>>) target_semaphore(%run_scoped3A : memref<!tpu.dma_semaphore, #tpu.memory_space<semaphore_mem>>)
        %dma_wait3A_22 = tpu.memref_slice %arg3[%add3A_14] : memref<320000xi32, #tpu.memory_space<hbm>> -> memref<400xi32, #tpu.memory_space<hbm>>
        %dma_wait3A_23 = tpu.memref_slice %arg3[%add3A_14] : memref<320000xi32, #tpu.memory_space<hbm>> -> memref<400xi32, #tpu.memory_space<hbm>>
        tpu.wait_dma2 semaphore(%run_scoped3A : memref<!tpu.dma_semaphore, #tpu.memory_space<semaphore_mem>>) src(%dma_wait3A_23 : memref<400xi32, #tpu.memory_space<hbm>>) dst(%arg5 : memref<400xi32, #tpu.memory_space<vmem>>)
        tpu.yield
      }) : () -> ()
      %dma_start3A = arith.constant 0 : i32
      %dma_start3A_15 = arith.constant 0 : i32
      %dma_start3A_16 = tpu.memref_slice %arg2[%dma_start3A, %dma_start3A_15] : memref<10000x128xf32, #tpu.memory_space<hbm>> -> memref<10000x128xf32, #tpu.memory_space<hbm>>
      tpu.enqueue_indirect_dma source(%dma_start3A_16 : memref<10000x128xf32, #tpu.memory_space<hbm>>) target(%arg6 : memref<400x128xf32, #tpu.memory_space<vmem>>) offsets(%arg5 : memref<400xi32, #tpu.memory_space<vmem>>) semaphore(%arg7 : memref<!tpu.dma_semaphore, #tpu.memory_space<semaphore_mem>>)
      %dma_wait3A = arith.constant 0 : i32
      %dma_wait3A_17 = arith.constant 0 : i32
      %dma_wait3A_18 = tpu.memref_slice %arg2[%dma_wait3A, %dma_wait3A_17] : memref<10000x128xf32, #tpu.memory_space<hbm>> -> memref<10000x128xf32, #tpu.memory_space<hbm>>
      tpu.wait_indirect_dma semaphore(%arg7 : memref<!tpu.dma_semaphore, #tpu.memory_space<semaphore_mem>>) src(%dma_wait3A_18 : memref<10000x128xf32, #tpu.memory_space<hbm>>) dst(%arg6 : memref<400x128xf32, #tpu.memory_space<vmem>>)
      %add3A_19 = arith.addi %mul3A_2, %add3A_11 : i32
      "tpu.region"() ({
        %run_scoped3A = tpu.sem_alloc : memref<!tpu.dma_semaphore, #tpu.memory_space<semaphore_mem>>
        %dma_start3A_20 = arith.constant 0 : i32
        %dma_start3A_21 = tpu.memref_slice %arg4[%add3A_19, %dma_start3A_20] : memref<64000x128xf32, #tpu.memory_space<hbm>> -> memref<400x128xf32, #tpu.memory_space<hbm>>
        %dma_start3A_22 = arith.constant 0 : i32
        %dma_start3A_23 = tpu.memref_slice %arg4[%add3A_19, %dma_start3A_22] : memref<64000x128xf32, #tpu.memory_space<hbm>> -> memref<400x128xf32, #tpu.memory_space<hbm>>
        tpu.enqueue_dma source(%arg6 : memref<400x128xf32, #tpu.memory_space<vmem>>) target(%dma_start3A_23 : memref<400x128xf32, #tpu.memory_space<hbm>>) target_semaphore(%run_scoped3A : memref<!tpu.dma_semaphore, #tpu.memory_space<semaphore_mem>>)
        %dma_wait3A_24 = arith.constant 0 : i32
        %dma_wait3A_25 = tpu.memref_slice %arg4[%add3A_19, %dma_wait3A_24] : memref<64000x128xf32, #tpu.memory_space<hbm>> -> memref<400x128xf32, #tpu.memory_space<hbm>>
        %dma_wait3A_26 = arith.constant 0 : i32
        %dma_wait3A_27 = tpu.memref_slice %arg4[%add3A_19, %dma_wait3A_26] : memref<64000x128xf32, #tpu.memory_space<hbm>> -> memref<400x128xf32, #tpu.memory_space<hbm>>
        tpu.wait_dma2 semaphore(%run_scoped3A : memref<!tpu.dma_semaphore, #tpu.memory_space<semaphore_mem>>) src(%arg6 : memref<400x128xf32, #tpu.memory_space<vmem>>) dst(%dma_wait3A_27 : memref<400x128xf32, #tpu.memory_space<hbm>>)
        tpu.yield
      }) : () -> ()
    }
    %scan3A_6 = arith.constant 5 : i32
    return
  }
}

#map = affine_map<(d0, d1) -> (0, 0)>
#map1 = affine_map<(d0, d1) -> (0)>
module attributes {stable_mosaic.version = 14 : i64} {
  func.func @k(%arg0: i32, %arg1: i32, %arg2: memref<10000x128xf32, #tpu.memory_space<hbm>>, %arg3: memref<320000xi32, #tpu.memory_space<hbm>>, %arg4: memref<64000x128xf32, #tpu.memory_space<hbm>>, %arg5: memref<400xi32, #tpu.memory_space<vmem>>, %arg6: memref<400x128xf32, #tpu.memory_space<vmem>>, %arg7: memref<!tpu.dma_semaphore, #tpu.memory_space<semaphore_mem>>) attributes {dimension_semantics = [#tpu.dimension_semantics<core_parallel>, #tpu.dimension_semantics<subcore_parallel>], iteration_bounds = array<i64: 2, 16>, scalar_prefetch = 0 : i64, scratch_operands = 3 : i64, tpu.core_type = #tpu.core_type<sc_vector_subcore>, window_params = [{transform_indices = #map}, {transform_indices = #map1}, {transform_indices = #map}]} {
    %mul3A = arith.constant 2 : i32
    %mul3A_0 = arith.muli %arg1, %mul3A : i32
    %add3A = arith.addi %mul3A_0, %arg0 : i32
    %mul3A_1 = arith.constant 2000 : i32
    %mul3A_2 = arith.muli %add3A, %mul3A_1 : i32
    %scan3A = arith.constant 0 : i32
    %scan3A_3 = arith.constant 5 : i32
    %scan3A_4 = arith.addi %scan3A, %scan3A_3 : i32
    %scan3A_5 = arith.constant 1 : i32
    scf.for %scan3A_7 = %scan3A to %scan3A_4 step %scan3A_5  : i32 {
      %mul3A_8 = arith.constant 400 : i32
      %mul3A_9 = arith.muli %scan3A_7, %mul3A_8 : i32
      %add3A_10 = arith.constant 0 : i32
      %add3A_11 = arith.addi %add3A_10, %mul3A_9 : i32
      %add3A_12 = arith.constant 0 : i32
      %add3A_13 = arith.addi %add3A_12, %mul3A_2 : i32
      %add3A_14 = arith.addi %add3A_13, %add3A_11 : i32
      "tpu.region"() ({
        %run_scoped3A = tpu.sem_alloc : memref<!tpu.dma_semaphore, #tpu.memory_space<semaphore_mem>>
        %dma_start3A_20 = tpu.memref_slice %arg3[%add3A_14] : memref<320000xi32, #tpu.memory_space<hbm>> -> memref<400xi32, #tpu.memory_space<hbm>>
        %dma_start3A_21 = tpu.memref_slice %arg3[%add3A_14] : memref<320000xi32, #tpu.memory_space<hbm>> -> memref<400xi32, #tpu.memory_space<hbm>>
        tpu.enqueue_dma source(%dma_start3A_21 : memref<400xi32, #tpu.memory_space<hbm>>) target(%arg5 : memref<400xi32, #tpu.memory_space<vmem>>) target_semaphore(%run_scoped3A : memref<!tpu.dma_semaphore, #tpu.memory_space<semaphore_mem>>)
        %dma_wait3A_22 = tpu.memref_slice %arg3[%add3A_14] : memref<320000xi32, #tpu.memory_space<hbm>> -> memref<400xi32, #tpu.memory_space<hbm>>
        %dma_wait3A_23 = tpu.memref_slice %arg3[%add3A_14] : memref<320000xi32, #tpu.memory_space<hbm>> -> memref<400xi32, #tpu.memory_space<hbm>>
        tpu.wait_dma2 semaphore(%run_scoped3A : memref<!tpu.dma_semaphore, #tpu.memory_space<semaphore_mem>>) src(%dma_wait3A_23 : memref<400xi32, #tpu.memory_space<hbm>>) dst(%arg5 : memref<400xi32, #tpu.memory_space<vmem>>)
        tpu.yield
      }) : () -> ()
      %dma_start3A = arith.constant 0 : i32
      %dma_start3A_15 = arith.constant 0 : i32
      %dma_start3A_16 = tpu.memref_slice %arg2[%dma_start3A, %dma_start3A_15] : memref<10000x128xf32, #tpu.memory_space<hbm>> -> memref<10000x128xf32, #tpu.memory_space<hbm>>
      tpu.enqueue_indirect_dma source(%dma_start3A_16 : memref<10000x128xf32, #tpu.memory_space<hbm>>) target(%arg6 : memref<400x128xf32, #tpu.memory_space<vmem>>) offsets(%arg5 : memref<400xi32, #tpu.memory_space<vmem>>) semaphore(%arg7 : memref<!tpu.dma_semaphore, #tpu.memory_space<semaphore_mem>>)
      %dma_wait3A = arith.constant 0 : i32
      %dma_wait3A_17 = arith.constant 0 : i32
      %dma_wait3A_18 = tpu.memref_slice %arg2[%dma_wait3A, %dma_wait3A_17] : memref<10000x128xf32, #tpu.memory_space<hbm>> -> memref<10000x128xf32, #tpu.memory_space<hbm>>
      tpu.wait_indirect_dma semaphore(%arg7 : memref<!tpu.dma_semaphore, #tpu.memory_space<semaphore_mem>>) src(%dma_wait3A_18 : memref<10000x128xf32, #tpu.memory_space<hbm>>) dst(%arg6 : memref<400x128xf32, #tpu.memory_space<vmem>>)
      %add3A_19 = arith.addi %mul3A_2, %add3A_11 : i32
      "tpu.region"() ({
        %run_scoped3A = tpu.sem_alloc : memref<!tpu.dma_semaphore, #tpu.memory_space<semaphore_mem>>
        %dma_start3A_20 = arith.constant 0 : i32
        %dma_start3A_21 = tpu.memref_slice %arg4[%add3A_19, %dma_start3A_20] : memref<64000x128xf32, #tpu.memory_space<hbm>> -> memref<400x128xf32, #tpu.memory_space<hbm>>
        %dma_start3A_22 = arith.constant 0 : i32
        %dma_start3A_23 = tpu.memref_slice %arg4[%add3A_19, %dma_start3A_22] : memref<64000x128xf32, #tpu.memory_space<hbm>> -> memref<400x128xf32, #tpu.memory_space<hbm>>
        tpu.enqueue_dma source(%arg6 : memref<400x128xf32, #tpu.memory_space<vmem>>) target(%dma_start3A_23 : memref<400x128xf32, #tpu.memory_space<hbm>>) target_semaphore(%run_scoped3A : memref<!tpu.dma_semaphore, #tpu.memory_space<semaphore_mem>>)
        %dma_wait3A_24 = arith.constant 0 : i32
        %dma_wait3A_25 = tpu.memref_slice %arg4[%add3A_19, %dma_wait3A_24] : memref<64000x128xf32, #tpu.memory_space<hbm>> -> memref<400x128xf32, #tpu.memory_space<hbm>>
        %dma_wait3A_26 = arith.constant 0 : i32
        %dma_wait3A_27 = tpu.memref_slice %arg4[%add3A_19, %dma_wait3A_26] : memref<64000x128xf32, #tpu.memory_space<hbm>> -> memref<400x128xf32, #tpu.memory_space<hbm>>
        tpu.wait_dma2 semaphore(%run_scoped3A : memref<!tpu.dma_semaphore, #tpu.memory_space<semaphore_mem>>) src(%arg6 : memref<400x128xf32, #tpu.memory_space<vmem>>) dst(%dma_wait3A_27 : memref<400x128xf32, #tpu.memory_space<hbm>>)
        tpu.yield
      }) : () -> ()
    }
    %scan3A_6 = arith.constant 5 : i32
    return
  }
}

module attributes {stable_mosaic.version = 14 : i64} {
  func.func @_edge_body(%arg0: i32, %arg1: memref<2000x128xf32, #tpu.memory_space<vmem>>, %arg2: memref<2000x128xf32, #tpu.memory_space<vmem>>, %arg3: memref<1x1x2000xi32, #tpu.memory_space<vmem>>, %arg4: memref<10128x128xf32, #tpu.memory_space<vmem>>, %arg5: memref<128x128xf32, #tpu.memory_space<vmem>>, %arg6: memref<128x128xf32, #tpu.memory_space<vmem>>, %arg7: memref<1x128xf32, #tpu.memory_space<vmem>>, %arg8: memref<1x128xf32, #tpu.memory_space<vmem>>, %arg9: memref<1x128xf32, #tpu.memory_space<vmem>>, %arg10: memref<1x128xf32, #tpu.memory_space<vmem>>, %arg11: memref<10128x128xf32, #tpu.memory_space<vmem>>) attributes {dimension_semantics = [#tpu.dimension_semantics<arbitrary>], iteration_bounds = array<i64: 32>, scalar_prefetch = 0 : i64, scratch_operands = 0 : i64, tpu.core_type = #tpu.core_type<tc>, window_params = [{transform_indices = @transform_0, window_bounds = array<i64: 2000, 128>}, {transform_indices = @transform_1, window_bounds = array<i64: 2000, 128>}, {transform_indices = @transform_2, window_bounds = array<i64: 1, 1, 2000>}, {pipeline_mode = #tpu.pipeline_mode<synchronous>, transform_indices = @transform_3, window_bounds = array<i64: 10128, 128>}, {pipeline_mode = #tpu.pipeline_mode<synchronous>, transform_indices = @transform_4, window_bounds = array<i64: 128, 128>}, {pipeline_mode = #tpu.pipeline_mode<synchronous>, transform_indices = @transform_5, window_bounds = array<i64: 128, 128>}, {pipeline_mode = #tpu.pipeline_mode<synchronous>, transform_indices = @transform_6, window_bounds = array<i64: 1, 128>}, {pipeline_mode = #tpu.pipeline_mode<synchronous>, transform_indices = @transform_7, window_bounds = array<i64: 1, 128>}, {pipeline_mode = #tpu.pipeline_mode<synchronous>, transform_indices = @transform_8, window_bounds = array<i64: 1, 128>}, {pipeline_mode = #tpu.pipeline_mode<synchronous>, transform_indices = @transform_9, window_bounds = array<i64: 1, 128>}, {pipeline_mode = #tpu.pipeline_mode<synchronous>, transform_indices = @transform_10, window_bounds = array<i64: 10128, 128>}]} {
    %eq3A = arith.constant 0 : i32
    %eq3A_0 = arith.cmpi eq, %arg0, %eq3A : i32
    %convert_element_type3A = arith.extui %eq3A_0 : i1 to i32
    %cond3A = arith.constant 0 : i32
    %cond3A_1 = arith.cmpi ne, %convert_element_type3A, %cond3A : i32
    scf.if %cond3A_1 {
      %broadcast_in_dim3A_142 = arith.constant 0.000000e+00 : f32
      %broadcast_in_dim3A_143 = vector.broadcast %broadcast_in_dim3A_142 : f32 to vector<10128x128xf32>
      %swap3A = arith.constant 0 : index
      %swap3A_144 = arith.constant 0 : index
      %swap3A_145 = vector.load %arg11[%swap3A, %swap3A_144] : memref<10128x128xf32, #tpu.memory_space<vmem>>, vector<10128x128xf32>
      tpu.vector_store %arg11[%swap3A, %swap3A_144], %broadcast_in_dim3A_143 {strides = array<i32>} : memref<10128x128xf32, #tpu.memory_space<vmem>>, vector<10128x128xf32>,
    } else {
    }
    %get3A = arith.constant 0 : index
    %get3A_2 = arith.constant 0 : index
    %get3A_3 = arith.constant 0 : index
    %get3A_4 = vector.load %arg3[%get3A, %get3A_2, %get3A_3] : memref<1x1x2000xi32, #tpu.memory_space<vmem>>, vector<1x1x2000xi32>
    %get3A_5 = vector.shape_cast %get3A_4 : vector<1x1x2000xi32> to vector<1x2000xi32>
    %slice3A = vector.extract_strided_slice %get3A_5 {offsets = [0, 0], sizes = [1, 1], strides = [1, 1]} : vector<1x2000xi32> to vector<1x1xi32>
    %squeeze3A = vector.extract %slice3A[0, 0] : i32 from vector<1x1xi32>
    %jit3A = arith.constant 8 : i32
    %div3A = arith.divsi %squeeze3A, %jit3A : i32
    %sign3A = arith.constant 0 : i32
    %sign3A_6 = arith.cmpi sgt, %squeeze3A, %sign3A : i32
    %sign3A_7 = arith.extui %sign3A_6 : i1 to i32
    %sign3A_8 = arith.constant 0 : i32
    %sign3A_9 = arith.cmpi slt, %squeeze3A, %sign3A_8 : i32
    %sign3A_10 = arith.extui %sign3A_9 : i1 to i32
    %sign3A_11 = arith.subi %sign3A_7, %sign3A_10 : i32
    %sign3A_12 = arith.constant 0 : i32
    %sign3A_13 = arith.cmpi sgt, %jit3A, %sign3A_12 : i32
    %sign3A_14 = arith.extui %sign3A_13 : i1 to i32
    %sign3A_15 = arith.constant 0 : i32
    %sign3A_16 = arith.cmpi slt, %jit3A, %sign3A_15 : i32
    %sign3A_17 = arith.extui %sign3A_16 : i1 to i32
    %sign3A_18 = arith.subi %sign3A_14, %sign3A_17 : i32
    %ne3A = arith.cmpi ne, %sign3A_11, %sign3A_18 : i32
    %rem3A = arith.remsi %squeeze3A, %jit3A : i32
    %ne3A_19 = arith.constant 0 : i32
    %ne3A_20 = arith.cmpi ne, %rem3A, %ne3A_19 : i32
    %and3A = arith.andi %ne3A, %ne3A_20 : i1
    %sub3A = arith.constant 1 : i32
    %sub3A_21 = arith.subi %div3A, %sub3A : i32
    %select_n3A = arith.select %and3A, %sub3A_21, %div3A : i32
    %mul3A = arith.constant 8 : i32
    %mul3A_22 = arith.muli %select_n3A, %mul3A : i32
    %slice3A_23 = vector.extract_strided_slice %get3A_5 {offsets = [0, 1999], sizes = [1, 1], strides = [1, 1]} : vector<1x2000xi32> to vector<1x1xi32>
    %squeeze3A_24 = vector.extract %slice3A_23[0, 0] : i32 from vector<1x1xi32>
    %sub3A_25 = arith.subi %squeeze3A_24, %mul3A_22 : i32
    %jit3A_26 = arith.constant 128 : i32
    %div3A_27 = arith.divsi %sub3A_25, %jit3A_26 : i32
    %sign3A_28 = arith.constant 0 : i32
    %sign3A_29 = arith.cmpi sgt, %sub3A_25, %sign3A_28 : i32
    %sign3A_30 = arith.extui %sign3A_29 : i1 to i32
    %sign3A_31 = arith.constant 0 : i32
    %sign3A_32 = arith.cmpi slt, %sub3A_25, %sign3A_31 : i32
    %sign3A_33 = arith.extui %sign3A_32 : i1 to i32
    %sign3A_34 = arith.subi %sign3A_30, %sign3A_33 : i32
    %sign3A_35 = arith.constant 0 : i32
    %sign3A_36 = arith.cmpi sgt, %jit3A_26, %sign3A_35 : i32
    %sign3A_37 = arith.extui %sign3A_36 : i1 to i32
    %sign3A_38 = arith.constant 0 : i32
    %sign3A_39 = arith.cmpi slt, %jit3A_26, %sign3A_38 : i32
    %sign3A_40 = arith.extui %sign3A_39 : i1 to i32
    %sign3A_41 = arith.subi %sign3A_37, %sign3A_40 : i32
    %ne3A_42 = arith.cmpi ne, %sign3A_34, %sign3A_41 : i32
    %rem3A_43 = arith.remsi %sub3A_25, %jit3A_26 : i32
    %ne3A_44 = arith.constant 0 : i32
    %ne3A_45 = arith.cmpi ne, %rem3A_43, %ne3A_44 : i32
    %and3A_46 = arith.andi %ne3A_42, %ne3A_45 : i1
    %sub3A_47 = arith.constant 1 : i32
    %sub3A_48 = arith.subi %div3A_27, %sub3A_47 : i32
    %select_n3A_49 = arith.select %and3A_46, %sub3A_48, %div3A_27 : i32
    %add3A = arith.constant 1 : i32
    %add3A_50 = arith.addi %select_n3A_49, %add3A : i32
    %iota3A = tpu.iota {dimensions = array<i32: 0>} : vector<128x2000xi32>
    %get3A_51 = arith.constant 0 : index
    %get3A_52 = arith.constant 0 : index
    %get3A_53 = vector.load %arg1[%get3A_51, %get3A_52] : memref<2000x128xf32, #tpu.memory_space<vmem>>, vector<2000x128xf32>
    %get3A_54 = arith.constant 0 : index
    %get3A_55 = arith.constant 0 : index
    %get3A_56 = vector.load %arg5[%get3A_54, %get3A_55] : memref<128x128xf32, #tpu.memory_space<vmem>>, vector<128x128xf32>
    %dot_general3A = arith.constant dense<0.000000e+00> : vector<2000x128xf32>
    %dot_general3A_57 = tpu.matmul %get3A_53, %get3A_56, %dot_general3A {dimension_numbers = #tpu.dot_dimension_numbers<[1], [0], [0], [1], [0, 0, 1, 1], [], []>, transpose_lhs_hint = false} : vector<2000x128xf32>, vector<128x128xf32>, vector<2000x128xf32> -> vector<2000x128xf32>
    %get3A_58 = arith.constant 0 : index
    %get3A_59 = arith.constant 0 : index
    %get3A_60 = vector.load %arg2[%get3A_58, %get3A_59] : memref<2000x128xf32, #tpu.memory_space<vmem>>, vector<2000x128xf32>
    %add3A_61 = arith.addf %dot_general3A_57, %get3A_60 : vector<2000x128xf32>
    %get3A_62 = arith.constant 0 : index
    %get3A_63 = arith.constant 0 : index
    %get3A_64 = vector.load %arg7[%get3A_62, %get3A_63] : memref<1x128xf32, #tpu.memory_space<vmem>>, vector<1x128xf32>
    %add3A_65 = vector.broadcast %get3A_64 : vector<1x128xf32> to vector<2000x128xf32>
    %add3A_66 = arith.addf %add3A_61, %add3A_65 : vector<2000x128xf32>
    %while3A = arith.constant 0 : i32
    %while3A_67 = arith.subi %add3A_50, %while3A : i32
    %while3A_68 = arith.addi %while3A, %while3A_67 : i32
    %while3A_69 = arith.constant 1 : i32
    %while3A_70 = arith.divsi %while3A_67, %while3A_69 : i32
    %while3A_71 = arith.muli %while3A_70, %while3A_69 : i32
    %while3A_72 = arith.addi %while3A, %while3A_71 : i32
    %while3A_73 = arith.constant 1 : i32
    %while3A_74 = scf.for %while3A_142 = %while3A to %while3A_72 step %while3A_73 iter_args(%while3A_143 = %add3A_66) -> (vector<2000x128xf32>)  : i32 {
      %mul3A_144 = arith.constant 128 : i32
      %mul3A_145 = arith.muli %while3A_142, %mul3A_144 : i32
      %add3A_146 = arith.addi %mul3A_22, %mul3A_145 : i32
      %add3A_147 = vector.broadcast %add3A_146 : i32 to vector<128x2000xi32>
      %add3A_148 = arith.addi %iota3A, %add3A_147 : vector<128x2000xi32>
      %eq3A_149 = vector.broadcast %get3A_5 : vector<1x2000xi32> to vector<128x2000xi32>
      %eq3A_150 = arith.cmpi eq, %add3A_148, %eq3A_149 : vector<128x2000xi32>
      %jit3A_151 = arith.constant 1.000000e+00 : f32
      %jit3A_152 = arith.constant 0.000000e+00 : f32
      %broadcast_in_dim3A_153 = vector.broadcast %jit3A_151 : f32 to vector<128x2000xf32>
      %broadcast_in_dim3A_154 = vector.broadcast %jit3A_152 : f32 to vector<128x2000xf32>
      %select_n3A_155 = arith.select %eq3A_150, %broadcast_in_dim3A_153, %broadcast_in_dim3A_154 : vector<128x2000xi1>, vector<128x2000xf32>
      %get3A_156 = arith.index_cast %add3A_146 : i32 to index
      %get3A_157 = arith.constant 0 : index
      %get3A_158 = vector.load %arg4[%get3A_156, %get3A_157] : memref<10128x128xf32, #tpu.memory_space<vmem>>, vector<128x128xf32>
      %dot_general3A_159 = arith.constant dense<0.000000e+00> : vector<2000x128xf32>
      %dot_general3A_160 = tpu.matmul %select_n3A_155, %get3A_158, %dot_general3A_159 {dimension_numbers = #tpu.dot_dimension_numbers<[0], [0], [1], [1], [0, 1, 1, 1], [], []>, transpose_lhs_hint = false} : vector<128x2000xf32>, vector<128x128xf32>, vector<2000x128xf32> -> vector<2000x128xf32>
      %add3A_161 = arith.addf %while3A_143, %dot_general3A_160 : vector<2000x128xf32>
      scf.yield %add3A_161 : vector<2000x128xf32>
    }
    %while3A_75 = arith.constant 1 : i32
    %while3A_76 = scf.for %while3A_142 = %while3A_72 to %while3A_68 step %while3A_75 iter_args(%while3A_143 = %while3A_74) -> (vector<2000x128xf32>)  : i32 {
      %mul3A_144 = arith.constant 128 : i32
      %mul3A_145 = arith.muli %while3A_142, %mul3A_144 : i32
      %add3A_146 = arith.addi %mul3A_22, %mul3A_145 : i32
      %add3A_147 = vector.broadcast %add3A_146 : i32 to vector<128x2000xi32>
      %add3A_148 = arith.addi %iota3A, %add3A_147 : vector<128x2000xi32>
      %eq3A_149 = vector.broadcast %get3A_5 : vector<1x2000xi32> to vector<128x2000xi32>
      %eq3A_150 = arith.cmpi eq, %add3A_148, %eq3A_149 : vector<128x2000xi32>
      %jit3A_151 = arith.constant 1.000000e+00 : f32
      %jit3A_152 = arith.constant 0.000000e+00 : f32
      %broadcast_in_dim3A_153 = vector.broadcast %jit3A_151 : f32 to vector<128x2000xf32>
      %broadcast_in_dim3A_154 = vector.broadcast %jit3A_152 : f32 to vector<128x2000xf32>
      %select_n3A_155 = arith.select %eq3A_150, %broadcast_in_dim3A_153, %broadcast_in_dim3A_154 : vector<128x2000xi1>, vector<128x2000xf32>
      %get3A_156 = arith.index_cast %add3A_146 : i32 to index
      %get3A_157 = arith.constant 0 : index
      %get3A_158 = vector.load %arg4[%get3A_156, %get3A_157] : memref<10128x128xf32, #tpu.memory_space<vmem>>, vector<128x128xf32>
      %dot_general3A_159 = arith.constant dense<0.000000e+00> : vector<2000x128xf32>
      %dot_general3A_160 = tpu.matmul %select_n3A_155, %get3A_158, %dot_general3A_159 {dimension_numbers = #tpu.dot_dimension_numbers<[0], [0], [1], [1], [0, 1, 1, 1], [], []>, transpose_lhs_hint = false} : vector<128x2000xf32>, vector<128x128xf32>, vector<2000x128xf32> -> vector<2000x128xf32>
      %add3A_161 = arith.addf %while3A_143, %dot_general3A_160 : vector<2000x128xf32>
      scf.yield %add3A_161 : vector<2000x128xf32>
    }
    %logistic3A = arith.negf %while3A_76 : vector<2000x128xf32>
    %logistic3A_77 = math.exp %logistic3A : vector<2000x128xf32>
    %logistic3A_78 = arith.constant 1.000000e+00 : f32
    %logistic3A_79 = vector.broadcast %logistic3A_78 : f32 to vector<2000x128xf32>
    %logistic3A_80 = arith.addf %logistic3A_79, %logistic3A_77 : vector<2000x128xf32>
    %logistic3A_81 = arith.divf %logistic3A_79, %logistic3A_80 : vector<2000x128xf32>
    %mul3A_82 = arith.mulf %while3A_76, %logistic3A_81 : vector<2000x128xf32>
    %get3A_83 = arith.constant 0 : index
    %get3A_84 = arith.constant 0 : index
    %get3A_85 = vector.load %arg6[%get3A_83, %get3A_84] : memref<128x128xf32, #tpu.memory_space<vmem>>, vector<128x128xf32>
    %reduce_sum3A = arith.constant dense<0.000000e+00> : vector<128xf32>
    %reduce_sum3A_86 = vector.multi_reduction <add>, %get3A_85, %reduce_sum3A [1] : vector<128x128xf32> to vector<128xf32>
    %broadcast_in_dim3A = vector.shape_cast %reduce_sum3A_86 : vector<128xf32> to vector<128x1xf32>
    %div3A_87 = arith.constant 1.280000e+02 : f32
    %div3A_88 = vector.broadcast %div3A_87 : f32 to vector<128x1xf32>
    %div3A_89 = arith.divf %broadcast_in_dim3A, %div3A_88 : vector<128x1xf32>
    %sub3A_90 = vector.broadcast %div3A_89 : vector<128x1xf32> to vector<128x128xf32>
    %sub3A_91 = arith.subf %get3A_85, %sub3A_90 : vector<128x128xf32>
    %get3A_92 = arith.constant 0 : index
    %get3A_93 = arith.constant 0 : index
    %get3A_94 = vector.load %arg8[%get3A_92, %get3A_93] : memref<1x128xf32, #tpu.memory_space<vmem>>, vector<1x128xf32>
    %dot_general3A_95 = arith.constant dense<0.000000e+00> : vector<2000x128xf32>
    %dot_general3A_96 = tpu.matmul %mul3A_82, %sub3A_91, %dot_general3A_95 {dimension_numbers = #tpu.dot_dimension_numbers<[1], [0], [0], [1], [0, 0, 1, 1], [], []>, transpose_lhs_hint = false} : vector<2000x128xf32>, vector<128x128xf32>, vector<2000x128xf32> -> vector<2000x128xf32>
    %reduce_sum3A_97 = vector.shape_cast %get3A_94 : vector<1x128xf32> to vector<1x1x128xf32>
    %reduce_sum3A_98 = arith.constant dense<0.000000e+00> : vector<1xf32>
    %reduce_sum3A_99 = vector.multi_reduction <add>, %reduce_sum3A_97, %reduce_sum3A_98 [1, 2] : vector<1x1x128xf32> to vector<1xf32>
    %reduce_sum3A_100 = vector.shape_cast %reduce_sum3A_99 : vector<1xf32> to vector<1x1x1xf32>
    %reduce_sum3A_101 = vector.extract %reduce_sum3A_100[0, 0, 0] : f32 from vector<1x1x1xf32>
    %div3A_102 = arith.constant 1.280000e+02 : f32
    %div3A_103 = arith.divf %reduce_sum3A_101, %div3A_102 : f32
    %sub3A_104 = vector.broadcast %div3A_103 : f32 to vector<1x128xf32>
    %sub3A_105 = arith.subf %get3A_94, %sub3A_104 : vector<1x128xf32>
    %add3A_106 = vector.broadcast %sub3A_105 : vector<1x128xf32> to vector<2000x128xf32>
    %add3A_107 = arith.addf %dot_general3A_96, %add3A_106 : vector<2000x128xf32>
    %mul3A_108 = arith.mulf %add3A_107, %add3A_107 : vector<2000x128xf32>
    %reduce_sum3A_109 = arith.constant dense<0.000000e+00> : vector<2000xf32>
    %reduce_sum3A_110 = vector.multi_reduction <add>, %mul3A_108, %reduce_sum3A_109 [1] : vector<2000x128xf32> to vector<2000xf32>
    %broadcast_in_dim3A_111 = vector.shape_cast %reduce_sum3A_110 : vector<2000xf32> to vector<2000x1xf32>
    %div3A_112 = arith.constant 1.280000e+02 : f32
    %div3A_113 = vector.broadcast %div3A_112 : f32 to vector<2000x1xf32>
    %div3A_114 = arith.divf %broadcast_in_dim3A_111, %div3A_113 : vector<2000x1xf32>
    %add3A_115 = arith.constant 9.99999974E-6 : f32
    %add3A_116 = vector.broadcast %add3A_115 : f32 to vector<2000x1xf32>
    %add3A_117 = arith.addf %div3A_114, %add3A_116 : vector<2000x1xf32>
    %rsqrt3A = math.rsqrt %add3A_117 : vector<2000x1xf32>
    %mul3A_118 = vector.broadcast %rsqrt3A : vector<2000x1xf32> to vector<2000x128xf32>
    %mul3A_119 = arith.mulf %add3A_107, %mul3A_118 : vector<2000x128xf32>
    %get3A_120 = arith.constant 0 : index
    %get3A_121 = arith.constant 0 : index
    %get3A_122 = vector.load %arg9[%get3A_120, %get3A_121] : memref<1x128xf32, #tpu.memory_space<vmem>>, vector<1x128xf32>
    %mul3A_123 = vector.broadcast %get3A_122 : vector<1x128xf32> to vector<2000x128xf32>
    %mul3A_124 = arith.mulf %mul3A_119, %mul3A_123 : vector<2000x128xf32>
    %get3A_125 = arith.constant 0 : index
    %get3A_126 = arith.constant 0 : index
    %get3A_127 = vector.load %arg10[%get3A_125, %get3A_126] : memref<1x128xf32, #tpu.memory_space<vmem>>, vector<1x128xf32>
    %add3A_128 = vector.broadcast %get3A_127 : vector<1x128xf32> to vector<2000x128xf32>
    %add3A_129 = arith.addf %mul3A_124, %add3A_128 : vector<2000x128xf32>
    %while3A_130 = arith.constant 0 : i32
    %while3A_131 = arith.constant 0 : i32
    %while3A_132 = arith.subi %add3A_50, %while3A_130 : i32
    %while3A_133 = arith.addi %while3A_130, %while3A_132 : i32
    %while3A_134 = arith.constant 1 : i32
    %while3A_135 = arith.divsi %while3A_132, %while3A_134 : i32
    %while3A_136 = arith.muli %while3A_135, %while3A_134 : i32
    %while3A_137 = arith.addi %while3A_130, %while3A_136 : i32
    %while3A_138 = arith.constant 1 : i32
    %while3A_139 = scf.for %while3A_142 = %while3A_130 to %while3A_137 step %while3A_138 iter_args(%while3A_143 = %while3A_131) -> (i32)  : i32 {
      %mul3A_144 = arith.constant 128 : i32
      %mul3A_145 = arith.muli %while3A_142, %mul3A_144 : i32
      %add3A_146 = arith.addi %mul3A_22, %mul3A_145 : i32
      %add3A_147 = vector.broadcast %add3A_146 : i32 to vector<128x2000xi32>
      %add3A_148 = arith.addi %iota3A, %add3A_147 : vector<128x2000xi32>
      %eq3A_149 = vector.broadcast %get3A_5 : vector<1x2000xi32> to vector<128x2000xi32>
      %eq3A_150 = arith.cmpi eq, %add3A_148, %eq3A_149 : vector<128x2000xi32>
      %jit3A_151 = arith.constant 1.000000e+00 : f32
      %jit3A_152 = arith.constant 0.000000e+00 : f32
      %broadcast_in_dim3A_153 = vector.broadcast %jit3A_151 : f32 to vector<128x2000xf32>
      %broadcast_in_dim3A_154 = vector.broadcast %jit3A_152 : f32 to vector<128x2000xf32>
      %select_n3A_155 = arith.select %eq3A_150, %broadcast_in_dim3A_153, %broadcast_in_dim3A_154 : vector<128x2000xi1>, vector<128x2000xf32>
      %dot_general3A_156 = arith.constant dense<0.000000e+00> : vector<128x128xf32>
      %dot_general3A_157 = tpu.matmul %select_n3A_155, %add3A_129, %dot_general3A_156 {dimension_numbers = #tpu.dot_dimension_numbers<[1], [0], [0], [1], [0, 0, 1, 1], [], []>, transpose_lhs_hint = false} : vector<128x2000xf32>, vector<2000x128xf32>, vector<128x128xf32> -> vector<128x128xf32>
      %get3A_158 = arith.index_cast %add3A_146 : i32 to index
      %get3A_159 = arith.constant 0 : index
      %get3A_160 = vector.load %arg11[%get3A_158, %get3A_159] : memref<10128x128xf32, #tpu.memory_space<vmem>>, vector<128x128xf32>
      %add3A_161 = arith.addf %get3A_160, %dot_general3A_157 : vector<128x128xf32>
      %swap3A = arith.index_cast %add3A_146 : i32 to index
      %swap3A_162 = arith.constant 0 : index
      %swap3A_163 = vector.load %arg11[%swap3A, %swap3A_162] : memref<10128x128xf32, #tpu.memory_space<vmem>>, vector<128x128xf32>
      tpu.vector_store %arg11[%swap3A, %swap3A_162], %add3A_161 {strides = array<i32>} : memref<10128x128xf32, #tpu.memory_space<vmem>>, vector<128x128xf32>,
      %while3A_164 = arith.constant 0 : i32
      scf.yield %while3A_164 : i32
    }
    %while3A_140 = arith.constant 1 : i32
    %while3A_141 = scf.for %while3A_142 = %while3A_137 to %while3A_133 step %while3A_140 iter_args(%while3A_143 = %while3A_139) -> (i32)  : i32 {
      %mul3A_144 = arith.constant 128 : i32
      %mul3A_145 = arith.muli %while3A_142, %mul3A_144 : i32
      %add3A_146 = arith.addi %mul3A_22, %mul3A_145 : i32
      %add3A_147 = vector.broadcast %add3A_146 : i32 to vector<128x2000xi32>
      %add3A_148 = arith.addi %iota3A, %add3A_147 : vector<128x2000xi32>
      %eq3A_149 = vector.broadcast %get3A_5 : vector<1x2000xi32> to vector<128x2000xi32>
      %eq3A_150 = arith.cmpi eq, %add3A_148, %eq3A_149 : vector<128x2000xi32>
      %jit3A_151 = arith.constant 1.000000e+00 : f32
      %jit3A_152 = arith.constant 0.000000e+00 : f32
      %broadcast_in_dim3A_153 = vector.broadcast %jit3A_151 : f32 to vector<128x2000xf32>
      %broadcast_in_dim3A_154 = vector.broadcast %jit3A_152 : f32 to vector<128x2000xf32>
      %select_n3A_155 = arith.select %eq3A_150, %broadcast_in_dim3A_153, %broadcast_in_dim3A_154 : vector<128x2000xi1>, vector<128x2000xf32>
      %dot_general3A_156 = arith.constant dense<0.000000e+00> : vector<128x128xf32>
      %dot_general3A_157 = tpu.matmul %select_n3A_155, %add3A_129, %dot_general3A_156 {dimension_numbers = #tpu.dot_dimension_numbers<[1], [0], [0], [1], [0, 0, 1, 1], [], []>, transpose_lhs_hint = false} : vector<128x2000xf32>, vector<2000x128xf32>, vector<128x128xf32> -> vector<128x128xf32>
      %get3A_158 = arith.index_cast %add3A_146 : i32 to index
      %get3A_159 = arith.constant 0 : index
      %get3A_160 = vector.load %arg11[%get3A_158, %get3A_159] : memref<10128x128xf32, #tpu.memory_space<vmem>>, vector<128x128xf32>
      %add3A_161 = arith.addf %get3A_160, %dot_general3A_157 : vector<128x128xf32>
      %swap3A = arith.index_cast %add3A_146 : i32 to index
      %swap3A_162 = arith.constant 0 : index
      %swap3A_163 = vector.load %arg11[%swap3A, %swap3A_162] : memref<10128x128xf32, #tpu.memory_space<vmem>>, vector<128x128xf32>
      tpu.vector_store %arg11[%swap3A, %swap3A_162], %add3A_161 {strides = array<i32>} : memref<10128x128xf32, #tpu.memory_space<vmem>>, vector<128x128xf32>,
      %while3A_164 = arith.constant 0 : i32
      scf.yield %while3A_164 : i32
    }
    return
  }
  func.func @transform_0(%arg0: i32) -> (i32, i32) {
    %add3A = arith.constant 128 : i32
    %add3A_0 = arith.addi %add3A, %arg0 : i32
    %c0_i32 = arith.constant 0 : i32
    %c0_i32_1 = arith.constant 0 : i32
    return %add3A_0, %c0_i32 : i32, i32
  }
  func.func @transform_1(%arg0: i32) -> (i32, i32) {
    %c0_i32 = arith.constant 0 : i32
    %c0_i32_0 = arith.constant 0 : i32
    return %arg0, %c0_i32 : i32, i32
  }
  func.func @transform_2(%arg0: i32) -> (i32, i32, i32) {
    %add3A = arith.constant 128 : i32
    %add3A_0 = arith.addi %add3A, %arg0 : i32
    %c0_i32 = arith.constant 0 : i32
    %c0_i32_1 = arith.constant 0 : i32
    %c0_i32_2 = arith.constant 0 : i32
    return %add3A_0, %c0_i32, %c0_i32_1 : i32, i32, i32
  }
  func.func @transform_3(%arg0: i32) -> (i32, i32) {
    %c0_i32 = arith.constant 0 : i32
    %c0_i32_0 = arith.constant 0 : i32
    %c0_i32_1 = arith.constant 0 : i32
    return %c0_i32, %c0_i32_0 : i32, i32
  }
  func.func @transform_4(%arg0: i32) -> (i32, i32) {
    %c0_i32 = arith.constant 0 : i32
    %c0_i32_0 = arith.constant 0 : i32
    %c0_i32_1 = arith.constant 0 : i32
    return %c0_i32, %c0_i32_0 : i32, i32
  }
  func.func @transform_5(%arg0: i32) -> (i32, i32) {
    %c0_i32 = arith.constant 0 : i32
    %c0_i32_0 = arith.constant 0 : i32
    %c0_i32_1 = arith.constant 0 : i32
    return %c0_i32, %c0_i32_0 : i32, i32
  }
  func.func @transform_6(%arg0: i32) -> (i32, i32) {
    %c0_i32 = arith.constant 0 : i32
    %c0_i32_0 = arith.constant 0 : i32
    %c0_i32_1 = arith.constant 0 : i32
    return %c0_i32, %c0_i32_0 : i32, i32
  }
  func.func @transform_7(%arg0: i32) -> (i32, i32) {
    %c0_i32 = arith.constant 0 : i32
    %c0_i32_0 = arith.constant 0 : i32
    %c0_i32_1 = arith.constant 0 : i32
    return %c0_i32, %c0_i32_0 : i32, i32
  }
  func.func @transform_8(%arg0: i32) -> (i32, i32) {
    %c0_i32 = arith.constant 0 : i32
    %c0_i32_0 = arith.constant 0 : i32
    %c0_i32_1 = arith.constant 0 : i32
    return %c0_i32, %c0_i32_0 : i32, i32
  }
  func.func @transform_9(%arg0: i32) -> (i32, i32) {
    %c0_i32 = arith.constant 0 : i32
    %c0_i32_0 = arith.constant 0 : i32
    %c0_i32_1 = arith.constant 0 : i32
    return %c0_i32, %c0_i32_0 : i32, i32
  }
  func.func @transform_10(%arg0: i32) -> (i32, i32) {
    %c0_i32 = arith.constant 0 : i32
    %c0_i32_0 = arith.constant 0 : i32
    %c0_i32_1 = arith.constant 0 : i32
    return %c0_i32, %c0_i32_0 : i32, i32
  }
}

module attributes {stable_mosaic.version = 14 : i64} {
  func.func @_proj_body(%arg0: i32, %arg1: memref<2000x128xf32, #tpu.memory_space<vmem>>, %arg2: memref<128x128xf32, #tpu.memory_space<vmem>>, %arg3: memref<2000x128xf32, #tpu.memory_space<vmem>>) attributes {dimension_semantics = [#tpu.dimension_semantics<arbitrary>], iteration_bounds = array<i64: 5>, scalar_prefetch = 0 : i64, scratch_operands = 0 : i64, tpu.core_type = #tpu.core_type<tc>, window_params = [{transform_indices = @transform_0, window_bounds = array<i64: 2000, 128>}, {pipeline_mode = #tpu.pipeline_mode<synchronous>, transform_indices = @transform_1, window_bounds = array<i64: 128, 128>}, {transform_indices = @transform_2, window_bounds = array<i64: 2000, 128>}]} {
    %get3A = arith.constant 0 : index
    %get3A_0 = arith.constant 0 : index
    %get3A_1 = vector.load %arg1[%get3A, %get3A_0] : memref<2000x128xf32, #tpu.memory_space<vmem>>, vector<2000x128xf32>
    %get3A_2 = arith.constant 0 : index
    %get3A_3 = arith.constant 0 : index
    %get3A_4 = vector.load %arg2[%get3A_2, %get3A_3] : memref<128x128xf32, #tpu.memory_space<vmem>>, vector<128x128xf32>
    %dot_general3A = arith.constant dense<0.000000e+00> : vector<2000x128xf32>
    %dot_general3A_5 = tpu.matmul %get3A_1, %get3A_4, %dot_general3A {dimension_numbers = #tpu.dot_dimension_numbers<[1], [0], [0], [1], [0, 0, 1, 1], [], []>, transpose_lhs_hint = false} : vector<2000x128xf32>, vector<128x128xf32>, vector<2000x128xf32> -> vector<2000x128xf32>
    %swap3A = arith.constant 0 : index
    %swap3A_6 = arith.constant 0 : index
    %swap3A_7 = vector.load %arg3[%swap3A, %swap3A_6] : memref<2000x128xf32, #tpu.memory_space<vmem>>, vector<2000x128xf32>
    tpu.vector_store %arg3[%swap3A, %swap3A_6], %dot_general3A_5 {strides = array<i32>} : memref<2000x128xf32, #tpu.memory_space<vmem>>, vector<2000x128xf32>,
    return
  }
  func.func @transform_0(%arg0: i32) -> (i32, i32) {
    %c0_i32 = arith.constant 0 : i32
    %c0_i32_0 = arith.constant 0 : i32
    return %arg0, %c0_i32 : i32, i32
  }
  func.func @transform_1(%arg0: i32) -> (i32, i32) {
    %c0_i32 = arith.constant 0 : i32
    %c0_i32_0 = arith.constant 0 : i32
    %c0_i32_1 = arith.constant 0 : i32
    return %c0_i32, %c0_i32_0 : i32, i32
  }
  func.func @transform_2(%arg0: i32) -> (i32, i32) {
    %c0_i32 = arith.constant 0 : i32
    %c0_i32_0 = arith.constant 0 : i32
    return %arg0, %c0_i32 : i32, i32
  }
}

module attributes {stable_mosaic.version = 14 : i64} {
  func.func @_edge_body(%arg0: i32, %arg1: memref<2000x128xf32, #tpu.memory_space<vmem>>, %arg2: memref<2000x128xf32, #tpu.memory_space<vmem>>, %arg3: memref<1x1x2000xi32, #tpu.memory_space<vmem>>, %arg4: memref<10128x128xf32, #tpu.memory_space<vmem>>, %arg5: memref<128x128xf32, #tpu.memory_space<vmem>>, %arg6: memref<128x128xf32, #tpu.memory_space<vmem>>, %arg7: memref<1x128xf32, #tpu.memory_space<vmem>>, %arg8: memref<1x128xf32, #tpu.memory_space<vmem>>, %arg9: memref<1x128xf32, #tpu.memory_space<vmem>>, %arg10: memref<1x128xf32, #tpu.memory_space<vmem>>, %arg11: memref<10128x128xf32, #tpu.memory_space<vmem>>) attributes {dimension_semantics = [#tpu.dimension_semantics<arbitrary>], iteration_bounds = array<i64: 32>, scalar_prefetch = 0 : i64, scratch_operands = 0 : i64, tpu.core_type = #tpu.core_type<tc>, window_params = [{transform_indices = @transform_0, window_bounds = array<i64: 2000, 128>}, {transform_indices = @transform_1, window_bounds = array<i64: 2000, 128>}, {transform_indices = @transform_2, window_bounds = array<i64: 1, 1, 2000>}, {pipeline_mode = #tpu.pipeline_mode<synchronous>, transform_indices = @transform_3, window_bounds = array<i64: 10128, 128>}, {pipeline_mode = #tpu.pipeline_mode<synchronous>, transform_indices = @transform_4, window_bounds = array<i64: 128, 128>}, {pipeline_mode = #tpu.pipeline_mode<synchronous>, transform_indices = @transform_5, window_bounds = array<i64: 128, 128>}, {pipeline_mode = #tpu.pipeline_mode<synchronous>, transform_indices = @transform_6, window_bounds = array<i64: 1, 128>}, {pipeline_mode = #tpu.pipeline_mode<synchronous>, transform_indices = @transform_7, window_bounds = array<i64: 1, 128>}, {pipeline_mode = #tpu.pipeline_mode<synchronous>, transform_indices = @transform_8, window_bounds = array<i64: 1, 128>}, {pipeline_mode = #tpu.pipeline_mode<synchronous>, transform_indices = @transform_9, window_bounds = array<i64: 1, 128>}, {pipeline_mode = #tpu.pipeline_mode<synchronous>, transform_indices = @transform_10, window_bounds = array<i64: 10128, 128>}]} {
    %eq3A = arith.constant 0 : i32
    %eq3A_0 = arith.cmpi eq, %arg0, %eq3A : i32
    %convert_element_type3A = arith.extui %eq3A_0 : i1 to i32
    %cond3A = arith.constant 0 : i32
    %cond3A_1 = arith.cmpi ne, %convert_element_type3A, %cond3A : i32
    scf.if %cond3A_1 {
      %broadcast_in_dim3A_142 = arith.constant 0.000000e+00 : f32
      %broadcast_in_dim3A_143 = vector.broadcast %broadcast_in_dim3A_142 : f32 to vector<10128x128xf32>
      %swap3A = arith.constant 0 : index
      %swap3A_144 = arith.constant 0 : index
      %swap3A_145 = vector.load %arg11[%swap3A, %swap3A_144] : memref<10128x128xf32, #tpu.memory_space<vmem>>, vector<10128x128xf32>
      tpu.vector_store %arg11[%swap3A, %swap3A_144], %broadcast_in_dim3A_143 {strides = array<i32>} : memref<10128x128xf32, #tpu.memory_space<vmem>>, vector<10128x128xf32>,
    } else {
    }
    %get3A = arith.constant 0 : index
    %get3A_2 = arith.constant 0 : index
    %get3A_3 = arith.constant 0 : index
    %get3A_4 = vector.load %arg3[%get3A, %get3A_2, %get3A_3] : memref<1x1x2000xi32, #tpu.memory_space<vmem>>, vector<1x1x2000xi32>
    %get3A_5 = vector.shape_cast %get3A_4 : vector<1x1x2000xi32> to vector<1x2000xi32>
    %slice3A = vector.extract_strided_slice %get3A_5 {offsets = [0, 0], sizes = [1, 1], strides = [1, 1]} : vector<1x2000xi32> to vector<1x1xi32>
    %squeeze3A = vector.extract %slice3A[0, 0] : i32 from vector<1x1xi32>
    %jit3A = arith.constant 8 : i32
    %div3A = arith.divsi %squeeze3A, %jit3A : i32
    %sign3A = arith.constant 0 : i32
    %sign3A_6 = arith.cmpi sgt, %squeeze3A, %sign3A : i32
    %sign3A_7 = arith.extui %sign3A_6 : i1 to i32
    %sign3A_8 = arith.constant 0 : i32
    %sign3A_9 = arith.cmpi slt, %squeeze3A, %sign3A_8 : i32
    %sign3A_10 = arith.extui %sign3A_9 : i1 to i32
    %sign3A_11 = arith.subi %sign3A_7, %sign3A_10 : i32
    %sign3A_12 = arith.constant 0 : i32
    %sign3A_13 = arith.cmpi sgt, %jit3A, %sign3A_12 : i32
    %sign3A_14 = arith.extui %sign3A_13 : i1 to i32
    %sign3A_15 = arith.constant 0 : i32
    %sign3A_16 = arith.cmpi slt, %jit3A, %sign3A_15 : i32
    %sign3A_17 = arith.extui %sign3A_16 : i1 to i32
    %sign3A_18 = arith.subi %sign3A_14, %sign3A_17 : i32
    %ne3A = arith.cmpi ne, %sign3A_11, %sign3A_18 : i32
    %rem3A = arith.remsi %squeeze3A, %jit3A : i32
    %ne3A_19 = arith.constant 0 : i32
    %ne3A_20 = arith.cmpi ne, %rem3A, %ne3A_19 : i32
    %and3A = arith.andi %ne3A, %ne3A_20 : i1
    %sub3A = arith.constant 1 : i32
    %sub3A_21 = arith.subi %div3A, %sub3A : i32
    %select_n3A = arith.select %and3A, %sub3A_21, %div3A : i32
    %mul3A = arith.constant 8 : i32
    %mul3A_22 = arith.muli %select_n3A, %mul3A : i32
    %slice3A_23 = vector.extract_strided_slice %get3A_5 {offsets = [0, 1999], sizes = [1, 1], strides = [1, 1]} : vector<1x2000xi32> to vector<1x1xi32>
    %squeeze3A_24 = vector.extract %slice3A_23[0, 0] : i32 from vector<1x1xi32>
    %sub3A_25 = arith.subi %squeeze3A_24, %mul3A_22 : i32
    %jit3A_26 = arith.constant 128 : i32
    %div3A_27 = arith.divsi %sub3A_25, %jit3A_26 : i32
    %sign3A_28 = arith.constant 0 : i32
    %sign3A_29 = arith.cmpi sgt, %sub3A_25, %sign3A_28 : i32
    %sign3A_30 = arith.extui %sign3A_29 : i1 to i32
    %sign3A_31 = arith.constant 0 : i32
    %sign3A_32 = arith.cmpi slt, %sub3A_25, %sign3A_31 : i32
    %sign3A_33 = arith.extui %sign3A_32 : i1 to i32
    %sign3A_34 = arith.subi %sign3A_30, %sign3A_33 : i32
    %sign3A_35 = arith.constant 0 : i32
    %sign3A_36 = arith.cmpi sgt, %jit3A_26, %sign3A_35 : i32
    %sign3A_37 = arith.extui %sign3A_36 : i1 to i32
    %sign3A_38 = arith.constant 0 : i32
    %sign3A_39 = arith.cmpi slt, %jit3A_26, %sign3A_38 : i32
    %sign3A_40 = arith.extui %sign3A_39 : i1 to i32
    %sign3A_41 = arith.subi %sign3A_37, %sign3A_40 : i32
    %ne3A_42 = arith.cmpi ne, %sign3A_34, %sign3A_41 : i32
    %rem3A_43 = arith.remsi %sub3A_25, %jit3A_26 : i32
    %ne3A_44 = arith.constant 0 : i32
    %ne3A_45 = arith.cmpi ne, %rem3A_43, %ne3A_44 : i32
    %and3A_46 = arith.andi %ne3A_42, %ne3A_45 : i1
    %sub3A_47 = arith.constant 1 : i32
    %sub3A_48 = arith.subi %div3A_27, %sub3A_47 : i32
    %select_n3A_49 = arith.select %and3A_46, %sub3A_48, %div3A_27 : i32
    %add3A = arith.constant 1 : i32
    %add3A_50 = arith.addi %select_n3A_49, %add3A : i32
    %iota3A = tpu.iota {dimensions = array<i32: 0>} : vector<128x2000xi32>
    %get3A_51 = arith.constant 0 : index
    %get3A_52 = arith.constant 0 : index
    %get3A_53 = vector.load %arg1[%get3A_51, %get3A_52] : memref<2000x128xf32, #tpu.memory_space<vmem>>, vector<2000x128xf32>
    %get3A_54 = arith.constant 0 : index
    %get3A_55 = arith.constant 0 : index
    %get3A_56 = vector.load %arg5[%get3A_54, %get3A_55] : memref<128x128xf32, #tpu.memory_space<vmem>>, vector<128x128xf32>
    %dot_general3A = arith.constant dense<0.000000e+00> : vector<2000x128xf32>
    %dot_general3A_57 = tpu.matmul %get3A_53, %get3A_56, %dot_general3A {dimension_numbers = #tpu.dot_dimension_numbers<[1], [0], [0], [1], [0, 0, 1, 1], [], []>, transpose_lhs_hint = false} : vector<2000x128xf32>, vector<128x128xf32>, vector<2000x128xf32> -> vector<2000x128xf32>
    %get3A_58 = arith.constant 0 : index
    %get3A_59 = arith.constant 0 : index
    %get3A_60 = vector.load %arg2[%get3A_58, %get3A_59] : memref<2000x128xf32, #tpu.memory_space<vmem>>, vector<2000x128xf32>
    %add3A_61 = arith.addf %dot_general3A_57, %get3A_60 : vector<2000x128xf32>
    %get3A_62 = arith.constant 0 : index
    %get3A_63 = arith.constant 0 : index
    %get3A_64 = vector.load %arg7[%get3A_62, %get3A_63] : memref<1x128xf32, #tpu.memory_space<vmem>>, vector<1x128xf32>
    %add3A_65 = vector.broadcast %get3A_64 : vector<1x128xf32> to vector<2000x128xf32>
    %add3A_66 = arith.addf %add3A_61, %add3A_65 : vector<2000x128xf32>
    %while3A = arith.constant 0 : i32
    %while3A_67 = arith.subi %add3A_50, %while3A : i32
    %while3A_68 = arith.addi %while3A, %while3A_67 : i32
    %while3A_69 = arith.constant 1 : i32
    %while3A_70 = arith.divsi %while3A_67, %while3A_69 : i32
    %while3A_71 = arith.muli %while3A_70, %while3A_69 : i32
    %while3A_72 = arith.addi %while3A, %while3A_71 : i32
    %while3A_73 = arith.constant 1 : i32
    %while3A_74 = scf.for %while3A_142 = %while3A to %while3A_72 step %while3A_73 iter_args(%while3A_143 = %add3A_66) -> (vector<2000x128xf32>)  : i32 {
      %mul3A_144 = arith.constant 128 : i32
      %mul3A_145 = arith.muli %while3A_142, %mul3A_144 : i32
      %add3A_146 = arith.addi %mul3A_22, %mul3A_145 : i32
      %add3A_147 = vector.broadcast %add3A_146 : i32 to vector<128x2000xi32>
      %add3A_148 = arith.addi %iota3A, %add3A_147 : vector<128x2000xi32>
      %eq3A_149 = vector.broadcast %get3A_5 : vector<1x2000xi32> to vector<128x2000xi32>
      %eq3A_150 = arith.cmpi eq, %add3A_148, %eq3A_149 : vector<128x2000xi32>
      %jit3A_151 = arith.constant 1.000000e+00 : f32
      %jit3A_152 = arith.constant 0.000000e+00 : f32
      %broadcast_in_dim3A_153 = vector.broadcast %jit3A_151 : f32 to vector<128x2000xf32>
      %broadcast_in_dim3A_154 = vector.broadcast %jit3A_152 : f32 to vector<128x2000xf32>
      %select_n3A_155 = arith.select %eq3A_150, %broadcast_in_dim3A_153, %broadcast_in_dim3A_154 : vector<128x2000xi1>, vector<128x2000xf32>
      %get3A_156 = arith.index_cast %add3A_146 : i32 to index
      %get3A_157 = arith.constant 0 : index
      %get3A_158 = vector.load %arg4[%get3A_156, %get3A_157] : memref<10128x128xf32, #tpu.memory_space<vmem>>, vector<128x128xf32>
      %dot_general3A_159 = arith.constant dense<0.000000e+00> : vector<2000x128xf32>
      %dot_general3A_160 = tpu.matmul %select_n3A_155, %get3A_158, %dot_general3A_159 {dimension_numbers = #tpu.dot_dimension_numbers<[0], [0], [1], [1], [0, 1, 1, 1], [], []>, transpose_lhs_hint = false} : vector<128x2000xf32>, vector<128x128xf32>, vector<2000x128xf32> -> vector<2000x128xf32>
      %add3A_161 = arith.addf %while3A_143, %dot_general3A_160 : vector<2000x128xf32>
      scf.yield %add3A_161 : vector<2000x128xf32>
    }
    %while3A_75 = arith.constant 1 : i32
    %while3A_76 = scf.for %while3A_142 = %while3A_72 to %while3A_68 step %while3A_75 iter_args(%while3A_143 = %while3A_74) -> (vector<2000x128xf32>)  : i32 {
      %mul3A_144 = arith.constant 128 : i32
      %mul3A_145 = arith.muli %while3A_142, %mul3A_144 : i32
      %add3A_146 = arith.addi %mul3A_22, %mul3A_145 : i32
      %add3A_147 = vector.broadcast %add3A_146 : i32 to vector<128x2000xi32>
      %add3A_148 = arith.addi %iota3A, %add3A_147 : vector<128x2000xi32>
      %eq3A_149 = vector.broadcast %get3A_5 : vector<1x2000xi32> to vector<128x2000xi32>
      %eq3A_150 = arith.cmpi eq, %add3A_148, %eq3A_149 : vector<128x2000xi32>
      %jit3A_151 = arith.constant 1.000000e+00 : f32
      %jit3A_152 = arith.constant 0.000000e+00 : f32
      %broadcast_in_dim3A_153 = vector.broadcast %jit3A_151 : f32 to vector<128x2000xf32>
      %broadcast_in_dim3A_154 = vector.broadcast %jit3A_152 : f32 to vector<128x2000xf32>
      %select_n3A_155 = arith.select %eq3A_150, %broadcast_in_dim3A_153, %broadcast_in_dim3A_154 : vector<128x2000xi1>, vector<128x2000xf32>
      %get3A_156 = arith.index_cast %add3A_146 : i32 to index
      %get3A_157 = arith.constant 0 : index
      %get3A_158 = vector.load %arg4[%get3A_156, %get3A_157] : memref<10128x128xf32, #tpu.memory_space<vmem>>, vector<128x128xf32>
      %dot_general3A_159 = arith.constant dense<0.000000e+00> : vector<2000x128xf32>
      %dot_general3A_160 = tpu.matmul %select_n3A_155, %get3A_158, %dot_general3A_159 {dimension_numbers = #tpu.dot_dimension_numbers<[0], [0], [1], [1], [0, 1, 1, 1], [], []>, transpose_lhs_hint = false} : vector<128x2000xf32>, vector<128x128xf32>, vector<2000x128xf32> -> vector<2000x128xf32>
      %add3A_161 = arith.addf %while3A_143, %dot_general3A_160 : vector<2000x128xf32>
      scf.yield %add3A_161 : vector<2000x128xf32>
    }
    %logistic3A = arith.negf %while3A_76 : vector<2000x128xf32>
    %logistic3A_77 = math.exp %logistic3A : vector<2000x128xf32>
    %logistic3A_78 = arith.constant 1.000000e+00 : f32
    %logistic3A_79 = vector.broadcast %logistic3A_78 : f32 to vector<2000x128xf32>
    %logistic3A_80 = arith.addf %logistic3A_79, %logistic3A_77 : vector<2000x128xf32>
    %logistic3A_81 = arith.divf %logistic3A_79, %logistic3A_80 : vector<2000x128xf32>
    %mul3A_82 = arith.mulf %while3A_76, %logistic3A_81 : vector<2000x128xf32>
    %get3A_83 = arith.constant 0 : index
    %get3A_84 = arith.constant 0 : index
    %get3A_85 = vector.load %arg6[%get3A_83, %get3A_84] : memref<128x128xf32, #tpu.memory_space<vmem>>, vector<128x128xf32>
    %reduce_sum3A = arith.constant dense<0.000000e+00> : vector<128xf32>
    %reduce_sum3A_86 = vector.multi_reduction <add>, %get3A_85, %reduce_sum3A [1] : vector<128x128xf32> to vector<128xf32>
    %broadcast_in_dim3A = vector.shape_cast %reduce_sum3A_86 : vector<128xf32> to vector<128x1xf32>
    %div3A_87 = arith.constant 1.280000e+02 : f32
    %div3A_88 = vector.broadcast %div3A_87 : f32 to vector<128x1xf32>
    %div3A_89 = arith.divf %broadcast_in_dim3A, %div3A_88 : vector<128x1xf32>
    %sub3A_90 = vector.broadcast %div3A_89 : vector<128x1xf32> to vector<128x128xf32>
    %sub3A_91 = arith.subf %get3A_85, %sub3A_90 : vector<128x128xf32>
    %get3A_92 = arith.constant 0 : index
    %get3A_93 = arith.constant 0 : index
    %get3A_94 = vector.load %arg8[%get3A_92, %get3A_93] : memref<1x128xf32, #tpu.memory_space<vmem>>, vector<1x128xf32>
    %dot_general3A_95 = arith.constant dense<0.000000e+00> : vector<2000x128xf32>
    %dot_general3A_96 = tpu.matmul %mul3A_82, %sub3A_91, %dot_general3A_95 {dimension_numbers = #tpu.dot_dimension_numbers<[1], [0], [0], [1], [0, 0, 1, 1], [], []>, transpose_lhs_hint = false} : vector<2000x128xf32>, vector<128x128xf32>, vector<2000x128xf32> -> vector<2000x128xf32>
    %reduce_sum3A_97 = vector.shape_cast %get3A_94 : vector<1x128xf32> to vector<1x1x128xf32>
    %reduce_sum3A_98 = arith.constant dense<0.000000e+00> : vector<1xf32>
    %reduce_sum3A_99 = vector.multi_reduction <add>, %reduce_sum3A_97, %reduce_sum3A_98 [1, 2] : vector<1x1x128xf32> to vector<1xf32>
    %reduce_sum3A_100 = vector.shape_cast %reduce_sum3A_99 : vector<1xf32> to vector<1x1x1xf32>
    %reduce_sum3A_101 = vector.extract %reduce_sum3A_100[0, 0, 0] : f32 from vector<1x1x1xf32>
    %div3A_102 = arith.constant 1.280000e+02 : f32
    %div3A_103 = arith.divf %reduce_sum3A_101, %div3A_102 : f32
    %sub3A_104 = vector.broadcast %div3A_103 : f32 to vector<1x128xf32>
    %sub3A_105 = arith.subf %get3A_94, %sub3A_104 : vector<1x128xf32>
    %add3A_106 = vector.broadcast %sub3A_105 : vector<1x128xf32> to vector<2000x128xf32>
    %add3A_107 = arith.addf %dot_general3A_96, %add3A_106 : vector<2000x128xf32>
    %mul3A_108 = arith.mulf %add3A_107, %add3A_107 : vector<2000x128xf32>
    %reduce_sum3A_109 = arith.constant dense<0.000000e+00> : vector<2000xf32>
    %reduce_sum3A_110 = vector.multi_reduction <add>, %mul3A_108, %reduce_sum3A_109 [1] : vector<2000x128xf32> to vector<2000xf32>
    %broadcast_in_dim3A_111 = vector.shape_cast %reduce_sum3A_110 : vector<2000xf32> to vector<2000x1xf32>
    %div3A_112 = arith.constant 1.280000e+02 : f32
    %div3A_113 = vector.broadcast %div3A_112 : f32 to vector<2000x1xf32>
    %div3A_114 = arith.divf %broadcast_in_dim3A_111, %div3A_113 : vector<2000x1xf32>
    %add3A_115 = arith.constant 9.99999974E-6 : f32
    %add3A_116 = vector.broadcast %add3A_115 : f32 to vector<2000x1xf32>
    %add3A_117 = arith.addf %div3A_114, %add3A_116 : vector<2000x1xf32>
    %rsqrt3A = math.rsqrt %add3A_117 : vector<2000x1xf32>
    %mul3A_118 = vector.broadcast %rsqrt3A : vector<2000x1xf32> to vector<2000x128xf32>
    %mul3A_119 = arith.mulf %add3A_107, %mul3A_118 : vector<2000x128xf32>
    %get3A_120 = arith.constant 0 : index
    %get3A_121 = arith.constant 0 : index
    %get3A_122 = vector.load %arg9[%get3A_120, %get3A_121] : memref<1x128xf32, #tpu.memory_space<vmem>>, vector<1x128xf32>
    %mul3A_123 = vector.broadcast %get3A_122 : vector<1x128xf32> to vector<2000x128xf32>
    %mul3A_124 = arith.mulf %mul3A_119, %mul3A_123 : vector<2000x128xf32>
    %get3A_125 = arith.constant 0 : index
    %get3A_126 = arith.constant 0 : index
    %get3A_127 = vector.load %arg10[%get3A_125, %get3A_126] : memref<1x128xf32, #tpu.memory_space<vmem>>, vector<1x128xf32>
    %add3A_128 = vector.broadcast %get3A_127 : vector<1x128xf32> to vector<2000x128xf32>
    %add3A_129 = arith.addf %mul3A_124, %add3A_128 : vector<2000x128xf32>
    %while3A_130 = arith.constant 0 : i32
    %while3A_131 = arith.constant 0 : i32
    %while3A_132 = arith.subi %add3A_50, %while3A_130 : i32
    %while3A_133 = arith.addi %while3A_130, %while3A_132 : i32
    %while3A_134 = arith.constant 1 : i32
    %while3A_135 = arith.divsi %while3A_132, %while3A_134 : i32
    %while3A_136 = arith.muli %while3A_135, %while3A_134 : i32
    %while3A_137 = arith.addi %while3A_130, %while3A_136 : i32
    %while3A_138 = arith.constant 1 : i32
    %while3A_139 = scf.for %while3A_142 = %while3A_130 to %while3A_137 step %while3A_138 iter_args(%while3A_143 = %while3A_131) -> (i32)  : i32 {
      %mul3A_144 = arith.constant 128 : i32
      %mul3A_145 = arith.muli %while3A_142, %mul3A_144 : i32
      %add3A_146 = arith.addi %mul3A_22, %mul3A_145 : i32
      %add3A_147 = vector.broadcast %add3A_146 : i32 to vector<128x2000xi32>
      %add3A_148 = arith.addi %iota3A, %add3A_147 : vector<128x2000xi32>
      %eq3A_149 = vector.broadcast %get3A_5 : vector<1x2000xi32> to vector<128x2000xi32>
      %eq3A_150 = arith.cmpi eq, %add3A_148, %eq3A_149 : vector<128x2000xi32>
      %jit3A_151 = arith.constant 1.000000e+00 : f32
      %jit3A_152 = arith.constant 0.000000e+00 : f32
      %broadcast_in_dim3A_153 = vector.broadcast %jit3A_151 : f32 to vector<128x2000xf32>
      %broadcast_in_dim3A_154 = vector.broadcast %jit3A_152 : f32 to vector<128x2000xf32>
      %select_n3A_155 = arith.select %eq3A_150, %broadcast_in_dim3A_153, %broadcast_in_dim3A_154 : vector<128x2000xi1>, vector<128x2000xf32>
      %dot_general3A_156 = arith.constant dense<0.000000e+00> : vector<128x128xf32>
      %dot_general3A_157 = tpu.matmul %select_n3A_155, %add3A_129, %dot_general3A_156 {dimension_numbers = #tpu.dot_dimension_numbers<[1], [0], [0], [1], [0, 0, 1, 1], [], []>, transpose_lhs_hint = false} : vector<128x2000xf32>, vector<2000x128xf32>, vector<128x128xf32> -> vector<128x128xf32>
      %get3A_158 = arith.index_cast %add3A_146 : i32 to index
      %get3A_159 = arith.constant 0 : index
      %get3A_160 = vector.load %arg11[%get3A_158, %get3A_159] : memref<10128x128xf32, #tpu.memory_space<vmem>>, vector<128x128xf32>
      %add3A_161 = arith.addf %get3A_160, %dot_general3A_157 : vector<128x128xf32>
      %swap3A = arith.index_cast %add3A_146 : i32 to index
      %swap3A_162 = arith.constant 0 : index
      %swap3A_163 = vector.load %arg11[%swap3A, %swap3A_162] : memref<10128x128xf32, #tpu.memory_space<vmem>>, vector<128x128xf32>
      tpu.vector_store %arg11[%swap3A, %swap3A_162], %add3A_161 {strides = array<i32>} : memref<10128x128xf32, #tpu.memory_space<vmem>>, vector<128x128xf32>,
      %while3A_164 = arith.constant 0 : i32
      scf.yield %while3A_164 : i32
    }
    %while3A_140 = arith.constant 1 : i32
    %while3A_141 = scf.for %while3A_142 = %while3A_137 to %while3A_133 step %while3A_140 iter_args(%while3A_143 = %while3A_139) -> (i32)  : i32 {
      %mul3A_144 = arith.constant 128 : i32
      %mul3A_145 = arith.muli %while3A_142, %mul3A_144 : i32
      %add3A_146 = arith.addi %mul3A_22, %mul3A_145 : i32
      %add3A_147 = vector.broadcast %add3A_146 : i32 to vector<128x2000xi32>
      %add3A_148 = arith.addi %iota3A, %add3A_147 : vector<128x2000xi32>
      %eq3A_149 = vector.broadcast %get3A_5 : vector<1x2000xi32> to vector<128x2000xi32>
      %eq3A_150 = arith.cmpi eq, %add3A_148, %eq3A_149 : vector<128x2000xi32>
      %jit3A_151 = arith.constant 1.000000e+00 : f32
      %jit3A_152 = arith.constant 0.000000e+00 : f32
      %broadcast_in_dim3A_153 = vector.broadcast %jit3A_151 : f32 to vector<128x2000xf32>
      %broadcast_in_dim3A_154 = vector.broadcast %jit3A_152 : f32 to vector<128x2000xf32>
      %select_n3A_155 = arith.select %eq3A_150, %broadcast_in_dim3A_153, %broadcast_in_dim3A_154 : vector<128x2000xi1>, vector<128x2000xf32>
      %dot_general3A_156 = arith.constant dense<0.000000e+00> : vector<128x128xf32>
      %dot_general3A_157 = tpu.matmul %select_n3A_155, %add3A_129, %dot_general3A_156 {dimension_numbers = #tpu.dot_dimension_numbers<[1], [0], [0], [1], [0, 0, 1, 1], [], []>, transpose_lhs_hint = false} : vector<128x2000xf32>, vector<2000x128xf32>, vector<128x128xf32> -> vector<128x128xf32>
      %get3A_158 = arith.index_cast %add3A_146 : i32 to index
      %get3A_159 = arith.constant 0 : index
      %get3A_160 = vector.load %arg11[%get3A_158, %get3A_159] : memref<10128x128xf32, #tpu.memory_space<vmem>>, vector<128x128xf32>
      %add3A_161 = arith.addf %get3A_160, %dot_general3A_157 : vector<128x128xf32>
      %swap3A = arith.index_cast %add3A_146 : i32 to index
      %swap3A_162 = arith.constant 0 : index
      %swap3A_163 = vector.load %arg11[%swap3A, %swap3A_162] : memref<10128x128xf32, #tpu.memory_space<vmem>>, vector<128x128xf32>
      tpu.vector_store %arg11[%swap3A, %swap3A_162], %add3A_161 {strides = array<i32>} : memref<10128x128xf32, #tpu.memory_space<vmem>>, vector<128x128xf32>,
      %while3A_164 = arith.constant 0 : i32
      scf.yield %while3A_164 : i32
    }
    return
  }
  func.func @transform_0(%arg0: i32) -> (i32, i32) {
    %add3A = arith.constant 96 : i32
    %add3A_0 = arith.addi %add3A, %arg0 : i32
    %c0_i32 = arith.constant 0 : i32
    %c0_i32_1 = arith.constant 0 : i32
    return %add3A_0, %c0_i32 : i32, i32
  }
  func.func @transform_1(%arg0: i32) -> (i32, i32) {
    %c0_i32 = arith.constant 0 : i32
    %c0_i32_0 = arith.constant 0 : i32
    return %arg0, %c0_i32 : i32, i32
  }
  func.func @transform_2(%arg0: i32) -> (i32, i32, i32) {
    %add3A = arith.constant 96 : i32
    %add3A_0 = arith.addi %add3A, %arg0 : i32
    %c0_i32 = arith.constant 0 : i32
    %c0_i32_1 = arith.constant 0 : i32
    %c0_i32_2 = arith.constant 0 : i32
    return %add3A_0, %c0_i32, %c0_i32_1 : i32, i32, i32
  }
  func.func @transform_3(%arg0: i32) -> (i32, i32) {
    %c0_i32 = arith.constant 0 : i32
    %c0_i32_0 = arith.constant 0 : i32
    %c0_i32_1 = arith.constant 0 : i32
    return %c0_i32, %c0_i32_0 : i32, i32
  }
  func.func @transform_4(%arg0: i32) -> (i32, i32) {
    %c0_i32 = arith.constant 0 : i32
    %c0_i32_0 = arith.constant 0 : i32
    %c0_i32_1 = arith.constant 0 : i32
    return %c0_i32, %c0_i32_0 : i32, i32
  }
  func.func @transform_5(%arg0: i32) -> (i32, i32) {
    %c0_i32 = arith.constant 0 : i32
    %c0_i32_0 = arith.constant 0 : i32
    %c0_i32_1 = arith.constant 0 : i32
    return %c0_i32, %c0_i32_0 : i32, i32
  }
  func.func @transform_6(%arg0: i32) -> (i32, i32) {
    %c0_i32 = arith.constant 0 : i32
    %c0_i32_0 = arith.constant 0 : i32
    %c0_i32_1 = arith.constant 0 : i32
    return %c0_i32, %c0_i32_0 : i32, i32
  }
  func.func @transform_7(%arg0: i32) -> (i32, i32) {
    %c0_i32 = arith.constant 0 : i32
    %c0_i32_0 = arith.constant 0 : i32
    %c0_i32_1 = arith.constant 0 : i32
    return %c0_i32, %c0_i32_0 : i32, i32
  }
  func.func @transform_8(%arg0: i32) -> (i32, i32) {
    %c0_i32 = arith.constant 0 : i32
    %c0_i32_0 = arith.constant 0 : i32
    %c0_i32_1 = arith.constant 0 : i32
    return %c0_i32, %c0_i32_0 : i32, i32
  }
  func.func @transform_9(%arg0: i32) -> (i32, i32) {
    %c0_i32 = arith.constant 0 : i32
    %c0_i32_0 = arith.constant 0 : i32
    %c0_i32_1 = arith.constant 0 : i32
    return %c0_i32, %c0_i32_0 : i32, i32
  }
  func.func @transform_10(%arg0: i32) -> (i32, i32) {
    %c0_i32 = arith.constant 0 : i32
    %c0_i32_0 = arith.constant 0 : i32
    %c0_i32_1 = arith.constant 0 : i32
    return %c0_i32, %c0_i32_0 : i32, i32
  }
}

module attributes {stable_mosaic.version = 14 : i64} {
  func.func @_edge_body(%arg0: i32, %arg1: memref<2000x128xf32, #tpu.memory_space<vmem>>, %arg2: memref<2000x128xf32, #tpu.memory_space<vmem>>, %arg3: memref<1x1x2000xi32, #tpu.memory_space<vmem>>, %arg4: memref<10128x128xf32, #tpu.memory_space<vmem>>, %arg5: memref<128x128xf32, #tpu.memory_space<vmem>>, %arg6: memref<128x128xf32, #tpu.memory_space<vmem>>, %arg7: memref<1x128xf32, #tpu.memory_space<vmem>>, %arg8: memref<1x128xf32, #tpu.memory_space<vmem>>, %arg9: memref<1x128xf32, #tpu.memory_space<vmem>>, %arg10: memref<1x128xf32, #tpu.memory_space<vmem>>, %arg11: memref<10128x128xf32, #tpu.memory_space<vmem>>) attributes {dimension_semantics = [#tpu.dimension_semantics<arbitrary>], iteration_bounds = array<i64: 32>, scalar_prefetch = 0 : i64, scratch_operands = 0 : i64, tpu.core_type = #tpu.core_type<tc>, window_params = [{transform_indices = @transform_0, window_bounds = array<i64: 2000, 128>}, {transform_indices = @transform_1, window_bounds = array<i64: 2000, 128>}, {transform_indices = @transform_2, window_bounds = array<i64: 1, 1, 2000>}, {pipeline_mode = #tpu.pipeline_mode<synchronous>, transform_indices = @transform_3, window_bounds = array<i64: 10128, 128>}, {pipeline_mode = #tpu.pipeline_mode<synchronous>, transform_indices = @transform_4, window_bounds = array<i64: 128, 128>}, {pipeline_mode = #tpu.pipeline_mode<synchronous>, transform_indices = @transform_5, window_bounds = array<i64: 128, 128>}, {pipeline_mode = #tpu.pipeline_mode<synchronous>, transform_indices = @transform_6, window_bounds = array<i64: 1, 128>}, {pipeline_mode = #tpu.pipeline_mode<synchronous>, transform_indices = @transform_7, window_bounds = array<i64: 1, 128>}, {pipeline_mode = #tpu.pipeline_mode<synchronous>, transform_indices = @transform_8, window_bounds = array<i64: 1, 128>}, {pipeline_mode = #tpu.pipeline_mode<synchronous>, transform_indices = @transform_9, window_bounds = array<i64: 1, 128>}, {pipeline_mode = #tpu.pipeline_mode<synchronous>, transform_indices = @transform_10, window_bounds = array<i64: 10128, 128>}]} {
    %eq3A = arith.constant 0 : i32
    %eq3A_0 = arith.cmpi eq, %arg0, %eq3A : i32
    %convert_element_type3A = arith.extui %eq3A_0 : i1 to i32
    %cond3A = arith.constant 0 : i32
    %cond3A_1 = arith.cmpi ne, %convert_element_type3A, %cond3A : i32
    scf.if %cond3A_1 {
      %broadcast_in_dim3A_142 = arith.constant 0.000000e+00 : f32
      %broadcast_in_dim3A_143 = vector.broadcast %broadcast_in_dim3A_142 : f32 to vector<10128x128xf32>
      %swap3A = arith.constant 0 : index
      %swap3A_144 = arith.constant 0 : index
      %swap3A_145 = vector.load %arg11[%swap3A, %swap3A_144] : memref<10128x128xf32, #tpu.memory_space<vmem>>, vector<10128x128xf32>
      tpu.vector_store %arg11[%swap3A, %swap3A_144], %broadcast_in_dim3A_143 {strides = array<i32>} : memref<10128x128xf32, #tpu.memory_space<vmem>>, vector<10128x128xf32>,
    } else {
    }
    %get3A = arith.constant 0 : index
    %get3A_2 = arith.constant 0 : index
    %get3A_3 = arith.constant 0 : index
    %get3A_4 = vector.load %arg3[%get3A, %get3A_2, %get3A_3] : memref<1x1x2000xi32, #tpu.memory_space<vmem>>, vector<1x1x2000xi32>
    %get3A_5 = vector.shape_cast %get3A_4 : vector<1x1x2000xi32> to vector<1x2000xi32>
    %slice3A = vector.extract_strided_slice %get3A_5 {offsets = [0, 0], sizes = [1, 1], strides = [1, 1]} : vector<1x2000xi32> to vector<1x1xi32>
    %squeeze3A = vector.extract %slice3A[0, 0] : i32 from vector<1x1xi32>
    %jit3A = arith.constant 8 : i32
    %div3A = arith.divsi %squeeze3A, %jit3A : i32
    %sign3A = arith.constant 0 : i32
    %sign3A_6 = arith.cmpi sgt, %squeeze3A, %sign3A : i32
    %sign3A_7 = arith.extui %sign3A_6 : i1 to i32
    %sign3A_8 = arith.constant 0 : i32
    %sign3A_9 = arith.cmpi slt, %squeeze3A, %sign3A_8 : i32
    %sign3A_10 = arith.extui %sign3A_9 : i1 to i32
    %sign3A_11 = arith.subi %sign3A_7, %sign3A_10 : i32
    %sign3A_12 = arith.constant 0 : i32
    %sign3A_13 = arith.cmpi sgt, %jit3A, %sign3A_12 : i32
    %sign3A_14 = arith.extui %sign3A_13 : i1 to i32
    %sign3A_15 = arith.constant 0 : i32
    %sign3A_16 = arith.cmpi slt, %jit3A, %sign3A_15 : i32
    %sign3A_17 = arith.extui %sign3A_16 : i1 to i32
    %sign3A_18 = arith.subi %sign3A_14, %sign3A_17 : i32
    %ne3A = arith.cmpi ne, %sign3A_11, %sign3A_18 : i32
    %rem3A = arith.remsi %squeeze3A, %jit3A : i32
    %ne3A_19 = arith.constant 0 : i32
    %ne3A_20 = arith.cmpi ne, %rem3A, %ne3A_19 : i32
    %and3A = arith.andi %ne3A, %ne3A_20 : i1
    %sub3A = arith.constant 1 : i32
    %sub3A_21 = arith.subi %div3A, %sub3A : i32
    %select_n3A = arith.select %and3A, %sub3A_21, %div3A : i32
    %mul3A = arith.constant 8 : i32
    %mul3A_22 = arith.muli %select_n3A, %mul3A : i32
    %slice3A_23 = vector.extract_strided_slice %get3A_5 {offsets = [0, 1999], sizes = [1, 1], strides = [1, 1]} : vector<1x2000xi32> to vector<1x1xi32>
    %squeeze3A_24 = vector.extract %slice3A_23[0, 0] : i32 from vector<1x1xi32>
    %sub3A_25 = arith.subi %squeeze3A_24, %mul3A_22 : i32
    %jit3A_26 = arith.constant 128 : i32
    %div3A_27 = arith.divsi %sub3A_25, %jit3A_26 : i32
    %sign3A_28 = arith.constant 0 : i32
    %sign3A_29 = arith.cmpi sgt, %sub3A_25, %sign3A_28 : i32
    %sign3A_30 = arith.extui %sign3A_29 : i1 to i32
    %sign3A_31 = arith.constant 0 : i32
    %sign3A_32 = arith.cmpi slt, %sub3A_25, %sign3A_31 : i32
    %sign3A_33 = arith.extui %sign3A_32 : i1 to i32
    %sign3A_34 = arith.subi %sign3A_30, %sign3A_33 : i32
    %sign3A_35 = arith.constant 0 : i32
    %sign3A_36 = arith.cmpi sgt, %jit3A_26, %sign3A_35 : i32
    %sign3A_37 = arith.extui %sign3A_36 : i1 to i32
    %sign3A_38 = arith.constant 0 : i32
    %sign3A_39 = arith.cmpi slt, %jit3A_26, %sign3A_38 : i32
    %sign3A_40 = arith.extui %sign3A_39 : i1 to i32
    %sign3A_41 = arith.subi %sign3A_37, %sign3A_40 : i32
    %ne3A_42 = arith.cmpi ne, %sign3A_34, %sign3A_41 : i32
    %rem3A_43 = arith.remsi %sub3A_25, %jit3A_26 : i32
    %ne3A_44 = arith.constant 0 : i32
    %ne3A_45 = arith.cmpi ne, %rem3A_43, %ne3A_44 : i32
    %and3A_46 = arith.andi %ne3A_42, %ne3A_45 : i1
    %sub3A_47 = arith.constant 1 : i32
    %sub3A_48 = arith.subi %div3A_27, %sub3A_47 : i32
    %select_n3A_49 = arith.select %and3A_46, %sub3A_48, %div3A_27 : i32
    %add3A = arith.constant 1 : i32
    %add3A_50 = arith.addi %select_n3A_49, %add3A : i32
    %iota3A = tpu.iota {dimensions = array<i32: 0>} : vector<128x2000xi32>
    %get3A_51 = arith.constant 0 : index
    %get3A_52 = arith.constant 0 : index
    %get3A_53 = vector.load %arg1[%get3A_51, %get3A_52] : memref<2000x128xf32, #tpu.memory_space<vmem>>, vector<2000x128xf32>
    %get3A_54 = arith.constant 0 : index
    %get3A_55 = arith.constant 0 : index
    %get3A_56 = vector.load %arg5[%get3A_54, %get3A_55] : memref<128x128xf32, #tpu.memory_space<vmem>>, vector<128x128xf32>
    %dot_general3A = arith.constant dense<0.000000e+00> : vector<2000x128xf32>
    %dot_general3A_57 = tpu.matmul %get3A_53, %get3A_56, %dot_general3A {dimension_numbers = #tpu.dot_dimension_numbers<[1], [0], [0], [1], [0, 0, 1, 1], [], []>, transpose_lhs_hint = false} : vector<2000x128xf32>, vector<128x128xf32>, vector<2000x128xf32> -> vector<2000x128xf32>
    %get3A_58 = arith.constant 0 : index
    %get3A_59 = arith.constant 0 : index
    %get3A_60 = vector.load %arg2[%get3A_58, %get3A_59] : memref<2000x128xf32, #tpu.memory_space<vmem>>, vector<2000x128xf32>
    %add3A_61 = arith.addf %dot_general3A_57, %get3A_60 : vector<2000x128xf32>
    %get3A_62 = arith.constant 0 : index
    %get3A_63 = arith.constant 0 : index
    %get3A_64 = vector.load %arg7[%get3A_62, %get3A_63] : memref<1x128xf32, #tpu.memory_space<vmem>>, vector<1x128xf32>
    %add3A_65 = vector.broadcast %get3A_64 : vector<1x128xf32> to vector<2000x128xf32>
    %add3A_66 = arith.addf %add3A_61, %add3A_65 : vector<2000x128xf32>
    %while3A = arith.constant 0 : i32
    %while3A_67 = arith.subi %add3A_50, %while3A : i32
    %while3A_68 = arith.addi %while3A, %while3A_67 : i32
    %while3A_69 = arith.constant 1 : i32
    %while3A_70 = arith.divsi %while3A_67, %while3A_69 : i32
    %while3A_71 = arith.muli %while3A_70, %while3A_69 : i32
    %while3A_72 = arith.addi %while3A, %while3A_71 : i32
    %while3A_73 = arith.constant 1 : i32
    %while3A_74 = scf.for %while3A_142 = %while3A to %while3A_72 step %while3A_73 iter_args(%while3A_143 = %add3A_66) -> (vector<2000x128xf32>)  : i32 {
      %mul3A_144 = arith.constant 128 : i32
      %mul3A_145 = arith.muli %while3A_142, %mul3A_144 : i32
      %add3A_146 = arith.addi %mul3A_22, %mul3A_145 : i32
      %add3A_147 = vector.broadcast %add3A_146 : i32 to vector<128x2000xi32>
      %add3A_148 = arith.addi %iota3A, %add3A_147 : vector<128x2000xi32>
      %eq3A_149 = vector.broadcast %get3A_5 : vector<1x2000xi32> to vector<128x2000xi32>
      %eq3A_150 = arith.cmpi eq, %add3A_148, %eq3A_149 : vector<128x2000xi32>
      %jit3A_151 = arith.constant 1.000000e+00 : f32
      %jit3A_152 = arith.constant 0.000000e+00 : f32
      %broadcast_in_dim3A_153 = vector.broadcast %jit3A_151 : f32 to vector<128x2000xf32>
      %broadcast_in_dim3A_154 = vector.broadcast %jit3A_152 : f32 to vector<128x2000xf32>
      %select_n3A_155 = arith.select %eq3A_150, %broadcast_in_dim3A_153, %broadcast_in_dim3A_154 : vector<128x2000xi1>, vector<128x2000xf32>
      %get3A_156 = arith.index_cast %add3A_146 : i32 to index
      %get3A_157 = arith.constant 0 : index
      %get3A_158 = vector.load %arg4[%get3A_156, %get3A_157] : memref<10128x128xf32, #tpu.memory_space<vmem>>, vector<128x128xf32>
      %dot_general3A_159 = arith.constant dense<0.000000e+00> : vector<2000x128xf32>
      %dot_general3A_160 = tpu.matmul %select_n3A_155, %get3A_158, %dot_general3A_159 {dimension_numbers = #tpu.dot_dimension_numbers<[0], [0], [1], [1], [0, 1, 1, 1], [], []>, transpose_lhs_hint = false} : vector<128x2000xf32>, vector<128x128xf32>, vector<2000x128xf32> -> vector<2000x128xf32>
      %add3A_161 = arith.addf %while3A_143, %dot_general3A_160 : vector<2000x128xf32>
      scf.yield %add3A_161 : vector<2000x128xf32>
    }
    %while3A_75 = arith.constant 1 : i32
    %while3A_76 = scf.for %while3A_142 = %while3A_72 to %while3A_68 step %while3A_75 iter_args(%while3A_143 = %while3A_74) -> (vector<2000x128xf32>)  : i32 {
      %mul3A_144 = arith.constant 128 : i32
      %mul3A_145 = arith.muli %while3A_142, %mul3A_144 : i32
      %add3A_146 = arith.addi %mul3A_22, %mul3A_145 : i32
      %add3A_147 = vector.broadcast %add3A_146 : i32 to vector<128x2000xi32>
      %add3A_148 = arith.addi %iota3A, %add3A_147 : vector<128x2000xi32>
      %eq3A_149 = vector.broadcast %get3A_5 : vector<1x2000xi32> to vector<128x2000xi32>
      %eq3A_150 = arith.cmpi eq, %add3A_148, %eq3A_149 : vector<128x2000xi32>
      %jit3A_151 = arith.constant 1.000000e+00 : f32
      %jit3A_152 = arith.constant 0.000000e+00 : f32
      %broadcast_in_dim3A_153 = vector.broadcast %jit3A_151 : f32 to vector<128x2000xf32>
      %broadcast_in_dim3A_154 = vector.broadcast %jit3A_152 : f32 to vector<128x2000xf32>
      %select_n3A_155 = arith.select %eq3A_150, %broadcast_in_dim3A_153, %broadcast_in_dim3A_154 : vector<128x2000xi1>, vector<128x2000xf32>
      %get3A_156 = arith.index_cast %add3A_146 : i32 to index
      %get3A_157 = arith.constant 0 : index
      %get3A_158 = vector.load %arg4[%get3A_156, %get3A_157] : memref<10128x128xf32, #tpu.memory_space<vmem>>, vector<128x128xf32>
      %dot_general3A_159 = arith.constant dense<0.000000e+00> : vector<2000x128xf32>
      %dot_general3A_160 = tpu.matmul %select_n3A_155, %get3A_158, %dot_general3A_159 {dimension_numbers = #tpu.dot_dimension_numbers<[0], [0], [1], [1], [0, 1, 1, 1], [], []>, transpose_lhs_hint = false} : vector<128x2000xf32>, vector<128x128xf32>, vector<2000x128xf32> -> vector<2000x128xf32>
      %add3A_161 = arith.addf %while3A_143, %dot_general3A_160 : vector<2000x128xf32>
      scf.yield %add3A_161 : vector<2000x128xf32>
    }
    %logistic3A = arith.negf %while3A_76 : vector<2000x128xf32>
    %logistic3A_77 = math.exp %logistic3A : vector<2000x128xf32>
    %logistic3A_78 = arith.constant 1.000000e+00 : f32
    %logistic3A_79 = vector.broadcast %logistic3A_78 : f32 to vector<2000x128xf32>
    %logistic3A_80 = arith.addf %logistic3A_79, %logistic3A_77 : vector<2000x128xf32>
    %logistic3A_81 = arith.divf %logistic3A_79, %logistic3A_80 : vector<2000x128xf32>
    %mul3A_82 = arith.mulf %while3A_76, %logistic3A_81 : vector<2000x128xf32>
    %get3A_83 = arith.constant 0 : index
    %get3A_84 = arith.constant 0 : index
    %get3A_85 = vector.load %arg6[%get3A_83, %get3A_84] : memref<128x128xf32, #tpu.memory_space<vmem>>, vector<128x128xf32>
    %reduce_sum3A = arith.constant dense<0.000000e+00> : vector<128xf32>
    %reduce_sum3A_86 = vector.multi_reduction <add>, %get3A_85, %reduce_sum3A [1] : vector<128x128xf32> to vector<128xf32>
    %broadcast_in_dim3A = vector.shape_cast %reduce_sum3A_86 : vector<128xf32> to vector<128x1xf32>
    %div3A_87 = arith.constant 1.280000e+02 : f32
    %div3A_88 = vector.broadcast %div3A_87 : f32 to vector<128x1xf32>
    %div3A_89 = arith.divf %broadcast_in_dim3A, %div3A_88 : vector<128x1xf32>
    %sub3A_90 = vector.broadcast %div3A_89 : vector<128x1xf32> to vector<128x128xf32>
    %sub3A_91 = arith.subf %get3A_85, %sub3A_90 : vector<128x128xf32>
    %get3A_92 = arith.constant 0 : index
    %get3A_93 = arith.constant 0 : index
    %get3A_94 = vector.load %arg8[%get3A_92, %get3A_93] : memref<1x128xf32, #tpu.memory_space<vmem>>, vector<1x128xf32>
    %dot_general3A_95 = arith.constant dense<0.000000e+00> : vector<2000x128xf32>
    %dot_general3A_96 = tpu.matmul %mul3A_82, %sub3A_91, %dot_general3A_95 {dimension_numbers = #tpu.dot_dimension_numbers<[1], [0], [0], [1], [0, 0, 1, 1], [], []>, transpose_lhs_hint = false} : vector<2000x128xf32>, vector<128x128xf32>, vector<2000x128xf32> -> vector<2000x128xf32>
    %reduce_sum3A_97 = vector.shape_cast %get3A_94 : vector<1x128xf32> to vector<1x1x128xf32>
    %reduce_sum3A_98 = arith.constant dense<0.000000e+00> : vector<1xf32>
    %reduce_sum3A_99 = vector.multi_reduction <add>, %reduce_sum3A_97, %reduce_sum3A_98 [1, 2] : vector<1x1x128xf32> to vector<1xf32>
    %reduce_sum3A_100 = vector.shape_cast %reduce_sum3A_99 : vector<1xf32> to vector<1x1x1xf32>
    %reduce_sum3A_101 = vector.extract %reduce_sum3A_100[0, 0, 0] : f32 from vector<1x1x1xf32>
    %div3A_102 = arith.constant 1.280000e+02 : f32
    %div3A_103 = arith.divf %reduce_sum3A_101, %div3A_102 : f32
    %sub3A_104 = vector.broadcast %div3A_103 : f32 to vector<1x128xf32>
    %sub3A_105 = arith.subf %get3A_94, %sub3A_104 : vector<1x128xf32>
    %add3A_106 = vector.broadcast %sub3A_105 : vector<1x128xf32> to vector<2000x128xf32>
    %add3A_107 = arith.addf %dot_general3A_96, %add3A_106 : vector<2000x128xf32>
    %mul3A_108 = arith.mulf %add3A_107, %add3A_107 : vector<2000x128xf32>
    %reduce_sum3A_109 = arith.constant dense<0.000000e+00> : vector<2000xf32>
    %reduce_sum3A_110 = vector.multi_reduction <add>, %mul3A_108, %reduce_sum3A_109 [1] : vector<2000x128xf32> to vector<2000xf32>
    %broadcast_in_dim3A_111 = vector.shape_cast %reduce_sum3A_110 : vector<2000xf32> to vector<2000x1xf32>
    %div3A_112 = arith.constant 1.280000e+02 : f32
    %div3A_113 = vector.broadcast %div3A_112 : f32 to vector<2000x1xf32>
    %div3A_114 = arith.divf %broadcast_in_dim3A_111, %div3A_113 : vector<2000x1xf32>
    %add3A_115 = arith.constant 9.99999974E-6 : f32
    %add3A_116 = vector.broadcast %add3A_115 : f32 to vector<2000x1xf32>
    %add3A_117 = arith.addf %div3A_114, %add3A_116 : vector<2000x1xf32>
    %rsqrt3A = math.rsqrt %add3A_117 : vector<2000x1xf32>
    %mul3A_118 = vector.broadcast %rsqrt3A : vector<2000x1xf32> to vector<2000x128xf32>
    %mul3A_119 = arith.mulf %add3A_107, %mul3A_118 : vector<2000x128xf32>
    %get3A_120 = arith.constant 0 : index
    %get3A_121 = arith.constant 0 : index
    %get3A_122 = vector.load %arg9[%get3A_120, %get3A_121] : memref<1x128xf32, #tpu.memory_space<vmem>>, vector<1x128xf32>
    %mul3A_123 = vector.broadcast %get3A_122 : vector<1x128xf32> to vector<2000x128xf32>
    %mul3A_124 = arith.mulf %mul3A_119, %mul3A_123 : vector<2000x128xf32>
    %get3A_125 = arith.constant 0 : index
    %get3A_126 = arith.constant 0 : index
    %get3A_127 = vector.load %arg10[%get3A_125, %get3A_126] : memref<1x128xf32, #tpu.memory_space<vmem>>, vector<1x128xf32>
    %add3A_128 = vector.broadcast %get3A_127 : vector<1x128xf32> to vector<2000x128xf32>
    %add3A_129 = arith.addf %mul3A_124, %add3A_128 : vector<2000x128xf32>
    %while3A_130 = arith.constant 0 : i32
    %while3A_131 = arith.constant 0 : i32
    %while3A_132 = arith.subi %add3A_50, %while3A_130 : i32
    %while3A_133 = arith.addi %while3A_130, %while3A_132 : i32
    %while3A_134 = arith.constant 1 : i32
    %while3A_135 = arith.divsi %while3A_132, %while3A_134 : i32
    %while3A_136 = arith.muli %while3A_135, %while3A_134 : i32
    %while3A_137 = arith.addi %while3A_130, %while3A_136 : i32
    %while3A_138 = arith.constant 1 : i32
    %while3A_139 = scf.for %while3A_142 = %while3A_130 to %while3A_137 step %while3A_138 iter_args(%while3A_143 = %while3A_131) -> (i32)  : i32 {
      %mul3A_144 = arith.constant 128 : i32
      %mul3A_145 = arith.muli %while3A_142, %mul3A_144 : i32
      %add3A_146 = arith.addi %mul3A_22, %mul3A_145 : i32
      %add3A_147 = vector.broadcast %add3A_146 : i32 to vector<128x2000xi32>
      %add3A_148 = arith.addi %iota3A, %add3A_147 : vector<128x2000xi32>
      %eq3A_149 = vector.broadcast %get3A_5 : vector<1x2000xi32> to vector<128x2000xi32>
      %eq3A_150 = arith.cmpi eq, %add3A_148, %eq3A_149 : vector<128x2000xi32>
      %jit3A_151 = arith.constant 1.000000e+00 : f32
      %jit3A_152 = arith.constant 0.000000e+00 : f32
      %broadcast_in_dim3A_153 = vector.broadcast %jit3A_151 : f32 to vector<128x2000xf32>
      %broadcast_in_dim3A_154 = vector.broadcast %jit3A_152 : f32 to vector<128x2000xf32>
      %select_n3A_155 = arith.select %eq3A_150, %broadcast_in_dim3A_153, %broadcast_in_dim3A_154 : vector<128x2000xi1>, vector<128x2000xf32>
      %dot_general3A_156 = arith.constant dense<0.000000e+00> : vector<128x128xf32>
      %dot_general3A_157 = tpu.matmul %select_n3A_155, %add3A_129, %dot_general3A_156 {dimension_numbers = #tpu.dot_dimension_numbers<[1], [0], [0], [1], [0, 0, 1, 1], [], []>, transpose_lhs_hint = false} : vector<128x2000xf32>, vector<2000x128xf32>, vector<128x128xf32> -> vector<128x128xf32>
      %get3A_158 = arith.index_cast %add3A_146 : i32 to index
      %get3A_159 = arith.constant 0 : index
      %get3A_160 = vector.load %arg11[%get3A_158, %get3A_159] : memref<10128x128xf32, #tpu.memory_space<vmem>>, vector<128x128xf32>
      %add3A_161 = arith.addf %get3A_160, %dot_general3A_157 : vector<128x128xf32>
      %swap3A = arith.index_cast %add3A_146 : i32 to index
      %swap3A_162 = arith.constant 0 : index
      %swap3A_163 = vector.load %arg11[%swap3A, %swap3A_162] : memref<10128x128xf32, #tpu.memory_space<vmem>>, vector<128x128xf32>
      tpu.vector_store %arg11[%swap3A, %swap3A_162], %add3A_161 {strides = array<i32>} : memref<10128x128xf32, #tpu.memory_space<vmem>>, vector<128x128xf32>,
      %while3A_164 = arith.constant 0 : i32
      scf.yield %while3A_164 : i32
    }
    %while3A_140 = arith.constant 1 : i32
    %while3A_141 = scf.for %while3A_142 = %while3A_137 to %while3A_133 step %while3A_140 iter_args(%while3A_143 = %while3A_139) -> (i32)  : i32 {
      %mul3A_144 = arith.constant 128 : i32
      %mul3A_145 = arith.muli %while3A_142, %mul3A_144 : i32
      %add3A_146 = arith.addi %mul3A_22, %mul3A_145 : i32
      %add3A_147 = vector.broadcast %add3A_146 : i32 to vector<128x2000xi32>
      %add3A_148 = arith.addi %iota3A, %add3A_147 : vector<128x2000xi32>
      %eq3A_149 = vector.broadcast %get3A_5 : vector<1x2000xi32> to vector<128x2000xi32>
      %eq3A_150 = arith.cmpi eq, %add3A_148, %eq3A_149 : vector<128x2000xi32>
      %jit3A_151 = arith.constant 1.000000e+00 : f32
      %jit3A_152 = arith.constant 0.000000e+00 : f32
      %broadcast_in_dim3A_153 = vector.broadcast %jit3A_151 : f32 to vector<128x2000xf32>
      %broadcast_in_dim3A_154 = vector.broadcast %jit3A_152 : f32 to vector<128x2000xf32>
      %select_n3A_155 = arith.select %eq3A_150, %broadcast_in_dim3A_153, %broadcast_in_dim3A_154 : vector<128x2000xi1>, vector<128x2000xf32>
      %dot_general3A_156 = arith.constant dense<0.000000e+00> : vector<128x128xf32>
      %dot_general3A_157 = tpu.matmul %select_n3A_155, %add3A_129, %dot_general3A_156 {dimension_numbers = #tpu.dot_dimension_numbers<[1], [0], [0], [1], [0, 0, 1, 1], [], []>, transpose_lhs_hint = false} : vector<128x2000xf32>, vector<2000x128xf32>, vector<128x128xf32> -> vector<128x128xf32>
      %get3A_158 = arith.index_cast %add3A_146 : i32 to index
      %get3A_159 = arith.constant 0 : index
      %get3A_160 = vector.load %arg11[%get3A_158, %get3A_159] : memref<10128x128xf32, #tpu.memory_space<vmem>>, vector<128x128xf32>
      %add3A_161 = arith.addf %get3A_160, %dot_general3A_157 : vector<128x128xf32>
      %swap3A = arith.index_cast %add3A_146 : i32 to index
      %swap3A_162 = arith.constant 0 : index
      %swap3A_163 = vector.load %arg11[%swap3A, %swap3A_162] : memref<10128x128xf32, #tpu.memory_space<vmem>>, vector<128x128xf32>
      tpu.vector_store %arg11[%swap3A, %swap3A_162], %add3A_161 {strides = array<i32>} : memref<10128x128xf32, #tpu.memory_space<vmem>>, vector<128x128xf32>,
      %while3A_164 = arith.constant 0 : i32
      scf.yield %while3A_164 : i32
    }
    return
  }
  func.func @transform_0(%arg0: i32) -> (i32, i32) {
    %add3A = arith.constant 64 : i32
    %add3A_0 = arith.addi %add3A, %arg0 : i32
    %c0_i32 = arith.constant 0 : i32
    %c0_i32_1 = arith.constant 0 : i32
    return %add3A_0, %c0_i32 : i32, i32
  }
  func.func @transform_1(%arg0: i32) -> (i32, i32) {
    %c0_i32 = arith.constant 0 : i32
    %c0_i32_0 = arith.constant 0 : i32
    return %arg0, %c0_i32 : i32, i32
  }
  func.func @transform_2(%arg0: i32) -> (i32, i32, i32) {
    %add3A = arith.constant 64 : i32
    %add3A_0 = arith.addi %add3A, %arg0 : i32
    %c0_i32 = arith.constant 0 : i32
    %c0_i32_1 = arith.constant 0 : i32
    %c0_i32_2 = arith.constant 0 : i32
    return %add3A_0, %c0_i32, %c0_i32_1 : i32, i32, i32
  }
  func.func @transform_3(%arg0: i32) -> (i32, i32) {
    %c0_i32 = arith.constant 0 : i32
    %c0_i32_0 = arith.constant 0 : i32
    %c0_i32_1 = arith.constant 0 : i32
    return %c0_i32, %c0_i32_0 : i32, i32
  }
  func.func @transform_4(%arg0: i32) -> (i32, i32) {
    %c0_i32 = arith.constant 0 : i32
    %c0_i32_0 = arith.constant 0 : i32
    %c0_i32_1 = arith.constant 0 : i32
    return %c0_i32, %c0_i32_0 : i32, i32
  }
  func.func @transform_5(%arg0: i32) -> (i32, i32) {
    %c0_i32 = arith.constant 0 : i32
    %c0_i32_0 = arith.constant 0 : i32
    %c0_i32_1 = arith.constant 0 : i32
    return %c0_i32, %c0_i32_0 : i32, i32
  }
  func.func @transform_6(%arg0: i32) -> (i32, i32) {
    %c0_i32 = arith.constant 0 : i32
    %c0_i32_0 = arith.constant 0 : i32
    %c0_i32_1 = arith.constant 0 : i32
    return %c0_i32, %c0_i32_0 : i32, i32
  }
  func.func @transform_7(%arg0: i32) -> (i32, i32) {
    %c0_i32 = arith.constant 0 : i32
    %c0_i32_0 = arith.constant 0 : i32
    %c0_i32_1 = arith.constant 0 : i32
    return %c0_i32, %c0_i32_0 : i32, i32
  }
  func.func @transform_8(%arg0: i32) -> (i32, i32) {
    %c0_i32 = arith.constant 0 : i32
    %c0_i32_0 = arith.constant 0 : i32
    %c0_i32_1 = arith.constant 0 : i32
    return %c0_i32, %c0_i32_0 : i32, i32
  }
  func.func @transform_9(%arg0: i32) -> (i32, i32) {
    %c0_i32 = arith.constant 0 : i32
    %c0_i32_0 = arith.constant 0 : i32
    %c0_i32_1 = arith.constant 0 : i32
    return %c0_i32, %c0_i32_0 : i32, i32
  }
  func.func @transform_10(%arg0: i32) -> (i32, i32) {
    %c0_i32 = arith.constant 0 : i32
    %c0_i32_0 = arith.constant 0 : i32
    %c0_i32_1 = arith.constant 0 : i32
    return %c0_i32, %c0_i32_0 : i32, i32
  }
}

module attributes {stable_mosaic.version = 14 : i64} {
  func.func @_edge_body(%arg0: i32, %arg1: memref<2000x128xf32, #tpu.memory_space<vmem>>, %arg2: memref<2000x128xf32, #tpu.memory_space<vmem>>, %arg3: memref<1x1x2000xi32, #tpu.memory_space<vmem>>, %arg4: memref<10128x128xf32, #tpu.memory_space<vmem>>, %arg5: memref<128x128xf32, #tpu.memory_space<vmem>>, %arg6: memref<128x128xf32, #tpu.memory_space<vmem>>, %arg7: memref<1x128xf32, #tpu.memory_space<vmem>>, %arg8: memref<1x128xf32, #tpu.memory_space<vmem>>, %arg9: memref<1x128xf32, #tpu.memory_space<vmem>>, %arg10: memref<1x128xf32, #tpu.memory_space<vmem>>, %arg11: memref<10128x128xf32, #tpu.memory_space<vmem>>) attributes {dimension_semantics = [#tpu.dimension_semantics<arbitrary>], iteration_bounds = array<i64: 32>, scalar_prefetch = 0 : i64, scratch_operands = 0 : i64, tpu.core_type = #tpu.core_type<tc>, window_params = [{transform_indices = @transform_0, window_bounds = array<i64: 2000, 128>}, {transform_indices = @transform_1, window_bounds = array<i64: 2000, 128>}, {transform_indices = @transform_2, window_bounds = array<i64: 1, 1, 2000>}, {pipeline_mode = #tpu.pipeline_mode<synchronous>, transform_indices = @transform_3, window_bounds = array<i64: 10128, 128>}, {pipeline_mode = #tpu.pipeline_mode<synchronous>, transform_indices = @transform_4, window_bounds = array<i64: 128, 128>}, {pipeline_mode = #tpu.pipeline_mode<synchronous>, transform_indices = @transform_5, window_bounds = array<i64: 128, 128>}, {pipeline_mode = #tpu.pipeline_mode<synchronous>, transform_indices = @transform_6, window_bounds = array<i64: 1, 128>}, {pipeline_mode = #tpu.pipeline_mode<synchronous>, transform_indices = @transform_7, window_bounds = array<i64: 1, 128>}, {pipeline_mode = #tpu.pipeline_mode<synchronous>, transform_indices = @transform_8, window_bounds = array<i64: 1, 128>}, {pipeline_mode = #tpu.pipeline_mode<synchronous>, transform_indices = @transform_9, window_bounds = array<i64: 1, 128>}, {pipeline_mode = #tpu.pipeline_mode<synchronous>, transform_indices = @transform_10, window_bounds = array<i64: 10128, 128>}]} {
    %eq3A = arith.constant 0 : i32
    %eq3A_0 = arith.cmpi eq, %arg0, %eq3A : i32
    %convert_element_type3A = arith.extui %eq3A_0 : i1 to i32
    %cond3A = arith.constant 0 : i32
    %cond3A_1 = arith.cmpi ne, %convert_element_type3A, %cond3A : i32
    scf.if %cond3A_1 {
      %broadcast_in_dim3A_142 = arith.constant 0.000000e+00 : f32
      %broadcast_in_dim3A_143 = vector.broadcast %broadcast_in_dim3A_142 : f32 to vector<10128x128xf32>
      %swap3A = arith.constant 0 : index
      %swap3A_144 = arith.constant 0 : index
      %swap3A_145 = vector.load %arg11[%swap3A, %swap3A_144] : memref<10128x128xf32, #tpu.memory_space<vmem>>, vector<10128x128xf32>
      tpu.vector_store %arg11[%swap3A, %swap3A_144], %broadcast_in_dim3A_143 {strides = array<i32>} : memref<10128x128xf32, #tpu.memory_space<vmem>>, vector<10128x128xf32>,
    } else {
    }
    %get3A = arith.constant 0 : index
    %get3A_2 = arith.constant 0 : index
    %get3A_3 = arith.constant 0 : index
    %get3A_4 = vector.load %arg3[%get3A, %get3A_2, %get3A_3] : memref<1x1x2000xi32, #tpu.memory_space<vmem>>, vector<1x1x2000xi32>
    %get3A_5 = vector.shape_cast %get3A_4 : vector<1x1x2000xi32> to vector<1x2000xi32>
    %slice3A = vector.extract_strided_slice %get3A_5 {offsets = [0, 0], sizes = [1, 1], strides = [1, 1]} : vector<1x2000xi32> to vector<1x1xi32>
    %squeeze3A = vector.extract %slice3A[0, 0] : i32 from vector<1x1xi32>
    %jit3A = arith.constant 8 : i32
    %div3A = arith.divsi %squeeze3A, %jit3A : i32
    %sign3A = arith.constant 0 : i32
    %sign3A_6 = arith.cmpi sgt, %squeeze3A, %sign3A : i32
    %sign3A_7 = arith.extui %sign3A_6 : i1 to i32
    %sign3A_8 = arith.constant 0 : i32
    %sign3A_9 = arith.cmpi slt, %squeeze3A, %sign3A_8 : i32
    %sign3A_10 = arith.extui %sign3A_9 : i1 to i32
    %sign3A_11 = arith.subi %sign3A_7, %sign3A_10 : i32
    %sign3A_12 = arith.constant 0 : i32
    %sign3A_13 = arith.cmpi sgt, %jit3A, %sign3A_12 : i32
    %sign3A_14 = arith.extui %sign3A_13 : i1 to i32
    %sign3A_15 = arith.constant 0 : i32
    %sign3A_16 = arith.cmpi slt, %jit3A, %sign3A_15 : i32
    %sign3A_17 = arith.extui %sign3A_16 : i1 to i32
    %sign3A_18 = arith.subi %sign3A_14, %sign3A_17 : i32
    %ne3A = arith.cmpi ne, %sign3A_11, %sign3A_18 : i32
    %rem3A = arith.remsi %squeeze3A, %jit3A : i32
    %ne3A_19 = arith.constant 0 : i32
    %ne3A_20 = arith.cmpi ne, %rem3A, %ne3A_19 : i32
    %and3A = arith.andi %ne3A, %ne3A_20 : i1
    %sub3A = arith.constant 1 : i32
    %sub3A_21 = arith.subi %div3A, %sub3A : i32
    %select_n3A = arith.select %and3A, %sub3A_21, %div3A : i32
    %mul3A = arith.constant 8 : i32
    %mul3A_22 = arith.muli %select_n3A, %mul3A : i32
    %slice3A_23 = vector.extract_strided_slice %get3A_5 {offsets = [0, 1999], sizes = [1, 1], strides = [1, 1]} : vector<1x2000xi32> to vector<1x1xi32>
    %squeeze3A_24 = vector.extract %slice3A_23[0, 0] : i32 from vector<1x1xi32>
    %sub3A_25 = arith.subi %squeeze3A_24, %mul3A_22 : i32
    %jit3A_26 = arith.constant 128 : i32
    %div3A_27 = arith.divsi %sub3A_25, %jit3A_26 : i32
    %sign3A_28 = arith.constant 0 : i32
    %sign3A_29 = arith.cmpi sgt, %sub3A_25, %sign3A_28 : i32
    %sign3A_30 = arith.extui %sign3A_29 : i1 to i32
    %sign3A_31 = arith.constant 0 : i32
    %sign3A_32 = arith.cmpi slt, %sub3A_25, %sign3A_31 : i32
    %sign3A_33 = arith.extui %sign3A_32 : i1 to i32
    %sign3A_34 = arith.subi %sign3A_30, %sign3A_33 : i32
    %sign3A_35 = arith.constant 0 : i32
    %sign3A_36 = arith.cmpi sgt, %jit3A_26, %sign3A_35 : i32
    %sign3A_37 = arith.extui %sign3A_36 : i1 to i32
    %sign3A_38 = arith.constant 0 : i32
    %sign3A_39 = arith.cmpi slt, %jit3A_26, %sign3A_38 : i32
    %sign3A_40 = arith.extui %sign3A_39 : i1 to i32
    %sign3A_41 = arith.subi %sign3A_37, %sign3A_40 : i32
    %ne3A_42 = arith.cmpi ne, %sign3A_34, %sign3A_41 : i32
    %rem3A_43 = arith.remsi %sub3A_25, %jit3A_26 : i32
    %ne3A_44 = arith.constant 0 : i32
    %ne3A_45 = arith.cmpi ne, %rem3A_43, %ne3A_44 : i32
    %and3A_46 = arith.andi %ne3A_42, %ne3A_45 : i1
    %sub3A_47 = arith.constant 1 : i32
    %sub3A_48 = arith.subi %div3A_27, %sub3A_47 : i32
    %select_n3A_49 = arith.select %and3A_46, %sub3A_48, %div3A_27 : i32
    %add3A = arith.constant 1 : i32
    %add3A_50 = arith.addi %select_n3A_49, %add3A : i32
    %iota3A = tpu.iota {dimensions = array<i32: 0>} : vector<128x2000xi32>
    %get3A_51 = arith.constant 0 : index
    %get3A_52 = arith.constant 0 : index
    %get3A_53 = vector.load %arg1[%get3A_51, %get3A_52] : memref<2000x128xf32, #tpu.memory_space<vmem>>, vector<2000x128xf32>
    %get3A_54 = arith.constant 0 : index
    %get3A_55 = arith.constant 0 : index
    %get3A_56 = vector.load %arg5[%get3A_54, %get3A_55] : memref<128x128xf32, #tpu.memory_space<vmem>>, vector<128x128xf32>
    %dot_general3A = arith.constant dense<0.000000e+00> : vector<2000x128xf32>
    %dot_general3A_57 = tpu.matmul %get3A_53, %get3A_56, %dot_general3A {dimension_numbers = #tpu.dot_dimension_numbers<[1], [0], [0], [1], [0, 0, 1, 1], [], []>, transpose_lhs_hint = false} : vector<2000x128xf32>, vector<128x128xf32>, vector<2000x128xf32> -> vector<2000x128xf32>
    %get3A_58 = arith.constant 0 : index
    %get3A_59 = arith.constant 0 : index
    %get3A_60 = vector.load %arg2[%get3A_58, %get3A_59] : memref<2000x128xf32, #tpu.memory_space<vmem>>, vector<2000x128xf32>
    %add3A_61 = arith.addf %dot_general3A_57, %get3A_60 : vector<2000x128xf32>
    %get3A_62 = arith.constant 0 : index
    %get3A_63 = arith.constant 0 : index
    %get3A_64 = vector.load %arg7[%get3A_62, %get3A_63] : memref<1x128xf32, #tpu.memory_space<vmem>>, vector<1x128xf32>
    %add3A_65 = vector.broadcast %get3A_64 : vector<1x128xf32> to vector<2000x128xf32>
    %add3A_66 = arith.addf %add3A_61, %add3A_65 : vector<2000x128xf32>
    %while3A = arith.constant 0 : i32
    %while3A_67 = arith.subi %add3A_50, %while3A : i32
    %while3A_68 = arith.addi %while3A, %while3A_67 : i32
    %while3A_69 = arith.constant 1 : i32
    %while3A_70 = arith.divsi %while3A_67, %while3A_69 : i32
    %while3A_71 = arith.muli %while3A_70, %while3A_69 : i32
    %while3A_72 = arith.addi %while3A, %while3A_71 : i32
    %while3A_73 = arith.constant 1 : i32
    %while3A_74 = scf.for %while3A_142 = %while3A to %while3A_72 step %while3A_73 iter_args(%while3A_143 = %add3A_66) -> (vector<2000x128xf32>)  : i32 {
      %mul3A_144 = arith.constant 128 : i32
      %mul3A_145 = arith.muli %while3A_142, %mul3A_144 : i32
      %add3A_146 = arith.addi %mul3A_22, %mul3A_145 : i32
      %add3A_147 = vector.broadcast %add3A_146 : i32 to vector<128x2000xi32>
      %add3A_148 = arith.addi %iota3A, %add3A_147 : vector<128x2000xi32>
      %eq3A_149 = vector.broadcast %get3A_5 : vector<1x2000xi32> to vector<128x2000xi32>
      %eq3A_150 = arith.cmpi eq, %add3A_148, %eq3A_149 : vector<128x2000xi32>
      %jit3A_151 = arith.constant 1.000000e+00 : f32
      %jit3A_152 = arith.constant 0.000000e+00 : f32
      %broadcast_in_dim3A_153 = vector.broadcast %jit3A_151 : f32 to vector<128x2000xf32>
      %broadcast_in_dim3A_154 = vector.broadcast %jit3A_152 : f32 to vector<128x2000xf32>
      %select_n3A_155 = arith.select %eq3A_150, %broadcast_in_dim3A_153, %broadcast_in_dim3A_154 : vector<128x2000xi1>, vector<128x2000xf32>
      %get3A_156 = arith.index_cast %add3A_146 : i32 to index
      %get3A_157 = arith.constant 0 : index
      %get3A_158 = vector.load %arg4[%get3A_156, %get3A_157] : memref<10128x128xf32, #tpu.memory_space<vmem>>, vector<128x128xf32>
      %dot_general3A_159 = arith.constant dense<0.000000e+00> : vector<2000x128xf32>
      %dot_general3A_160 = tpu.matmul %select_n3A_155, %get3A_158, %dot_general3A_159 {dimension_numbers = #tpu.dot_dimension_numbers<[0], [0], [1], [1], [0, 1, 1, 1], [], []>, transpose_lhs_hint = false} : vector<128x2000xf32>, vector<128x128xf32>, vector<2000x128xf32> -> vector<2000x128xf32>
      %add3A_161 = arith.addf %while3A_143, %dot_general3A_160 : vector<2000x128xf32>
      scf.yield %add3A_161 : vector<2000x128xf32>
    }
    %while3A_75 = arith.constant 1 : i32
    %while3A_76 = scf.for %while3A_142 = %while3A_72 to %while3A_68 step %while3A_75 iter_args(%while3A_143 = %while3A_74) -> (vector<2000x128xf32>)  : i32 {
      %mul3A_144 = arith.constant 128 : i32
      %mul3A_145 = arith.muli %while3A_142, %mul3A_144 : i32
      %add3A_146 = arith.addi %mul3A_22, %mul3A_145 : i32
      %add3A_147 = vector.broadcast %add3A_146 : i32 to vector<128x2000xi32>
      %add3A_148 = arith.addi %iota3A, %add3A_147 : vector<128x2000xi32>
      %eq3A_149 = vector.broadcast %get3A_5 : vector<1x2000xi32> to vector<128x2000xi32>
      %eq3A_150 = arith.cmpi eq, %add3A_148, %eq3A_149 : vector<128x2000xi32>
      %jit3A_151 = arith.constant 1.000000e+00 : f32
      %jit3A_152 = arith.constant 0.000000e+00 : f32
      %broadcast_in_dim3A_153 = vector.broadcast %jit3A_151 : f32 to vector<128x2000xf32>
      %broadcast_in_dim3A_154 = vector.broadcast %jit3A_152 : f32 to vector<128x2000xf32>
      %select_n3A_155 = arith.select %eq3A_150, %broadcast_in_dim3A_153, %broadcast_in_dim3A_154 : vector<128x2000xi1>, vector<128x2000xf32>
      %get3A_156 = arith.index_cast %add3A_146 : i32 to index
      %get3A_157 = arith.constant 0 : index
      %get3A_158 = vector.load %arg4[%get3A_156, %get3A_157] : memref<10128x128xf32, #tpu.memory_space<vmem>>, vector<128x128xf32>
      %dot_general3A_159 = arith.constant dense<0.000000e+00> : vector<2000x128xf32>
      %dot_general3A_160 = tpu.matmul %select_n3A_155, %get3A_158, %dot_general3A_159 {dimension_numbers = #tpu.dot_dimension_numbers<[0], [0], [1], [1], [0, 1, 1, 1], [], []>, transpose_lhs_hint = false} : vector<128x2000xf32>, vector<128x128xf32>, vector<2000x128xf32> -> vector<2000x128xf32>
      %add3A_161 = arith.addf %while3A_143, %dot_general3A_160 : vector<2000x128xf32>
      scf.yield %add3A_161 : vector<2000x128xf32>
    }
    %logistic3A = arith.negf %while3A_76 : vector<2000x128xf32>
    %logistic3A_77 = math.exp %logistic3A : vector<2000x128xf32>
    %logistic3A_78 = arith.constant 1.000000e+00 : f32
    %logistic3A_79 = vector.broadcast %logistic3A_78 : f32 to vector<2000x128xf32>
    %logistic3A_80 = arith.addf %logistic3A_79, %logistic3A_77 : vector<2000x128xf32>
    %logistic3A_81 = arith.divf %logistic3A_79, %logistic3A_80 : vector<2000x128xf32>
    %mul3A_82 = arith.mulf %while3A_76, %logistic3A_81 : vector<2000x128xf32>
    %get3A_83 = arith.constant 0 : index
    %get3A_84 = arith.constant 0 : index
    %get3A_85 = vector.load %arg6[%get3A_83, %get3A_84] : memref<128x128xf32, #tpu.memory_space<vmem>>, vector<128x128xf32>
    %reduce_sum3A = arith.constant dense<0.000000e+00> : vector<128xf32>
    %reduce_sum3A_86 = vector.multi_reduction <add>, %get3A_85, %reduce_sum3A [1] : vector<128x128xf32> to vector<128xf32>
    %broadcast_in_dim3A = vector.shape_cast %reduce_sum3A_86 : vector<128xf32> to vector<128x1xf32>
    %div3A_87 = arith.constant 1.280000e+02 : f32
    %div3A_88 = vector.broadcast %div3A_87 : f32 to vector<128x1xf32>
    %div3A_89 = arith.divf %broadcast_in_dim3A, %div3A_88 : vector<128x1xf32>
    %sub3A_90 = vector.broadcast %div3A_89 : vector<128x1xf32> to vector<128x128xf32>
    %sub3A_91 = arith.subf %get3A_85, %sub3A_90 : vector<128x128xf32>
    %get3A_92 = arith.constant 0 : index
    %get3A_93 = arith.constant 0 : index
    %get3A_94 = vector.load %arg8[%get3A_92, %get3A_93] : memref<1x128xf32, #tpu.memory_space<vmem>>, vector<1x128xf32>
    %dot_general3A_95 = arith.constant dense<0.000000e+00> : vector<2000x128xf32>
    %dot_general3A_96 = tpu.matmul %mul3A_82, %sub3A_91, %dot_general3A_95 {dimension_numbers = #tpu.dot_dimension_numbers<[1], [0], [0], [1], [0, 0, 1, 1], [], []>, transpose_lhs_hint = false} : vector<2000x128xf32>, vector<128x128xf32>, vector<2000x128xf32> -> vector<2000x128xf32>
    %reduce_sum3A_97 = vector.shape_cast %get3A_94 : vector<1x128xf32> to vector<1x1x128xf32>
    %reduce_sum3A_98 = arith.constant dense<0.000000e+00> : vector<1xf32>
    %reduce_sum3A_99 = vector.multi_reduction <add>, %reduce_sum3A_97, %reduce_sum3A_98 [1, 2] : vector<1x1x128xf32> to vector<1xf32>
    %reduce_sum3A_100 = vector.shape_cast %reduce_sum3A_99 : vector<1xf32> to vector<1x1x1xf32>
    %reduce_sum3A_101 = vector.extract %reduce_sum3A_100[0, 0, 0] : f32 from vector<1x1x1xf32>
    %div3A_102 = arith.constant 1.280000e+02 : f32
    %div3A_103 = arith.divf %reduce_sum3A_101, %div3A_102 : f32
    %sub3A_104 = vector.broadcast %div3A_103 : f32 to vector<1x128xf32>
    %sub3A_105 = arith.subf %get3A_94, %sub3A_104 : vector<1x128xf32>
    %add3A_106 = vector.broadcast %sub3A_105 : vector<1x128xf32> to vector<2000x128xf32>
    %add3A_107 = arith.addf %dot_general3A_96, %add3A_106 : vector<2000x128xf32>
    %mul3A_108 = arith.mulf %add3A_107, %add3A_107 : vector<2000x128xf32>
    %reduce_sum3A_109 = arith.constant dense<0.000000e+00> : vector<2000xf32>
    %reduce_sum3A_110 = vector.multi_reduction <add>, %mul3A_108, %reduce_sum3A_109 [1] : vector<2000x128xf32> to vector<2000xf32>
    %broadcast_in_dim3A_111 = vector.shape_cast %reduce_sum3A_110 : vector<2000xf32> to vector<2000x1xf32>
    %div3A_112 = arith.constant 1.280000e+02 : f32
    %div3A_113 = vector.broadcast %div3A_112 : f32 to vector<2000x1xf32>
    %div3A_114 = arith.divf %broadcast_in_dim3A_111, %div3A_113 : vector<2000x1xf32>
    %add3A_115 = arith.constant 9.99999974E-6 : f32
    %add3A_116 = vector.broadcast %add3A_115 : f32 to vector<2000x1xf32>
    %add3A_117 = arith.addf %div3A_114, %add3A_116 : vector<2000x1xf32>
    %rsqrt3A = math.rsqrt %add3A_117 : vector<2000x1xf32>
    %mul3A_118 = vector.broadcast %rsqrt3A : vector<2000x1xf32> to vector<2000x128xf32>
    %mul3A_119 = arith.mulf %add3A_107, %mul3A_118 : vector<2000x128xf32>
    %get3A_120 = arith.constant 0 : index
    %get3A_121 = arith.constant 0 : index
    %get3A_122 = vector.load %arg9[%get3A_120, %get3A_121] : memref<1x128xf32, #tpu.memory_space<vmem>>, vector<1x128xf32>
    %mul3A_123 = vector.broadcast %get3A_122 : vector<1x128xf32> to vector<2000x128xf32>
    %mul3A_124 = arith.mulf %mul3A_119, %mul3A_123 : vector<2000x128xf32>
    %get3A_125 = arith.constant 0 : index
    %get3A_126 = arith.constant 0 : index
    %get3A_127 = vector.load %arg10[%get3A_125, %get3A_126] : memref<1x128xf32, #tpu.memory_space<vmem>>, vector<1x128xf32>
    %add3A_128 = vector.broadcast %get3A_127 : vector<1x128xf32> to vector<2000x128xf32>
    %add3A_129 = arith.addf %mul3A_124, %add3A_128 : vector<2000x128xf32>
    %while3A_130 = arith.constant 0 : i32
    %while3A_131 = arith.constant 0 : i32
    %while3A_132 = arith.subi %add3A_50, %while3A_130 : i32
    %while3A_133 = arith.addi %while3A_130, %while3A_132 : i32
    %while3A_134 = arith.constant 1 : i32
    %while3A_135 = arith.divsi %while3A_132, %while3A_134 : i32
    %while3A_136 = arith.muli %while3A_135, %while3A_134 : i32
    %while3A_137 = arith.addi %while3A_130, %while3A_136 : i32
    %while3A_138 = arith.constant 1 : i32
    %while3A_139 = scf.for %while3A_142 = %while3A_130 to %while3A_137 step %while3A_138 iter_args(%while3A_143 = %while3A_131) -> (i32)  : i32 {
      %mul3A_144 = arith.constant 128 : i32
      %mul3A_145 = arith.muli %while3A_142, %mul3A_144 : i32
      %add3A_146 = arith.addi %mul3A_22, %mul3A_145 : i32
      %add3A_147 = vector.broadcast %add3A_146 : i32 to vector<128x2000xi32>
      %add3A_148 = arith.addi %iota3A, %add3A_147 : vector<128x2000xi32>
      %eq3A_149 = vector.broadcast %get3A_5 : vector<1x2000xi32> to vector<128x2000xi32>
      %eq3A_150 = arith.cmpi eq, %add3A_148, %eq3A_149 : vector<128x2000xi32>
      %jit3A_151 = arith.constant 1.000000e+00 : f32
      %jit3A_152 = arith.constant 0.000000e+00 : f32
      %broadcast_in_dim3A_153 = vector.broadcast %jit3A_151 : f32 to vector<128x2000xf32>
      %broadcast_in_dim3A_154 = vector.broadcast %jit3A_152 : f32 to vector<128x2000xf32>
      %select_n3A_155 = arith.select %eq3A_150, %broadcast_in_dim3A_153, %broadcast_in_dim3A_154 : vector<128x2000xi1>, vector<128x2000xf32>
      %dot_general3A_156 = arith.constant dense<0.000000e+00> : vector<128x128xf32>
      %dot_general3A_157 = tpu.matmul %select_n3A_155, %add3A_129, %dot_general3A_156 {dimension_numbers = #tpu.dot_dimension_numbers<[1], [0], [0], [1], [0, 0, 1, 1], [], []>, transpose_lhs_hint = false} : vector<128x2000xf32>, vector<2000x128xf32>, vector<128x128xf32> -> vector<128x128xf32>
      %get3A_158 = arith.index_cast %add3A_146 : i32 to index
      %get3A_159 = arith.constant 0 : index
      %get3A_160 = vector.load %arg11[%get3A_158, %get3A_159] : memref<10128x128xf32, #tpu.memory_space<vmem>>, vector<128x128xf32>
      %add3A_161 = arith.addf %get3A_160, %dot_general3A_157 : vector<128x128xf32>
      %swap3A = arith.index_cast %add3A_146 : i32 to index
      %swap3A_162 = arith.constant 0 : index
      %swap3A_163 = vector.load %arg11[%swap3A, %swap3A_162] : memref<10128x128xf32, #tpu.memory_space<vmem>>, vector<128x128xf32>
      tpu.vector_store %arg11[%swap3A, %swap3A_162], %add3A_161 {strides = array<i32>} : memref<10128x128xf32, #tpu.memory_space<vmem>>, vector<128x128xf32>,
      %while3A_164 = arith.constant 0 : i32
      scf.yield %while3A_164 : i32
    }
    %while3A_140 = arith.constant 1 : i32
    %while3A_141 = scf.for %while3A_142 = %while3A_137 to %while3A_133 step %while3A_140 iter_args(%while3A_143 = %while3A_139) -> (i32)  : i32 {
      %mul3A_144 = arith.constant 128 : i32
      %mul3A_145 = arith.muli %while3A_142, %mul3A_144 : i32
      %add3A_146 = arith.addi %mul3A_22, %mul3A_145 : i32
      %add3A_147 = vector.broadcast %add3A_146 : i32 to vector<128x2000xi32>
      %add3A_148 = arith.addi %iota3A, %add3A_147 : vector<128x2000xi32>
      %eq3A_149 = vector.broadcast %get3A_5 : vector<1x2000xi32> to vector<128x2000xi32>
      %eq3A_150 = arith.cmpi eq, %add3A_148, %eq3A_149 : vector<128x2000xi32>
      %jit3A_151 = arith.constant 1.000000e+00 : f32
      %jit3A_152 = arith.constant 0.000000e+00 : f32
      %broadcast_in_dim3A_153 = vector.broadcast %jit3A_151 : f32 to vector<128x2000xf32>
      %broadcast_in_dim3A_154 = vector.broadcast %jit3A_152 : f32 to vector<128x2000xf32>
      %select_n3A_155 = arith.select %eq3A_150, %broadcast_in_dim3A_153, %broadcast_in_dim3A_154 : vector<128x2000xi1>, vector<128x2000xf32>
      %dot_general3A_156 = arith.constant dense<0.000000e+00> : vector<128x128xf32>
      %dot_general3A_157 = tpu.matmul %select_n3A_155, %add3A_129, %dot_general3A_156 {dimension_numbers = #tpu.dot_dimension_numbers<[1], [0], [0], [1], [0, 0, 1, 1], [], []>, transpose_lhs_hint = false} : vector<128x2000xf32>, vector<2000x128xf32>, vector<128x128xf32> -> vector<128x128xf32>
      %get3A_158 = arith.index_cast %add3A_146 : i32 to index
      %get3A_159 = arith.constant 0 : index
      %get3A_160 = vector.load %arg11[%get3A_158, %get3A_159] : memref<10128x128xf32, #tpu.memory_space<vmem>>, vector<128x128xf32>
      %add3A_161 = arith.addf %get3A_160, %dot_general3A_157 : vector<128x128xf32>
      %swap3A = arith.index_cast %add3A_146 : i32 to index
      %swap3A_162 = arith.constant 0 : index
      %swap3A_163 = vector.load %arg11[%swap3A, %swap3A_162] : memref<10128x128xf32, #tpu.memory_space<vmem>>, vector<128x128xf32>
      tpu.vector_store %arg11[%swap3A, %swap3A_162], %add3A_161 {strides = array<i32>} : memref<10128x128xf32, #tpu.memory_space<vmem>>, vector<128x128xf32>,
      %while3A_164 = arith.constant 0 : i32
      scf.yield %while3A_164 : i32
    }
    return
  }
  func.func @transform_0(%arg0: i32) -> (i32, i32) {
    %add3A = arith.constant 32 : i32
    %add3A_0 = arith.addi %add3A, %arg0 : i32
    %c0_i32 = arith.constant 0 : i32
    %c0_i32_1 = arith.constant 0 : i32
    return %add3A_0, %c0_i32 : i32, i32
  }
  func.func @transform_1(%arg0: i32) -> (i32, i32) {
    %c0_i32 = arith.constant 0 : i32
    %c0_i32_0 = arith.constant 0 : i32
    return %arg0, %c0_i32 : i32, i32
  }
  func.func @transform_2(%arg0: i32) -> (i32, i32, i32) {
    %add3A = arith.constant 32 : i32
    %add3A_0 = arith.addi %add3A, %arg0 : i32
    %c0_i32 = arith.constant 0 : i32
    %c0_i32_1 = arith.constant 0 : i32
    %c0_i32_2 = arith.constant 0 : i32
    return %add3A_0, %c0_i32, %c0_i32_1 : i32, i32, i32
  }
  func.func @transform_3(%arg0: i32) -> (i32, i32) {
    %c0_i32 = arith.constant 0 : i32
    %c0_i32_0 = arith.constant 0 : i32
    %c0_i32_1 = arith.constant 0 : i32
    return %c0_i32, %c0_i32_0 : i32, i32
  }
  func.func @transform_4(%arg0: i32) -> (i32, i32) {
    %c0_i32 = arith.constant 0 : i32
    %c0_i32_0 = arith.constant 0 : i32
    %c0_i32_1 = arith.constant 0 : i32
    return %c0_i32, %c0_i32_0 : i32, i32
  }
  func.func @transform_5(%arg0: i32) -> (i32, i32) {
    %c0_i32 = arith.constant 0 : i32
    %c0_i32_0 = arith.constant 0 : i32
    %c0_i32_1 = arith.constant 0 : i32
    return %c0_i32, %c0_i32_0 : i32, i32
  }
  func.func @transform_6(%arg0: i32) -> (i32, i32) {
    %c0_i32 = arith.constant 0 : i32
    %c0_i32_0 = arith.constant 0 : i32
    %c0_i32_1 = arith.constant 0 : i32
    return %c0_i32, %c0_i32_0 : i32, i32
  }
  func.func @transform_7(%arg0: i32) -> (i32, i32) {
    %c0_i32 = arith.constant 0 : i32
    %c0_i32_0 = arith.constant 0 : i32
    %c0_i32_1 = arith.constant 0 : i32
    return %c0_i32, %c0_i32_0 : i32, i32
  }
  func.func @transform_8(%arg0: i32) -> (i32, i32) {
    %c0_i32 = arith.constant 0 : i32
    %c0_i32_0 = arith.constant 0 : i32
    %c0_i32_1 = arith.constant 0 : i32
    return %c0_i32, %c0_i32_0 : i32, i32
  }
  func.func @transform_9(%arg0: i32) -> (i32, i32) {
    %c0_i32 = arith.constant 0 : i32
    %c0_i32_0 = arith.constant 0 : i32
    %c0_i32_1 = arith.constant 0 : i32
    return %c0_i32, %c0_i32_0 : i32, i32
  }
  func.func @transform_10(%arg0: i32) -> (i32, i32) {
    %c0_i32 = arith.constant 0 : i32
    %c0_i32_0 = arith.constant 0 : i32
    %c0_i32_1 = arith.constant 0 : i32
    return %c0_i32, %c0_i32_0 : i32, i32
  }
}

module attributes {stable_mosaic.version = 14 : i64} {
  func.func @_edge_body(%arg0: i32, %arg1: memref<2000x128xf32, #tpu.memory_space<vmem>>, %arg2: memref<2000x128xf32, #tpu.memory_space<vmem>>, %arg3: memref<1x1x2000xi32, #tpu.memory_space<vmem>>, %arg4: memref<10128x128xf32, #tpu.memory_space<vmem>>, %arg5: memref<128x128xf32, #tpu.memory_space<vmem>>, %arg6: memref<128x128xf32, #tpu.memory_space<vmem>>, %arg7: memref<1x128xf32, #tpu.memory_space<vmem>>, %arg8: memref<1x128xf32, #tpu.memory_space<vmem>>, %arg9: memref<1x128xf32, #tpu.memory_space<vmem>>, %arg10: memref<1x128xf32, #tpu.memory_space<vmem>>, %arg11: memref<10128x128xf32, #tpu.memory_space<vmem>>) attributes {dimension_semantics = [#tpu.dimension_semantics<arbitrary>], iteration_bounds = array<i64: 32>, scalar_prefetch = 0 : i64, scratch_operands = 0 : i64, tpu.core_type = #tpu.core_type<tc>, window_params = [{transform_indices = @transform_0, window_bounds = array<i64: 2000, 128>}, {transform_indices = @transform_1, window_bounds = array<i64: 2000, 128>}, {transform_indices = @transform_2, window_bounds = array<i64: 1, 1, 2000>}, {pipeline_mode = #tpu.pipeline_mode<synchronous>, transform_indices = @transform_3, window_bounds = array<i64: 10128, 128>}, {pipeline_mode = #tpu.pipeline_mode<synchronous>, transform_indices = @transform_4, window_bounds = array<i64: 128, 128>}, {pipeline_mode = #tpu.pipeline_mode<synchronous>, transform_indices = @transform_5, window_bounds = array<i64: 128, 128>}, {pipeline_mode = #tpu.pipeline_mode<synchronous>, transform_indices = @transform_6, window_bounds = array<i64: 1, 128>}, {pipeline_mode = #tpu.pipeline_mode<synchronous>, transform_indices = @transform_7, window_bounds = array<i64: 1, 128>}, {pipeline_mode = #tpu.pipeline_mode<synchronous>, transform_indices = @transform_8, window_bounds = array<i64: 1, 128>}, {pipeline_mode = #tpu.pipeline_mode<synchronous>, transform_indices = @transform_9, window_bounds = array<i64: 1, 128>}, {pipeline_mode = #tpu.pipeline_mode<synchronous>, transform_indices = @transform_10, window_bounds = array<i64: 10128, 128>}]} {
    %eq3A = arith.constant 0 : i32
    %eq3A_0 = arith.cmpi eq, %arg0, %eq3A : i32
    %convert_element_type3A = arith.extui %eq3A_0 : i1 to i32
    %cond3A = arith.constant 0 : i32
    %cond3A_1 = arith.cmpi ne, %convert_element_type3A, %cond3A : i32
    scf.if %cond3A_1 {
      %broadcast_in_dim3A_142 = arith.constant 0.000000e+00 : f32
      %broadcast_in_dim3A_143 = vector.broadcast %broadcast_in_dim3A_142 : f32 to vector<10128x128xf32>
      %swap3A = arith.constant 0 : index
      %swap3A_144 = arith.constant 0 : index
      %swap3A_145 = vector.load %arg11[%swap3A, %swap3A_144] : memref<10128x128xf32, #tpu.memory_space<vmem>>, vector<10128x128xf32>
      tpu.vector_store %arg11[%swap3A, %swap3A_144], %broadcast_in_dim3A_143 {strides = array<i32>} : memref<10128x128xf32, #tpu.memory_space<vmem>>, vector<10128x128xf32>,
    } else {
    }
    %get3A = arith.constant 0 : index
    %get3A_2 = arith.constant 0 : index
    %get3A_3 = arith.constant 0 : index
    %get3A_4 = vector.load %arg3[%get3A, %get3A_2, %get3A_3] : memref<1x1x2000xi32, #tpu.memory_space<vmem>>, vector<1x1x2000xi32>
    %get3A_5 = vector.shape_cast %get3A_4 : vector<1x1x2000xi32> to vector<1x2000xi32>
    %slice3A = vector.extract_strided_slice %get3A_5 {offsets = [0, 0], sizes = [1, 1], strides = [1, 1]} : vector<1x2000xi32> to vector<1x1xi32>
    %squeeze3A = vector.extract %slice3A[0, 0] : i32 from vector<1x1xi32>
    %jit3A = arith.constant 8 : i32
    %div3A = arith.divsi %squeeze3A, %jit3A : i32
    %sign3A = arith.constant 0 : i32
    %sign3A_6 = arith.cmpi sgt, %squeeze3A, %sign3A : i32
    %sign3A_7 = arith.extui %sign3A_6 : i1 to i32
    %sign3A_8 = arith.constant 0 : i32
    %sign3A_9 = arith.cmpi slt, %squeeze3A, %sign3A_8 : i32
    %sign3A_10 = arith.extui %sign3A_9 : i1 to i32
    %sign3A_11 = arith.subi %sign3A_7, %sign3A_10 : i32
    %sign3A_12 = arith.constant 0 : i32
    %sign3A_13 = arith.cmpi sgt, %jit3A, %sign3A_12 : i32
    %sign3A_14 = arith.extui %sign3A_13 : i1 to i32
    %sign3A_15 = arith.constant 0 : i32
    %sign3A_16 = arith.cmpi slt, %jit3A, %sign3A_15 : i32
    %sign3A_17 = arith.extui %sign3A_16 : i1 to i32
    %sign3A_18 = arith.subi %sign3A_14, %sign3A_17 : i32
    %ne3A = arith.cmpi ne, %sign3A_11, %sign3A_18 : i32
    %rem3A = arith.remsi %squeeze3A, %jit3A : i32
    %ne3A_19 = arith.constant 0 : i32
    %ne3A_20 = arith.cmpi ne, %rem3A, %ne3A_19 : i32
    %and3A = arith.andi %ne3A, %ne3A_20 : i1
    %sub3A = arith.constant 1 : i32
    %sub3A_21 = arith.subi %div3A, %sub3A : i32
    %select_n3A = arith.select %and3A, %sub3A_21, %div3A : i32
    %mul3A = arith.constant 8 : i32
    %mul3A_22 = arith.muli %select_n3A, %mul3A : i32
    %slice3A_23 = vector.extract_strided_slice %get3A_5 {offsets = [0, 1999], sizes = [1, 1], strides = [1, 1]} : vector<1x2000xi32> to vector<1x1xi32>
    %squeeze3A_24 = vector.extract %slice3A_23[0, 0] : i32 from vector<1x1xi32>
    %sub3A_25 = arith.subi %squeeze3A_24, %mul3A_22 : i32
    %jit3A_26 = arith.constant 128 : i32
    %div3A_27 = arith.divsi %sub3A_25, %jit3A_26 : i32
    %sign3A_28 = arith.constant 0 : i32
    %sign3A_29 = arith.cmpi sgt, %sub3A_25, %sign3A_28 : i32
    %sign3A_30 = arith.extui %sign3A_29 : i1 to i32
    %sign3A_31 = arith.constant 0 : i32
    %sign3A_32 = arith.cmpi slt, %sub3A_25, %sign3A_31 : i32
    %sign3A_33 = arith.extui %sign3A_32 : i1 to i32
    %sign3A_34 = arith.subi %sign3A_30, %sign3A_33 : i32
    %sign3A_35 = arith.constant 0 : i32
    %sign3A_36 = arith.cmpi sgt, %jit3A_26, %sign3A_35 : i32
    %sign3A_37 = arith.extui %sign3A_36 : i1 to i32
    %sign3A_38 = arith.constant 0 : i32
    %sign3A_39 = arith.cmpi slt, %jit3A_26, %sign3A_38 : i32
    %sign3A_40 = arith.extui %sign3A_39 : i1 to i32
    %sign3A_41 = arith.subi %sign3A_37, %sign3A_40 : i32
    %ne3A_42 = arith.cmpi ne, %sign3A_34, %sign3A_41 : i32
    %rem3A_43 = arith.remsi %sub3A_25, %jit3A_26 : i32
    %ne3A_44 = arith.constant 0 : i32
    %ne3A_45 = arith.cmpi ne, %rem3A_43, %ne3A_44 : i32
    %and3A_46 = arith.andi %ne3A_42, %ne3A_45 : i1
    %sub3A_47 = arith.constant 1 : i32
    %sub3A_48 = arith.subi %div3A_27, %sub3A_47 : i32
    %select_n3A_49 = arith.select %and3A_46, %sub3A_48, %div3A_27 : i32
    %add3A = arith.constant 1 : i32
    %add3A_50 = arith.addi %select_n3A_49, %add3A : i32
    %iota3A = tpu.iota {dimensions = array<i32: 0>} : vector<128x2000xi32>
    %get3A_51 = arith.constant 0 : index
    %get3A_52 = arith.constant 0 : index
    %get3A_53 = vector.load %arg1[%get3A_51, %get3A_52] : memref<2000x128xf32, #tpu.memory_space<vmem>>, vector<2000x128xf32>
    %get3A_54 = arith.constant 0 : index
    %get3A_55 = arith.constant 0 : index
    %get3A_56 = vector.load %arg5[%get3A_54, %get3A_55] : memref<128x128xf32, #tpu.memory_space<vmem>>, vector<128x128xf32>
    %dot_general3A = arith.constant dense<0.000000e+00> : vector<2000x128xf32>
    %dot_general3A_57 = tpu.matmul %get3A_53, %get3A_56, %dot_general3A {dimension_numbers = #tpu.dot_dimension_numbers<[1], [0], [0], [1], [0, 0, 1, 1], [], []>, transpose_lhs_hint = false} : vector<2000x128xf32>, vector<128x128xf32>, vector<2000x128xf32> -> vector<2000x128xf32>
    %get3A_58 = arith.constant 0 : index
    %get3A_59 = arith.constant 0 : index
    %get3A_60 = vector.load %arg2[%get3A_58, %get3A_59] : memref<2000x128xf32, #tpu.memory_space<vmem>>, vector<2000x128xf32>
    %add3A_61 = arith.addf %dot_general3A_57, %get3A_60 : vector<2000x128xf32>
    %get3A_62 = arith.constant 0 : index
    %get3A_63 = arith.constant 0 : index
    %get3A_64 = vector.load %arg7[%get3A_62, %get3A_63] : memref<1x128xf32, #tpu.memory_space<vmem>>, vector<1x128xf32>
    %add3A_65 = vector.broadcast %get3A_64 : vector<1x128xf32> to vector<2000x128xf32>
    %add3A_66 = arith.addf %add3A_61, %add3A_65 : vector<2000x128xf32>
    %while3A = arith.constant 0 : i32
    %while3A_67 = arith.subi %add3A_50, %while3A : i32
    %while3A_68 = arith.addi %while3A, %while3A_67 : i32
    %while3A_69 = arith.constant 1 : i32
    %while3A_70 = arith.divsi %while3A_67, %while3A_69 : i32
    %while3A_71 = arith.muli %while3A_70, %while3A_69 : i32
    %while3A_72 = arith.addi %while3A, %while3A_71 : i32
    %while3A_73 = arith.constant 1 : i32
    %while3A_74 = scf.for %while3A_142 = %while3A to %while3A_72 step %while3A_73 iter_args(%while3A_143 = %add3A_66) -> (vector<2000x128xf32>)  : i32 {
      %mul3A_144 = arith.constant 128 : i32
      %mul3A_145 = arith.muli %while3A_142, %mul3A_144 : i32
      %add3A_146 = arith.addi %mul3A_22, %mul3A_145 : i32
      %add3A_147 = vector.broadcast %add3A_146 : i32 to vector<128x2000xi32>
      %add3A_148 = arith.addi %iota3A, %add3A_147 : vector<128x2000xi32>
      %eq3A_149 = vector.broadcast %get3A_5 : vector<1x2000xi32> to vector<128x2000xi32>
      %eq3A_150 = arith.cmpi eq, %add3A_148, %eq3A_149 : vector<128x2000xi32>
      %jit3A_151 = arith.constant 1.000000e+00 : f32
      %jit3A_152 = arith.constant 0.000000e+00 : f32
      %broadcast_in_dim3A_153 = vector.broadcast %jit3A_151 : f32 to vector<128x2000xf32>
      %broadcast_in_dim3A_154 = vector.broadcast %jit3A_152 : f32 to vector<128x2000xf32>
      %select_n3A_155 = arith.select %eq3A_150, %broadcast_in_dim3A_153, %broadcast_in_dim3A_154 : vector<128x2000xi1>, vector<128x2000xf32>
      %get3A_156 = arith.index_cast %add3A_146 : i32 to index
      %get3A_157 = arith.constant 0 : index
      %get3A_158 = vector.load %arg4[%get3A_156, %get3A_157] : memref<10128x128xf32, #tpu.memory_space<vmem>>, vector<128x128xf32>
      %dot_general3A_159 = arith.constant dense<0.000000e+00> : vector<2000x128xf32>
      %dot_general3A_160 = tpu.matmul %select_n3A_155, %get3A_158, %dot_general3A_159 {dimension_numbers = #tpu.dot_dimension_numbers<[0], [0], [1], [1], [0, 1, 1, 1], [], []>, transpose_lhs_hint = false} : vector<128x2000xf32>, vector<128x128xf32>, vector<2000x128xf32> -> vector<2000x128xf32>
      %add3A_161 = arith.addf %while3A_143, %dot_general3A_160 : vector<2000x128xf32>
      scf.yield %add3A_161 : vector<2000x128xf32>
    }
    %while3A_75 = arith.constant 1 : i32
    %while3A_76 = scf.for %while3A_142 = %while3A_72 to %while3A_68 step %while3A_75 iter_args(%while3A_143 = %while3A_74) -> (vector<2000x128xf32>)  : i32 {
      %mul3A_144 = arith.constant 128 : i32
      %mul3A_145 = arith.muli %while3A_142, %mul3A_144 : i32
      %add3A_146 = arith.addi %mul3A_22, %mul3A_145 : i32
      %add3A_147 = vector.broadcast %add3A_146 : i32 to vector<128x2000xi32>
      %add3A_148 = arith.addi %iota3A, %add3A_147 : vector<128x2000xi32>
      %eq3A_149 = vector.broadcast %get3A_5 : vector<1x2000xi32> to vector<128x2000xi32>
      %eq3A_150 = arith.cmpi eq, %add3A_148, %eq3A_149 : vector<128x2000xi32>
      %jit3A_151 = arith.constant 1.000000e+00 : f32
      %jit3A_152 = arith.constant 0.000000e+00 : f32
      %broadcast_in_dim3A_153 = vector.broadcast %jit3A_151 : f32 to vector<128x2000xf32>
      %broadcast_in_dim3A_154 = vector.broadcast %jit3A_152 : f32 to vector<128x2000xf32>
      %select_n3A_155 = arith.select %eq3A_150, %broadcast_in_dim3A_153, %broadcast_in_dim3A_154 : vector<128x2000xi1>, vector<128x2000xf32>
      %get3A_156 = arith.index_cast %add3A_146 : i32 to index
      %get3A_157 = arith.constant 0 : index
      %get3A_158 = vector.load %arg4[%get3A_156, %get3A_157] : memref<10128x128xf32, #tpu.memory_space<vmem>>, vector<128x128xf32>
      %dot_general3A_159 = arith.constant dense<0.000000e+00> : vector<2000x128xf32>
      %dot_general3A_160 = tpu.matmul %select_n3A_155, %get3A_158, %dot_general3A_159 {dimension_numbers = #tpu.dot_dimension_numbers<[0], [0], [1], [1], [0, 1, 1, 1], [], []>, transpose_lhs_hint = false} : vector<128x2000xf32>, vector<128x128xf32>, vector<2000x128xf32> -> vector<2000x128xf32>
      %add3A_161 = arith.addf %while3A_143, %dot_general3A_160 : vector<2000x128xf32>
      scf.yield %add3A_161 : vector<2000x128xf32>
    }
    %logistic3A = arith.negf %while3A_76 : vector<2000x128xf32>
    %logistic3A_77 = math.exp %logistic3A : vector<2000x128xf32>
    %logistic3A_78 = arith.constant 1.000000e+00 : f32
    %logistic3A_79 = vector.broadcast %logistic3A_78 : f32 to vector<2000x128xf32>
    %logistic3A_80 = arith.addf %logistic3A_79, %logistic3A_77 : vector<2000x128xf32>
    %logistic3A_81 = arith.divf %logistic3A_79, %logistic3A_80 : vector<2000x128xf32>
    %mul3A_82 = arith.mulf %while3A_76, %logistic3A_81 : vector<2000x128xf32>
    %get3A_83 = arith.constant 0 : index
    %get3A_84 = arith.constant 0 : index
    %get3A_85 = vector.load %arg6[%get3A_83, %get3A_84] : memref<128x128xf32, #tpu.memory_space<vmem>>, vector<128x128xf32>
    %reduce_sum3A = arith.constant dense<0.000000e+00> : vector<128xf32>
    %reduce_sum3A_86 = vector.multi_reduction <add>, %get3A_85, %reduce_sum3A [1] : vector<128x128xf32> to vector<128xf32>
    %broadcast_in_dim3A = vector.shape_cast %reduce_sum3A_86 : vector<128xf32> to vector<128x1xf32>
    %div3A_87 = arith.constant 1.280000e+02 : f32
    %div3A_88 = vector.broadcast %div3A_87 : f32 to vector<128x1xf32>
    %div3A_89 = arith.divf %broadcast_in_dim3A, %div3A_88 : vector<128x1xf32>
    %sub3A_90 = vector.broadcast %div3A_89 : vector<128x1xf32> to vector<128x128xf32>
    %sub3A_91 = arith.subf %get3A_85, %sub3A_90 : vector<128x128xf32>
    %get3A_92 = arith.constant 0 : index
    %get3A_93 = arith.constant 0 : index
    %get3A_94 = vector.load %arg8[%get3A_92, %get3A_93] : memref<1x128xf32, #tpu.memory_space<vmem>>, vector<1x128xf32>
    %dot_general3A_95 = arith.constant dense<0.000000e+00> : vector<2000x128xf32>
    %dot_general3A_96 = tpu.matmul %mul3A_82, %sub3A_91, %dot_general3A_95 {dimension_numbers = #tpu.dot_dimension_numbers<[1], [0], [0], [1], [0, 0, 1, 1], [], []>, transpose_lhs_hint = false} : vector<2000x128xf32>, vector<128x128xf32>, vector<2000x128xf32> -> vector<2000x128xf32>
    %reduce_sum3A_97 = vector.shape_cast %get3A_94 : vector<1x128xf32> to vector<1x1x128xf32>
    %reduce_sum3A_98 = arith.constant dense<0.000000e+00> : vector<1xf32>
    %reduce_sum3A_99 = vector.multi_reduction <add>, %reduce_sum3A_97, %reduce_sum3A_98 [1, 2] : vector<1x1x128xf32> to vector<1xf32>
    %reduce_sum3A_100 = vector.shape_cast %reduce_sum3A_99 : vector<1xf32> to vector<1x1x1xf32>
    %reduce_sum3A_101 = vector.extract %reduce_sum3A_100[0, 0, 0] : f32 from vector<1x1x1xf32>
    %div3A_102 = arith.constant 1.280000e+02 : f32
    %div3A_103 = arith.divf %reduce_sum3A_101, %div3A_102 : f32
    %sub3A_104 = vector.broadcast %div3A_103 : f32 to vector<1x128xf32>
    %sub3A_105 = arith.subf %get3A_94, %sub3A_104 : vector<1x128xf32>
    %add3A_106 = vector.broadcast %sub3A_105 : vector<1x128xf32> to vector<2000x128xf32>
    %add3A_107 = arith.addf %dot_general3A_96, %add3A_106 : vector<2000x128xf32>
    %mul3A_108 = arith.mulf %add3A_107, %add3A_107 : vector<2000x128xf32>
    %reduce_sum3A_109 = arith.constant dense<0.000000e+00> : vector<2000xf32>
    %reduce_sum3A_110 = vector.multi_reduction <add>, %mul3A_108, %reduce_sum3A_109 [1] : vector<2000x128xf32> to vector<2000xf32>
    %broadcast_in_dim3A_111 = vector.shape_cast %reduce_sum3A_110 : vector<2000xf32> to vector<2000x1xf32>
    %div3A_112 = arith.constant 1.280000e+02 : f32
    %div3A_113 = vector.broadcast %div3A_112 : f32 to vector<2000x1xf32>
    %div3A_114 = arith.divf %broadcast_in_dim3A_111, %div3A_113 : vector<2000x1xf32>
    %add3A_115 = arith.constant 9.99999974E-6 : f32
    %add3A_116 = vector.broadcast %add3A_115 : f32 to vector<2000x1xf32>
    %add3A_117 = arith.addf %div3A_114, %add3A_116 : vector<2000x1xf32>
    %rsqrt3A = math.rsqrt %add3A_117 : vector<2000x1xf32>
    %mul3A_118 = vector.broadcast %rsqrt3A : vector<2000x1xf32> to vector<2000x128xf32>
    %mul3A_119 = arith.mulf %add3A_107, %mul3A_118 : vector<2000x128xf32>
    %get3A_120 = arith.constant 0 : index
    %get3A_121 = arith.constant 0 : index
    %get3A_122 = vector.load %arg9[%get3A_120, %get3A_121] : memref<1x128xf32, #tpu.memory_space<vmem>>, vector<1x128xf32>
    %mul3A_123 = vector.broadcast %get3A_122 : vector<1x128xf32> to vector<2000x128xf32>
    %mul3A_124 = arith.mulf %mul3A_119, %mul3A_123 : vector<2000x128xf32>
    %get3A_125 = arith.constant 0 : index
    %get3A_126 = arith.constant 0 : index
    %get3A_127 = vector.load %arg10[%get3A_125, %get3A_126] : memref<1x128xf32, #tpu.memory_space<vmem>>, vector<1x128xf32>
    %add3A_128 = vector.broadcast %get3A_127 : vector<1x128xf32> to vector<2000x128xf32>
    %add3A_129 = arith.addf %mul3A_124, %add3A_128 : vector<2000x128xf32>
    %while3A_130 = arith.constant 0 : i32
    %while3A_131 = arith.constant 0 : i32
    %while3A_132 = arith.subi %add3A_50, %while3A_130 : i32
    %while3A_133 = arith.addi %while3A_130, %while3A_132 : i32
    %while3A_134 = arith.constant 1 : i32
    %while3A_135 = arith.divsi %while3A_132, %while3A_134 : i32
    %while3A_136 = arith.muli %while3A_135, %while3A_134 : i32
    %while3A_137 = arith.addi %while3A_130, %while3A_136 : i32
    %while3A_138 = arith.constant 1 : i32
    %while3A_139 = scf.for %while3A_142 = %while3A_130 to %while3A_137 step %while3A_138 iter_args(%while3A_143 = %while3A_131) -> (i32)  : i32 {
      %mul3A_144 = arith.constant 128 : i32
      %mul3A_145 = arith.muli %while3A_142, %mul3A_144 : i32
      %add3A_146 = arith.addi %mul3A_22, %mul3A_145 : i32
      %add3A_147 = vector.broadcast %add3A_146 : i32 to vector<128x2000xi32>
      %add3A_148 = arith.addi %iota3A, %add3A_147 : vector<128x2000xi32>
      %eq3A_149 = vector.broadcast %get3A_5 : vector<1x2000xi32> to vector<128x2000xi32>
      %eq3A_150 = arith.cmpi eq, %add3A_148, %eq3A_149 : vector<128x2000xi32>
      %jit3A_151 = arith.constant 1.000000e+00 : f32
      %jit3A_152 = arith.constant 0.000000e+00 : f32
      %broadcast_in_dim3A_153 = vector.broadcast %jit3A_151 : f32 to vector<128x2000xf32>
      %broadcast_in_dim3A_154 = vector.broadcast %jit3A_152 : f32 to vector<128x2000xf32>
      %select_n3A_155 = arith.select %eq3A_150, %broadcast_in_dim3A_153, %broadcast_in_dim3A_154 : vector<128x2000xi1>, vector<128x2000xf32>
      %dot_general3A_156 = arith.constant dense<0.000000e+00> : vector<128x128xf32>
      %dot_general3A_157 = tpu.matmul %select_n3A_155, %add3A_129, %dot_general3A_156 {dimension_numbers = #tpu.dot_dimension_numbers<[1], [0], [0], [1], [0, 0, 1, 1], [], []>, transpose_lhs_hint = false} : vector<128x2000xf32>, vector<2000x128xf32>, vector<128x128xf32> -> vector<128x128xf32>
      %get3A_158 = arith.index_cast %add3A_146 : i32 to index
      %get3A_159 = arith.constant 0 : index
      %get3A_160 = vector.load %arg11[%get3A_158, %get3A_159] : memref<10128x128xf32, #tpu.memory_space<vmem>>, vector<128x128xf32>
      %add3A_161 = arith.addf %get3A_160, %dot_general3A_157 : vector<128x128xf32>
      %swap3A = arith.index_cast %add3A_146 : i32 to index
      %swap3A_162 = arith.constant 0 : index
      %swap3A_163 = vector.load %arg11[%swap3A, %swap3A_162] : memref<10128x128xf32, #tpu.memory_space<vmem>>, vector<128x128xf32>
      tpu.vector_store %arg11[%swap3A, %swap3A_162], %add3A_161 {strides = array<i32>} : memref<10128x128xf32, #tpu.memory_space<vmem>>, vector<128x128xf32>,
      %while3A_164 = arith.constant 0 : i32
      scf.yield %while3A_164 : i32
    }
    %while3A_140 = arith.constant 1 : i32
    %while3A_141 = scf.for %while3A_142 = %while3A_137 to %while3A_133 step %while3A_140 iter_args(%while3A_143 = %while3A_139) -> (i32)  : i32 {
      %mul3A_144 = arith.constant 128 : i32
      %mul3A_145 = arith.muli %while3A_142, %mul3A_144 : i32
      %add3A_146 = arith.addi %mul3A_22, %mul3A_145 : i32
      %add3A_147 = vector.broadcast %add3A_146 : i32 to vector<128x2000xi32>
      %add3A_148 = arith.addi %iota3A, %add3A_147 : vector<128x2000xi32>
      %eq3A_149 = vector.broadcast %get3A_5 : vector<1x2000xi32> to vector<128x2000xi32>
      %eq3A_150 = arith.cmpi eq, %add3A_148, %eq3A_149 : vector<128x2000xi32>
      %jit3A_151 = arith.constant 1.000000e+00 : f32
      %jit3A_152 = arith.constant 0.000000e+00 : f32
      %broadcast_in_dim3A_153 = vector.broadcast %jit3A_151 : f32 to vector<128x2000xf32>
      %broadcast_in_dim3A_154 = vector.broadcast %jit3A_152 : f32 to vector<128x2000xf32>
      %select_n3A_155 = arith.select %eq3A_150, %broadcast_in_dim3A_153, %broadcast_in_dim3A_154 : vector<128x2000xi1>, vector<128x2000xf32>
      %dot_general3A_156 = arith.constant dense<0.000000e+00> : vector<128x128xf32>
      %dot_general3A_157 = tpu.matmul %select_n3A_155, %add3A_129, %dot_general3A_156 {dimension_numbers = #tpu.dot_dimension_numbers<[1], [0], [0], [1], [0, 0, 1, 1], [], []>, transpose_lhs_hint = false} : vector<128x2000xf32>, vector<2000x128xf32>, vector<128x128xf32> -> vector<128x128xf32>
      %get3A_158 = arith.index_cast %add3A_146 : i32 to index
      %get3A_159 = arith.constant 0 : index
      %get3A_160 = vector.load %arg11[%get3A_158, %get3A_159] : memref<10128x128xf32, #tpu.memory_space<vmem>>, vector<128x128xf32>
      %add3A_161 = arith.addf %get3A_160, %dot_general3A_157 : vector<128x128xf32>
      %swap3A = arith.index_cast %add3A_146 : i32 to index
      %swap3A_162 = arith.constant 0 : index
      %swap3A_163 = vector.load %arg11[%swap3A, %swap3A_162] : memref<10128x128xf32, #tpu.memory_space<vmem>>, vector<128x128xf32>
      tpu.vector_store %arg11[%swap3A, %swap3A_162], %add3A_161 {strides = array<i32>} : memref<10128x128xf32, #tpu.memory_space<vmem>>, vector<128x128xf32>,
      %while3A_164 = arith.constant 0 : i32
      scf.yield %while3A_164 : i32
    }
    return
  }
  func.func @transform_0(%arg0: i32) -> (i32, i32) {
    %add3A = arith.constant 0 : i32
    %add3A_0 = arith.addi %add3A, %arg0 : i32
    %c0_i32 = arith.constant 0 : i32
    %c0_i32_1 = arith.constant 0 : i32
    return %add3A_0, %c0_i32 : i32, i32
  }
  func.func @transform_1(%arg0: i32) -> (i32, i32) {
    %c0_i32 = arith.constant 0 : i32
    %c0_i32_0 = arith.constant 0 : i32
    return %arg0, %c0_i32 : i32, i32
  }
  func.func @transform_2(%arg0: i32) -> (i32, i32, i32) {
    %add3A = arith.constant 0 : i32
    %add3A_0 = arith.addi %add3A, %arg0 : i32
    %c0_i32 = arith.constant 0 : i32
    %c0_i32_1 = arith.constant 0 : i32
    %c0_i32_2 = arith.constant 0 : i32
    return %add3A_0, %c0_i32, %c0_i32_1 : i32, i32, i32
  }
  func.func @transform_3(%arg0: i32) -> (i32, i32) {
    %c0_i32 = arith.constant 0 : i32
    %c0_i32_0 = arith.constant 0 : i32
    %c0_i32_1 = arith.constant 0 : i32
    return %c0_i32, %c0_i32_0 : i32, i32
  }
  func.func @transform_4(%arg0: i32) -> (i32, i32) {
    %c0_i32 = arith.constant 0 : i32
    %c0_i32_0 = arith.constant 0 : i32
    %c0_i32_1 = arith.constant 0 : i32
    return %c0_i32, %c0_i32_0 : i32, i32
  }
  func.func @transform_5(%arg0: i32) -> (i32, i32) {
    %c0_i32 = arith.constant 0 : i32
    %c0_i32_0 = arith.constant 0 : i32
    %c0_i32_1 = arith.constant 0 : i32
    return %c0_i32, %c0_i32_0 : i32, i32
  }
  func.func @transform_6(%arg0: i32) -> (i32, i32) {
    %c0_i32 = arith.constant 0 : i32
    %c0_i32_0 = arith.constant 0 : i32
    %c0_i32_1 = arith.constant 0 : i32
    return %c0_i32, %c0_i32_0 : i32, i32
  }
  func.func @transform_7(%arg0: i32) -> (i32, i32) {
    %c0_i32 = arith.constant 0 : i32
    %c0_i32_0 = arith.constant 0 : i32
    %c0_i32_1 = arith.constant 0 : i32
    return %c0_i32, %c0_i32_0 : i32, i32
  }
  func.func @transform_8(%arg0: i32) -> (i32, i32) {
    %c0_i32 = arith.constant 0 : i32
    %c0_i32_0 = arith.constant 0 : i32
    %c0_i32_1 = arith.constant 0 : i32
    return %c0_i32, %c0_i32_0 : i32, i32
  }
  func.func @transform_9(%arg0: i32) -> (i32, i32) {
    %c0_i32 = arith.constant 0 : i32
    %c0_i32_0 = arith.constant 0 : i32
    %c0_i32_1 = arith.constant 0 : i32
    return %c0_i32, %c0_i32_0 : i32, i32
  }
  func.func @transform_10(%arg0: i32) -> (i32, i32) {
    %c0_i32 = arith.constant 0 : i32
    %c0_i32_0 = arith.constant 0 : i32
    %c0_i32_1 = arith.constant 0 : i32
    return %c0_i32, %c0_i32_0 : i32, i32
  }
}

module attributes {stable_mosaic.version = 14 : i64} {
  func.func @_node_body(%arg0: i32, %arg1: memref<2000x128xf32, #tpu.memory_space<vmem>>, %arg2: memref<2000x128xf32, #tpu.memory_space<vmem>>, %arg3: memref<2000x128xf32, #tpu.memory_space<vmem>>, %arg4: memref<2000x128xf32, #tpu.memory_space<vmem>>, %arg5: memref<2000x128xf32, #tpu.memory_space<vmem>>, %arg6: memref<2000x128xf32, #tpu.memory_space<vmem>>, %arg7: memref<256x128xf32, #tpu.memory_space<vmem>>, %arg8: memref<128x128xf32, #tpu.memory_space<vmem>>, %arg9: memref<1x128xf32, #tpu.memory_space<vmem>>, %arg10: memref<1x128xf32, #tpu.memory_space<vmem>>, %arg11: memref<1x128xf32, #tpu.memory_space<vmem>>, %arg12: memref<1x128xf32, #tpu.memory_space<vmem>>, %arg13: memref<2000x128xf32, #tpu.memory_space<vmem>>) attributes {dimension_semantics = [#tpu.dimension_semantics<arbitrary>], iteration_bounds = array<i64: 5>, scalar_prefetch = 0 : i64, scratch_operands = 0 : i64, tpu.core_type = #tpu.core_type<tc>, window_params = [{transform_indices = @transform_0, window_bounds = array<i64: 2000, 128>}, {transform_indices = @transform_1, window_bounds = array<i64: 2000, 128>}, {transform_indices = @transform_2, window_bounds = array<i64: 2000, 128>}, {transform_indices = @transform_3, window_bounds = array<i64: 2000, 128>}, {transform_indices = @transform_4, window_bounds = array<i64: 2000, 128>}, {transform_indices = @transform_5, window_bounds = array<i64: 2000, 128>}, {pipeline_mode = #tpu.pipeline_mode<synchronous>, transform_indices = @transform_6, window_bounds = array<i64: 256, 128>}, {pipeline_mode = #tpu.pipeline_mode<synchronous>, transform_indices = @transform_7, window_bounds = array<i64: 128, 128>}, {pipeline_mode = #tpu.pipeline_mode<synchronous>, transform_indices = @transform_8, window_bounds = array<i64: 1, 128>}, {pipeline_mode = #tpu.pipeline_mode<synchronous>, transform_indices = @transform_9, window_bounds = array<i64: 1, 128>}, {pipeline_mode = #tpu.pipeline_mode<synchronous>, transform_indices = @transform_10, window_bounds = array<i64: 1, 128>}, {pipeline_mode = #tpu.pipeline_mode<synchronous>, transform_indices = @transform_11, window_bounds = array<i64: 1, 128>}, {transform_indices = @transform_12, window_bounds = array<i64: 2000, 128>}]} {
    %get3A = arith.constant 0 : index
    %get3A_0 = arith.constant 0 : index
    %get3A_1 = vector.load %arg1[%get3A, %get3A_0] : memref<2000x128xf32, #tpu.memory_space<vmem>>, vector<2000x128xf32>
    %get3A_2 = arith.constant 0 : index
    %get3A_3 = arith.constant 0 : index
    %get3A_4 = vector.load %arg2[%get3A_2, %get3A_3] : memref<2000x128xf32, #tpu.memory_space<vmem>>, vector<2000x128xf32>
    %add3A = arith.addf %get3A_1, %get3A_4 : vector<2000x128xf32>
    %get3A_5 = arith.constant 0 : index
    %get3A_6 = arith.constant 0 : index
    %get3A_7 = vector.load %arg3[%get3A_5, %get3A_6] : memref<2000x128xf32, #tpu.memory_space<vmem>>, vector<2000x128xf32>
    %add3A_8 = arith.addf %add3A, %get3A_7 : vector<2000x128xf32>
    %get3A_9 = arith.constant 0 : index
    %get3A_10 = arith.constant 0 : index
    %get3A_11 = vector.load %arg4[%get3A_9, %get3A_10] : memref<2000x128xf32, #tpu.memory_space<vmem>>, vector<2000x128xf32>
    %add3A_12 = arith.addf %add3A_8, %get3A_11 : vector<2000x128xf32>
    %get3A_13 = arith.constant 0 : index
    %get3A_14 = arith.constant 0 : index
    %get3A_15 = vector.load %arg5[%get3A_13, %get3A_14] : memref<2000x128xf32, #tpu.memory_space<vmem>>, vector<2000x128xf32>
    %add3A_16 = arith.addf %add3A_12, %get3A_15 : vector<2000x128xf32>
    %get3A_17 = arith.constant 0 : index
    %get3A_18 = arith.constant 0 : index
    %get3A_19 = vector.load %arg6[%get3A_17, %get3A_18] : memref<2000x128xf32, #tpu.memory_space<vmem>>, vector<2000x128xf32>
    %get3A_20 = arith.constant 0 : index
    %get3A_21 = arith.constant 0 : index
    %get3A_22 = vector.load %arg7[%get3A_20, %get3A_21] : memref<256x128xf32, #tpu.memory_space<vmem>>, vector<128x128xf32>
    %dot_general3A = arith.constant dense<0.000000e+00> : vector<2000x128xf32>
    %dot_general3A_23 = tpu.matmul %add3A_16, %get3A_22, %dot_general3A {dimension_numbers = #tpu.dot_dimension_numbers<[1], [0], [0], [1], [0, 0, 1, 1], [], []>, transpose_lhs_hint = false} : vector<2000x128xf32>, vector<128x128xf32>, vector<2000x128xf32> -> vector<2000x128xf32>
    %get3A_24 = arith.constant 128 : index
    %get3A_25 = arith.constant 0 : index
    %get3A_26 = vector.load %arg7[%get3A_24, %get3A_25] : memref<256x128xf32, #tpu.memory_space<vmem>>, vector<128x128xf32>
    %dot_general3A_27 = arith.constant dense<0.000000e+00> : vector<2000x128xf32>
    %dot_general3A_28 = tpu.matmul %get3A_19, %get3A_26, %dot_general3A_27 {dimension_numbers = #tpu.dot_dimension_numbers<[1], [0], [0], [1], [0, 0, 1, 1], [], []>, transpose_lhs_hint = false} : vector<2000x128xf32>, vector<128x128xf32>, vector<2000x128xf32> -> vector<2000x128xf32>
    %add3A_29 = arith.addf %dot_general3A_23, %dot_general3A_28 : vector<2000x128xf32>
    %get3A_30 = arith.constant 0 : index
    %get3A_31 = arith.constant 0 : index
    %get3A_32 = vector.load %arg9[%get3A_30, %get3A_31] : memref<1x128xf32, #tpu.memory_space<vmem>>, vector<1x128xf32>
    %add3A_33 = vector.broadcast %get3A_32 : vector<1x128xf32> to vector<2000x128xf32>
    %add3A_34 = arith.addf %add3A_29, %add3A_33 : vector<2000x128xf32>
    %logistic3A = arith.negf %add3A_34 : vector<2000x128xf32>
    %logistic3A_35 = math.exp %logistic3A : vector<2000x128xf32>
    %logistic3A_36 = arith.constant 1.000000e+00 : f32
    %logistic3A_37 = vector.broadcast %logistic3A_36 : f32 to vector<2000x128xf32>
    %logistic3A_38 = arith.addf %logistic3A_37, %logistic3A_35 : vector<2000x128xf32>
    %logistic3A_39 = arith.divf %logistic3A_37, %logistic3A_38 : vector<2000x128xf32>
    %mul3A = arith.mulf %add3A_34, %logistic3A_39 : vector<2000x128xf32>
    %get3A_40 = arith.constant 0 : index
    %get3A_41 = arith.constant 0 : index
    %get3A_42 = vector.load %arg8[%get3A_40, %get3A_41] : memref<128x128xf32, #tpu.memory_space<vmem>>, vector<128x128xf32>
    %dot_general3A_43 = arith.constant dense<0.000000e+00> : vector<2000x128xf32>
    %dot_general3A_44 = tpu.matmul %mul3A, %get3A_42, %dot_general3A_43 {dimension_numbers = #tpu.dot_dimension_numbers<[1], [0], [0], [1], [0, 0, 1, 1], [], []>, transpose_lhs_hint = false} : vector<2000x128xf32>, vector<128x128xf32>, vector<2000x128xf32> -> vector<2000x128xf32>
    %get3A_45 = arith.constant 0 : index
    %get3A_46 = arith.constant 0 : index
    %get3A_47 = vector.load %arg10[%get3A_45, %get3A_46] : memref<1x128xf32, #tpu.memory_space<vmem>>, vector<1x128xf32>
    %add3A_48 = vector.broadcast %get3A_47 : vector<1x128xf32> to vector<2000x128xf32>
    %add3A_49 = arith.addf %dot_general3A_44, %add3A_48 : vector<2000x128xf32>
    %reduce_sum3A = arith.constant dense<0.000000e+00> : vector<2000xf32>
    %reduce_sum3A_50 = vector.multi_reduction <add>, %add3A_49, %reduce_sum3A [1] : vector<2000x128xf32> to vector<2000xf32>
    %broadcast_in_dim3A = vector.shape_cast %reduce_sum3A_50 : vector<2000xf32> to vector<2000x1xf32>
    %div3A = arith.constant 1.280000e+02 : f32
    %div3A_51 = vector.broadcast %div3A : f32 to vector<2000x1xf32>
    %div3A_52 = arith.divf %broadcast_in_dim3A, %div3A_51 : vector<2000x1xf32>
    %sub3A = vector.broadcast %div3A_52 : vector<2000x1xf32> to vector<2000x128xf32>
    %sub3A_53 = arith.subf %add3A_49, %sub3A : vector<2000x128xf32>
    %sub3A_54 = vector.broadcast %div3A_52 : vector<2000x1xf32> to vector<2000x128xf32>
    %sub3A_55 = arith.subf %add3A_49, %sub3A_54 : vector<2000x128xf32>
    %mul3A_56 = arith.mulf %sub3A_53, %sub3A_55 : vector<2000x128xf32>
    %reduce_sum3A_57 = arith.constant dense<0.000000e+00> : vector<2000xf32>
    %reduce_sum3A_58 = vector.multi_reduction <add>, %mul3A_56, %reduce_sum3A_57 [1] : vector<2000x128xf32> to vector<2000xf32>
    %broadcast_in_dim3A_59 = vector.shape_cast %reduce_sum3A_58 : vector<2000xf32> to vector<2000x1xf32>
    %div3A_60 = arith.constant 1.280000e+02 : f32
    %div3A_61 = vector.broadcast %div3A_60 : f32 to vector<2000x1xf32>
    %div3A_62 = arith.divf %broadcast_in_dim3A_59, %div3A_61 : vector<2000x1xf32>
    %sub3A_63 = vector.broadcast %div3A_52 : vector<2000x1xf32> to vector<2000x128xf32>
    %sub3A_64 = arith.subf %add3A_49, %sub3A_63 : vector<2000x128xf32>
    %add3A_65 = arith.constant 9.99999974E-6 : f32
    %add3A_66 = vector.broadcast %add3A_65 : f32 to vector<2000x1xf32>
    %add3A_67 = arith.addf %div3A_62, %add3A_66 : vector<2000x1xf32>
    %rsqrt3A = math.rsqrt %add3A_67 : vector<2000x1xf32>
    %mul3A_68 = vector.broadcast %rsqrt3A : vector<2000x1xf32> to vector<2000x128xf32>
    %mul3A_69 = arith.mulf %sub3A_64, %mul3A_68 : vector<2000x128xf32>
    %get3A_70 = arith.constant 0 : index
    %get3A_71 = arith.constant 0 : index
    %get3A_72 = vector.load %arg11[%get3A_70, %get3A_71] : memref<1x128xf32, #tpu.memory_space<vmem>>, vector<1x128xf32>
    %mul3A_73 = vector.broadcast %get3A_72 : vector<1x128xf32> to vector<2000x128xf32>
    %mul3A_74 = arith.mulf %mul3A_69, %mul3A_73 : vector<2000x128xf32>
    %get3A_75 = arith.constant 0 : index
    %get3A_76 = arith.constant 0 : index
    %get3A_77 = vector.load %arg12[%get3A_75, %get3A_76] : memref<1x128xf32, #tpu.memory_space<vmem>>, vector<1x128xf32>
    %add3A_78 = vector.broadcast %get3A_77 : vector<1x128xf32> to vector<2000x128xf32>
    %add3A_79 = arith.addf %mul3A_74, %add3A_78 : vector<2000x128xf32>
    %add3A_80 = arith.addf %add3A_79, %get3A_19 : vector<2000x128xf32>
    %swap3A = arith.constant 0 : index
    %swap3A_81 = arith.constant 0 : index
    %swap3A_82 = vector.load %arg13[%swap3A, %swap3A_81] : memref<2000x128xf32, #tpu.memory_space<vmem>>, vector<2000x128xf32>
    tpu.vector_store %arg13[%swap3A, %swap3A_81], %add3A_80 {strides = array<i32>} : memref<2000x128xf32, #tpu.memory_space<vmem>>, vector<2000x128xf32>,
    return
  }
  func.func @transform_0(%arg0: i32) -> (i32, i32) {
    %c0_i32 = arith.constant 0 : i32
    %c0_i32_0 = arith.constant 0 : i32
    return %arg0, %c0_i32 : i32, i32
  }
  func.func @transform_1(%arg0: i32) -> (i32, i32) {
    %c0_i32 = arith.constant 0 : i32
    %c0_i32_0 = arith.constant 0 : i32
    return %arg0, %c0_i32 : i32, i32
  }
  func.func @transform_2(%arg0: i32) -> (i32, i32) {
    %c0_i32 = arith.constant 0 : i32
    %c0_i32_0 = arith.constant 0 : i32
    return %arg0, %c0_i32 : i32, i32
  }
  func.func @transform_3(%arg0: i32) -> (i32, i32) {
    %c0_i32 = arith.constant 0 : i32
    %c0_i32_0 = arith.constant 0 : i32
    return %arg0, %c0_i32 : i32, i32
  }
  func.func @transform_4(%arg0: i32) -> (i32, i32) {
    %c0_i32 = arith.constant 0 : i32
    %c0_i32_0 = arith.constant 0 : i32
    return %arg0, %c0_i32 : i32, i32
  }
  func.func @transform_5(%arg0: i32) -> (i32, i32) {
    %c0_i32 = arith.constant 0 : i32
    %c0_i32_0 = arith.constant 0 : i32
    return %arg0, %c0_i32 : i32, i32
  }
  func.func @transform_6(%arg0: i32) -> (i32, i32) {
    %c0_i32 = arith.constant 0 : i32
    %c0_i32_0 = arith.constant 0 : i32
    %c0_i32_1 = arith.constant 0 : i32
    return %c0_i32, %c0_i32_0 : i32, i32
  }
  func.func @transform_7(%arg0: i32) -> (i32, i32) {
    %c0_i32 = arith.constant 0 : i32
    %c0_i32_0 = arith.constant 0 : i32
    %c0_i32_1 = arith.constant 0 : i32
    return %c0_i32, %c0_i32_0 : i32, i32
  }
  func.func @transform_8(%arg0: i32) -> (i32, i32) {
    %c0_i32 = arith.constant 0 : i32
    %c0_i32_0 = arith.constant 0 : i32
    %c0_i32_1 = arith.constant 0 : i32
    return %c0_i32, %c0_i32_0 : i32, i32
  }
  func.func @transform_9(%arg0: i32) -> (i32, i32) {
    %c0_i32 = arith.constant 0 : i32
    %c0_i32_0 = arith.constant 0 : i32
    %c0_i32_1 = arith.constant 0 : i32
    return %c0_i32, %c0_i32_0 : i32, i32
  }
  func.func @transform_10(%arg0: i32) -> (i32, i32) {
    %c0_i32 = arith.constant 0 : i32
    %c0_i32_0 = arith.constant 0 : i32
    %c0_i32_1 = arith.constant 0 : i32
    return %c0_i32, %c0_i32_0 : i32, i32
  }
  func.func @transform_11(%arg0: i32) -> (i32, i32) {
    %c0_i32 = arith.constant 0 : i32
    %c0_i32_0 = arith.constant 0 : i32
    %c0_i32_1 = arith.constant 0 : i32
    return %c0_i32, %c0_i32_0 : i32, i32
  }
  func.func @transform_12(%arg0: i32) -> (i32, i32) {
    %c0_i32 = arith.constant 0 : i32
    %c0_i32_0 = arith.constant 0 : i32
    return %arg0, %c0_i32 : i32, i32
  }
}

</mosaic_0001>

<sc_bundles>
// kernel: kernel.15.cloned.1.call-start
scs
__scs_entry_jumppad:
0x0: {  	(pc) =	sbr.rel $0x88, $3  }
0x1: {  	(tag) =	ssettag $0x0;
	lr =	simm.s32 $0x1  }
0x2: {  	[smem:$0x3F8E] =	sst lr;
	_ =	strace $0xD0000000  }
0x3: {  	_ = 	snop  }
0x4: {  	_ = 	snop  }
0x5: {  	_ = 	snop  }
0x6: {  	_ = 	snop  }
0x7: {  	_ = 	snop  }
__scs_overlays_trampoline_lowered:
0x8: {  	[smem:$0x3F9D] =	sst s0  }
0x9: {  	[smem:$0x3F9E] =	sst s1  }
0xa: {  	[smem:$0x3F9F] =	sst s2  }
0xb: {  	[smem:$0x3FA0] =	sst s3  }
0xc: {  	[smem:$0x3FA1] =	sst s4  }
0xd: {  	[smem:$0x3FA2] =	sst s5  }
0xe: {  	[smem:$0x3FA3] =	sst s6  }
0xf: {  	[smem:$0x3FA4] =	sst s7  }
0x10: {  	[smem:$0x3FA5] =	sst s8  }
0x11: {  	[smem:$0x3FA6] =	sst s9;
	s0 =	simm.s32 @!p0 $0x0  }
0x12: {  	s1 =	sld [smem:$0x3F8C];
	s0 =	simm.s32 @p0 $0x1  }
0x13: {  	[smem:$0x3FA7] =	sst s0;
	s0 =	simm.s32 @!p1 $0x0  }
0x14: {  	s2 =	sld [smem:$0x3F8B];
	s0 =	simm.s32 @p1 $0x1  }
0x15: {  	[smem:$0x3FA8] =	sst s0;
	s0 =	simm.s32 @!p2 $0x0  }
0x16: {  	s3 =	sld [smem:$0x3FDB];
	s0 =	simm.s32 @p2 $0x1  }
0x17: {  	s4 =	simm.s32 $0x1BF5;
	[smem:$0x3FAA] =	sst s0  }
0x18: {  	s0 =	sld [smem:$0x3F8D];
	_ =	swait.ge [sflag:s4], $0x0  }
0x19: {  	s7 =	sld [smem:$0x3F8E]  }
0x1a: {  	s8 =	sadd.s32 $0xFFFFE003, lr  }
0x1b: {  	s9 =	sadd.s32 $0xFFFFFEF7, lr;
	s5 =	simm.s32 $0xFFFFFFFF;
	p2 =	slt.u32 s8, $0xFFFFF086  }
0x1c: {  	p1 =	slt.u32 s9, $0xF7A;
	s5 =	simm.s32 @!p2 $0x0  }
0x1d: {  	s5 =	simm.s32 @p1 $0x1;
	p0 =	seq.s32 s7, s2  }
0x1e: {  	s7 =	smul.u32 @!p0 $0xF7A, s2;
	p2 =	seq.s32 @!p0 s5, $0x0  }
0x1f: {  	s9 =	smul.u32 $0xF7A, s1;
	s8 =	simm.s32 @!p0 $0x1BF5;
	p2 =	por !p2, p0  }
0x20: {  	[sflag:s8] =	ssyncset.s32 @!p0 $0xFFFFF086;
	s6 =	sadd.s32 @!p0 s3, s7;
	s7 =	simm.s32 @!p0 $0x108  }
0x21: {  	s3 =	sadd.s32 s3, s9;
	s6 =	sadd.s32 @!p0 $0x88, s6;
	s7 =	simm.s32 @p2 $0x1082  }
0x22: {  	[simem:s7], [sflag:s8] =	dma.local @!p0 [hbm:s6], $0xF7A  }
0x23: {  	s9 =	sor.u32 $0xD0000000, s2;
	s6 =	simm.s32 $0x108;
	_ =	swait.ge @!p0 [sflag:s8], $0x0  }
0x24: {  	s3 =	sadd.s32 $0x88, s3;
	s6 =	simm.s32 @!p1 $0x1082;
	[sflag:s4] =	ssyncset.s32 $0xFFFFF086  }
0x25: {  	[simem:s6], [sflag:s4] =	dma.local [hbm:s3], $0xF7A  }
0x26: {  	[smem:$0x3F8E] =	sst s1;
	(tag) =	ssettag s2;
	_ =	strace s9  }
0x27: {  	s1 =	sld [smem:$0x3F9E]  }
0x28: {  	s2 =	sld [smem:$0x3F9F]  }
0x29: {  	s4 =	sld [smem:$0x3FA1]  }
0x2a: {  	p0 =	seq.s32 s5, $0x0;
	s5 =	sld [smem:$0x3FA2]  }
0x2b: {  	s6 =	sld [smem:$0x3FA3]  }
0x2c: {  	s7 =	sld [smem:$0x3FA4]  }
0x2d: {  	s3 =	simm.s32 $0x108;
	s8 =	sld [smem:$0x3FA5]  }
0x2e: {  	s3 =	simm.s32 @!p0 $0x1082;
	s9 =	sld [smem:$0x3FA6]  }
0x2f: {  	lr =	sadd.s32 s0, s3;
	s0 =	sld [smem:$0x3F9D]  }
0x30: {  	s3 =	sld [smem:$0x3FA0]  }
0x31: {  	[smem:$0x3FA9] =	sst s10  }
0x32: {  	s10 =	sld [smem:$0x3FA7];
	_ =	sdelay $0x3  }
0x33: {  	p0 =	seq.s32 s10, $0x1;
	s10 =	sld [smem:$0x3FA9];
	_ =	sdelay $0x3  }
0x34: {  	[smem:$0x3FA9] =	sst s10  }
0x35: {  	s10 =	sld [smem:$0x3FA8];
	_ =	sdelay $0x3  }
0x36: {  	p1 =	seq.s32 s10, $0x1;
	s10 =	sld [smem:$0x3FA9];
	_ =	sdelay $0x3  }
0x37: {  	[smem:$0x3FA9] =	sst s10  }
0x38: {  	s10 =	sld [smem:$0x3FAA]  }
0x39: {  	_ = 	snop;
	(pc) =	sbr.ind lr, $3  }
0x3a: {  	_ = 	snop  }
0x3b: {  	_ = 	snop  }
0x3c: {  	p2 =	seq.s32 s10, $0x1;
	s10 =	sld [smem:$0x3FA9]  }
0x3d: {  	_ =	shalt  }
0x3e: {  	_ =	shalt  }
0x3f: {  	_ =	shalt  }
0x40: {  	_ =	shalt  }
0x41: {  	_ =	shalt  }
0x42: {  	_ =	shalt  }
0x43: {  	_ =	shalt  }
0x44: {  	_ =	shalt  }
0x45: {  	_ =	shalt  }
0x46: {  	_ =	shalt  }
0x47: {  	_ =	shalt  }
0x48: {  	_ =	shalt  }
0x49: {  	_ =	shalt  }
0x4a: {  	_ =	shalt  }
0x4b: {  	_ =	shalt  }
0x4c: {  	_ =	shalt  }
0x4d: {  	_ =	shalt  }
0x4e: {  	_ =	shalt  }
0x4f: {  	_ =	shalt  }
0x50: {  	_ =	shalt  }
0x51: {  	_ =	shalt  }
0x52: {  	_ =	shalt  }
0x53: {  	_ =	shalt  }
0x54: {  	_ =	shalt  }
0x55: {  	_ =	shalt  }
0x56: {  	_ =	shalt  }
0x57: {  	_ =	shalt  }
0x58: {  	_ =	shalt  }
0x59: {  	_ =	shalt  }
0x5a: {  	_ =	shalt  }
0x5b: {  	_ =	shalt  }
0x5c: {  	_ =	shalt  }
0x5d: {  	_ =	shalt  }
0x5e: {  	_ =	shalt  }
0x5f: {  	_ =	shalt  }
0x60: {  	_ =	shalt  }
0x61: {  	_ =	shalt  }
0x62: {  	_ =	shalt  }
0x63: {  	_ =	shalt  }
0x64: {  	_ =	shalt  }
0x65: {  	_ =	shalt  }
0x66: {  	_ =	shalt  }
0x67: {  	_ =	shalt  }
0x68: {  	_ =	shalt  }
0x69: {  	_ =	shalt  }
0x6a: {  	_ =	shalt  }
0x6b: {  	_ =	shalt  }
0x6c: {  	_ =	shalt  }
0x6d: {  	_ =	shalt  }
0x6e: {  	_ =	shalt  }
0x6f: {  	_ =	shalt  }
0x70: {  	_ =	shalt  }
0x71: {  	_ =	shalt  }
0x72: {  	_ =	shalt  }
0x73: {  	_ =	shalt  }
0x74: {  	_ =	shalt  }
0x75: {  	_ =	shalt  }
0x76: {  	_ =	shalt  }
0x77: {  	_ =	shalt  }
0x78: {  	_ =	shalt  }
0x79: {  	_ =	shalt  }
0x7a: {  	_ =	shalt  }
0x7b: {  	_ =	shalt  }
0x7c: {  	_ =	shalt  }
0x7d: {  	_ =	shalt  }
0x7e: {  	_ =	shalt  }
0x7f: {  	_ =	shalt  }
0x80: {  	_ =	shalt  }
0x81: {  	_ =	shalt  }
0x82: {  	_ =	shalt  }
0x83: {  	_ =	shalt  }
0x84: {  	_ =	shalt  }
0x85: {  	_ =	shalt  }
0x86: {  	_ =	shalt  }
0x87: {  	_ =	shalt  }
.Lfunc_end0:
.L_simem_size_0:
called_computation_lowered:
.L_overlay_start_0:
0x88: {  	s2 =	sld [smem:$0x3FD9]  }
0x89: {  	s3 =	sld [smem:$0x3FFE];
	_ =	sdelay $0x1  }
0x8a: {  	s1 =	srdreg.scid  }
0x8b: {  	s0 =	sand.u32 $0x1, s1  }
0x8c: {  	s17 =	sshll.u32 s0, $0xA;
	s2 =	sadd.s32 s3, s2  }
0x8d: {  	s2 =	sadd.s32 s2, s17  }
0x8e: {  	[smem:$0x3FB5] =	sst s2  }
0x8f: {  	_ = 	snop  }
0x90: {  	s18 =	sld [smem:$0x3FC6]  }
0x91: {  	s4 =	sld [smem:$0x3FD0];
	(tm) =	ssettm $0x1  }
0x92: {  	s19 =	sld [smem:$0x3FFB];
	_ =	sdelay $0x3  }
0x93: {  	_ =	strace s19  }
0x94: {  	s2 =	sld [smem:$0x3FFC];
	_ =	sdelay $0x3  }
0x95: {  	_ =	strace s2  }
0x96: {  	s2 =	sld [smem:$0x3FFD];
	_ =	sdelay $0x3  }
0x97: {  	_ =	strace s2  }
0x98: {  	_ =	strace $0x8FFFFFFF  }
0x99: {  	s20 =	sld [smem:$0x3FDB];
	_ =	sdelay $0x1  }
0x9a: {  	s5 =	simm.s32 $_scs_section_size  }
0x9b: {  	s6 =	simm.s32 $_size__tile_overlayer_lowered;
	s7 =	simm.s32 $_tile_overlayer_lowered  }
0x9c: {  	s8 =	simm.s32 $0x1BFF;
	s21 =	sshll.u32 s7, $0x1;
	s5 =	sadd.s32 s5, s20  }
0x9d: {  	s22 =	simm.s32 $0x0;
	s6 =	sshll.u32 s6, $0x1;
	s7 =	sadd.s32 s21, s5  }
0x9e: {  	[timem:s22], [sflag:s8] =	dma.local [hbm:s7], s6  }
0x9f: {  	_ =	swait.ge [sflag:s8], s6  }
0xa0: {  	s6 =	ssub.s32 $0x0, s6;
	[sflag:s8] =	ssyncset.done $0x0  }
0xa1: {  	[sflag:s8] =	ssyncadd.s32 s6;
	_ =	sdelay $0x1  }
0xa2: {  	s23 =	simm.s32 $0x1B8B  }
0xa3: {  	_ =	swait.ge [sflag:s23], $0x1  }
0xa4: {  	[sflag:s23] =	ssyncset.done $0x0  }
0xa5: {  	[sflag:s23] =	ssyncadd.s32 $0xFFFFFFFF  }
0xa6: {  	s6 =	sld [smem:$0x0]  }
0xa7: {  	s7 =	sand.u32 $0xFFFFFFFE, s1  }
0xa8: {  	p0 =	sne.s32 s1, s7  }
0xa9: {  	s7 =	sshll.u32 @p0 s7, $0xE  }
0xaa: {  	s7 =	sadd.s32 @p0 $0x11B8D, s7;
	s8 =	sshll.u32 @p0 s6, $0x11  }
0xab: {  	s7 =	sor.u32 @p0 s8, s7  }
0xac: {  	[sflag:s7] =	ssyncadd.remote.s32 @p0 $0x1;
	_ =	sdelay $0x1  }
0xad: {  	s7 =	simm.s32 @p0 $0x1B8D  }
0xae: {  	_ =	swait.eq @p0 [sflag:s7], $0x1  }
0xaf: {  	[sflag:s7] =	ssyncadd.s32 @p0 $0xFFFFFFFF  }
0xb0: {  	s8 =	sshll.u32 @!p0 s1, $0xE  }
0xb1: {  	s8 =	sor.u32 @!p0 $0x4000, s8;
	s7 =	simm.s32 @!p0 $0x1B8D  }
0xb2: {  	s6 =	sshll.u32 @!p0 s6, $0x11;
	s8 =	sadd.s32 @!p0 $0x11B8D, s8;
	_ =	swait.eq @!p0 [sflag:s7], $0x1  }
0xb3: {  	s6 =	sor.u32 @!p0 s6, s8;
	[sflag:s7] =	ssyncadd.s32 @!p0 $0xFFFFFFFF  }
0xb4: {  	s25 =	simm.s32 $0x1B8E;
	s24 =	sld [smem:$0x3FFE];
	[sflag:s6] =	ssyncadd.remote.s32 @!p0 $0x1  }
0xb5: {  	s26 =	simm.s32 $execute0_lowered;
	[smem:$0x3FD2] =	sst s25  }
0xb6: {  	s7 =	sshll.u32 s26, $0x1;
	_ =	strace $0x80000052;
	[dreg:$0x1] =	wrdreg $0xFFFFFFFF  }
0xb7: {  	s28 =	simm.s32 $_size_execute0_lowered;
	s5 =	sadd.s32 s5, s7;
	[dreg:$0x0] =	wrdreg $0x0  }
0xb8: {  	s7 =	sshll.u32 s28, $0x1;
	[dreg:$0x2] =	wrdreg s5  }
0xb9: {  	[dreg:$0x3] =	wrdreg s7  }
0xba: {  	[dreg:$0x4] =	wrdreg $0xC0  }
0xbb: {  	_ =	task [dreg:s22], $0x5FFFF  }
0xbc: {  	[dreg:$0x1] =	wrdreg $0xFFFFFFFF  }
0xbd: {  	[dreg:$0x0] =	wrdreg $0x60  }
0xbe: {  	[dreg:$0x2] =	wrdreg s4  }
0xbf: {  	[dreg:$0x3] =	wrdreg s18  }
0xc0: {  	[dreg:$0x4] =	wrdreg s24  }
0xc1: {  	[dreg:$0x5] =	wrdreg $0x9  }
0xc2: {  	_ =	task.clear_ibuf [dreg:s22], $0x6FFFF;
	_ =	strace $0x90000052  }
0xc3: {  	s29 =	simm.s32 $0x9;
	_ =	strace $0x80000054  }
0xc4: {  	_ =	swait.ge [sflag:s29], $0x1  }
0xc5: {  	[sflag:s29] =	ssyncadd.s32 $0xFFFFFFFF  }
0xc6: {  	_ =	strace $0x90000054  }
0xc7: {  	_ =	sfence  }
0xc8: {  	s30 =	sld [smem:$0x0];
	_ =	sdelay $0x2  }
0xc9: {  	s31 =	sshll.u32 s1, $0xD;
	s1 =	sshrl.u32 s1, $0x2  }
0xca: {  	s4 =	sand.u32 $0x4000, s31;
	s1 =	sadd.s32 s1, s30  }
0xcb: {  	s0 =	sor.u32 s4, s0;
	s1 =	sshll.u32 s1, $0x11  }
0xcc: {  	s0 =	sor.u32 s1, s0  }
0xcd: {  	s0 =	sadd.s32 $0x8F2B, s0  }
0xce: {  	[sflag:s0] =	ssyncadd.remote.s32 $0x1  }
0xcf: {  	_ =	sfence.sel $0xFFFF  }
0xd0: {  	[dreg:$0x0] =	wrdreg $0xFFFFFFFF;
	(pc) =	sbr.abs _section_cstart, $3  }
0xd1: {  	[dreg:$0x1] =	wrdreg $0xFFFFFFFF  }
0xd2: {  	_ =	task.clear_ibuf [dreg:s22], $0x2FFFF;
	_ =	strace $0x9FFFFFFF  }
0xd3: {  	(tm) =	ssettm $0x7FFFFFFF  }
tec
execute0_lowered:
.L_overlay_start_1:
0x0: {  	(tag) =	ssettag $0x1  }
0x1: {  	s1 =	srdreg.scid;
	s0 =	stileid.u32  }
0x2: {  	s2 =	rddreg [dreg:$0x0];
	s17 =	sand.u32 $0x1, s1;
	s26 =	sshll.u32 s0, $0x1  }
0x3: {  	s16 =	rddreg [dreg:$0x1];
	s9 =	sor.u32 s17, s26  }
0x4: {  	s10 =	rddreg [dreg:$0x2];
	s18 =	smul.u32 $0x7D0, s9  }
0x5: {  	s3 =	simm.s32 $0x0;
	s1 =	rddreg [dreg:$0x3]  }
0x6: {  	[smem:$0x7FF] =	sst s3;
	s4 =	sshrl.u32 s18, $0x3  }
0x7: {  	_ =	strace $0x80000053;
	s5 =	sadd.s32 s16, s4;
	s4 =	simm.s32 $0x2  }
0x8: {  	[tilespmem:s3], [sflag:$0x2] =	stream.linear.gather [hbm4b:s5+s3], $0x190, $0x38;
	[tilespmem:$0xCA00] =	vst v63  }
0x9: {  	_ =	swait.ge [sflag:s4], $0x190  }
0xa: {  	s6 =	simm.s32 $0x190;
	[sflag:s4] =	ssyncset.done $0x0  }
0xb: {  	s7 =	simm.s32 $0x200;
	s8 =	simm.s32 $0x1;
	[sflag:s4] =	ssyncadd.s32 $0xFFFFFE70  }
0xc: {  	[tilespmem:s7], [sflag:$0x1] =	stream.indirect.gather [hbm4b:s2+s6], $0x80, s3, s6, $0xb8;
	[tilespmem:$0xCA00] =	vst v63  }
0xd: {  	s9 =	smul.u32 $0x7D00, s9;
	_ =	swait.ge [sflag:s8], $0xC800  }
0xe: {  	s19 =	sadd.s32 $0x3ECA00, s10;
	[sflag:s8] =	ssyncset.done $0x0  }
0xf: {  	s9 =	sadd.s32 s19, s9;
	[sflag:s8] =	ssyncadd.s32 $0xFFFF3800  }
0x10: {  	[hbm4b:s9+s3] =	stream.linear.scatter [tilespmem:s7], [sflag:$0x2], $0xC800, $0x38;
	[tilespmem:$0xCA00] =	vst v63  }
0x11: {  	s11 =	sadd.s32 $0x190, s18;
	_ =	swait.ge [sflag:s4], $0xC800  }
0x12: {  	s28 =	sshrl.u32 s11, $0x3;
	[sflag:s4] =	ssyncset.done $0x0  }
0x13: {  	s10 =	sadd.s32 s16, s28;
	[sflag:s4] =	ssyncadd.s32 $0xFFFF3800  }
0x14: {  	[tilespmem:s3], [sflag:$0x2] =	stream.linear.gather [hbm4b:s10+s3], $0x190, $0x38;
	[tilespmem:$0xCA00] =	vst v63  }
0x15: {  	_ =	swait.ge [sflag:s4], $0x190  }
0x16: {  	[sflag:s4] =	ssyncset.done $0x0  }
0x17: {  	[sflag:s4] =	ssyncadd.s32 $0xFFFFFE70  }
0x18: {  	[tilespmem:s7], [sflag:$0x1] =	stream.indirect.gather [hbm4b:s2+s6], $0x80, s3, s6, $0xb8;
	[tilespmem:$0xCA00] =	vst v63  }
0x19: {  	_ =	swait.ge [sflag:s8], $0xC800  }
0x1a: {  	s11 =	sshll.u32 s11, $0x4;
	[sflag:s8] =	ssyncset.done $0x0  }
0x1b: {  	s11 =	sadd.s32 s19, s11;
	[sflag:s8] =	ssyncadd.s32 $0xFFFF3800  }
0x1c: {  	[hbm4b:s11+s3] =	stream.linear.scatter [tilespmem:s7], [sflag:$0x2], $0xC800, $0x38;
	[tilespmem:$0xCA00] =	vst v63  }
0x1d: {  	s13 =	sadd.s32 $0x320, s18;
	_ =	swait.ge [sflag:s4], $0xC800  }
0x1e: {  	s12 =	sshrl.u32 s13, $0x3;
	[sflag:s4] =	ssyncset.done $0x0  }
0x1f: {  	s12 =	sadd.s32 s16, s12;
	[sflag:s4] =	ssyncadd.s32 $0xFFFF3800  }
0x20: {  	[tilespmem:s3], [sflag:$0x2] =	stream.linear.gather [hbm4b:s12+s3], $0x190, $0x38;
	[tilespmem:$0xCA00] =	vst v63  }
0x21: {  	_ =	swait.ge [sflag:s4], $0x190  }
0x22: {  	[sflag:s4] =	ssyncset.done $0x0  }
0x23: {  	[sflag:s4] =	ssyncadd.s32 $0xFFFFFE70  }
0x24: {  	[tilespmem:s7], [sflag:$0x1] =	stream.indirect.gather [hbm4b:s2+s6], $0x80, s3, s6, $0xb8;
	[tilespmem:$0xCA00] =	vst v63  }
0x25: {  	_ =	swait.ge [sflag:s8], $0xC800  }
0x26: {  	s13 =	sshll.u32 s13, $0x4;
	[sflag:s8] =	ssyncset.done $0x0  }
0x27: {  	s13 =	sadd.s32 s19, s13;
	[sflag:s8] =	ssyncadd.s32 $0xFFFF3800  }
0x28: {  	[hbm4b:s13+s3] =	stream.linear.scatter [tilespmem:s7], [sflag:$0x2], $0xC800, $0x38;
	[tilespmem:$0xCA00] =	vst v63  }
0x29: {  	s15 =	sadd.s32 $0x4B0, s18;
	_ =	swait.ge [sflag:s4], $0xC800  }
0x2a: {  	s14 =	sshrl.u32 s15, $0x3;
	[sflag:s4] =	ssyncset.done $0x0  }
0x2b: {  	s14 =	sadd.s32 s16, s14;
	[sflag:s4] =	ssyncadd.s32 $0xFFFF3800  }
0x2c: {  	[tilespmem:s3], [sflag:$0x2] =	stream.linear.gather [hbm4b:s14+s3], $0x190, $0x38;
	[tilespmem:$0xCA00] =	vst v63  }
0x2d: {  	_ =	swait.ge [sflag:s4], $0x190  }
0x2e: {  	[sflag:s4] =	ssyncset.done $0x0  }
0x2f: {  	[sflag:s4] =	ssyncadd.s32 $0xFFFFFE70  }
0x30: {  	[tilespmem:s7], [sflag:$0x1] =	stream.indirect.gather [hbm4b:s2+s6], $0x80, s3, s6, $0xb8;
	[tilespmem:$0xCA00] =	vst v63  }
0x31: {  	_ =	swait.ge [sflag:s8], $0xC800  }
0x32: {  	s15 =	sshll.u32 s15, $0x4;
	[sflag:s8] =	ssyncset.done $0x0  }
0x33: {  	s15 =	sadd.s32 s19, s15;
	[sflag:s8] =	ssyncadd.s32 $0xFFFF3800  }
0x34: {  	[hbm4b:s15+s3] =	stream.linear.scatter [tilespmem:s7], [sflag:$0x2], $0xC800, $0x38;
	[tilespmem:$0xCA00] =	vst v63  }
0x35: {  	s18 =	sadd.s32 $0x640, s18;
	_ =	swait.ge [sflag:s4], $0xC800  }
0x36: {  	s20 =	sshrl.u32 s18, $0x3;
	[sflag:s4] =	ssyncset.done $0x0  }
0x37: {  	s17 =	ssub.s32 $0x2, s17;
	s16 =	sadd.s32 s16, s20;
	[sflag:s4] =	ssyncadd.s32 $0xFFFF3800  }
0x38: {  	[tilespmem:s3], [sflag:$0x2] =	stream.linear.gather [hbm4b:s16+s3], $0x190, $0x38;
	[tilespmem:$0xCA00] =	vst v63  }
0x39: {  	s29 =	sshrl.u32 s17, $0x1;
	_ =	swait.ge [sflag:s4], $0x190  }
0x3a: {  	s20 =	ssub.s32 s17, s29;
	[sflag:s4] =	ssyncset.done $0x0  }
0x3b: {  	s31 =	smax.u32 s20, $0x1;
	[sflag:s4] =	ssyncadd.s32 $0xFFFFFE70  }
0x3c: {  	[tilespmem:s7], [sflag:$0x1] =	stream.indirect.gather [hbm4b:s2+s6], $0x80, s3, s6, $0xb8;
	[tilespmem:$0xCA00] =	vst v63  }
0x3d: {  	p0 =	sne.s32 s31, $0x1;
	_ =	swait.ge [sflag:s8], $0xC800  }
.Ltmp0:
0x3e: {  	s30 =	sshll.u32 s18, $0x4;
	[sflag:s8] =	ssyncset.done $0x0;
	(pc) =	sbr.rel @!p0 .LBB2_2-.Ltmp0, $4  }
0x3f: {  	s17 =	sadd.s32 s19, s30;
	[sflag:s8] =	ssyncadd.s32 $0xFFFF3800  }
0x40: {  	[hbm4b:s17+s3] =	stream.linear.scatter [tilespmem:s7], [sflag:$0x2], $0xC800, $0x38;
	[tilespmem:$0xCA00] =	vst v63  }
0x41: {  	_ =	swait.ge [sflag:s4], $0xC800  }
0x42: {  	s18 =	sadd.s32 $0xFFFFFFFF, s31;
	[sflag:s4] =	ssyncset.done $0x0  }
.LBB2_1:
0x43: {  	p0 =	sne.s32 s18, $0x1;
	s18 =	sadd.s32 $0xFFFFFFFF, s18;
	[sflag:s4] =	ssyncadd.s32 $0xFFFF3800  }
0x44: {  	[tilespmem:s3], [sflag:$0x2] =	stream.linear.gather [hbm4b:s5+s3], $0x190, $0x38;
	[tilespmem:$0xCA00] =	vst v63  }
0x45: {  	_ =	swait.ge [sflag:s4], $0x190  }
0x46: {  	[sflag:s4] =	ssyncset.done $0x0  }
0x47: {  	[sflag:s4] =	ssyncadd.s32 $0xFFFFFE70  }
0x48: {  	[tilespmem:s7], [sflag:$0x1] =	stream.indirect.gather [hbm4b:s2+s6], $0x80, s3, s6, $0xb8;
	[tilespmem:$0xCA00] =	vst v63  }
0x49: {  	_ =	swait.ge [sflag:s8], $0xC800  }
0x4a: {  	[sflag:s8] =	ssyncset.done $0x0  }
0x4b: {  	[sflag:s8] =	ssyncadd.s32 $0xFFFF3800  }
0x4c: {  	[hbm4b:s9+s3] =	stream.linear.scatter [tilespmem:s7], [sflag:$0x2], $0xC800, $0x38;
	[tilespmem:$0xCA00] =	vst v63  }
0x4d: {  	_ =	swait.ge [sflag:s4], $0xC800  }
0x4e: {  	[sflag:s4] =	ssyncset.done $0x0  }
0x4f: {  	[sflag:s4] =	ssyncadd.s32 $0xFFFF3800  }
0x50: {  	[tilespmem:s3], [sflag:$0x2] =	stream.linear.gather [hbm4b:s10+s3], $0x190, $0x38;
	[tilespmem:$0xCA00] =	vst v63  }
0x51: {  	_ =	swait.ge [sflag:s4], $0x190  }
0x52: {  	[sflag:s4] =	ssyncset.done $0x0  }
0x53: {  	[sflag:s4] =	ssyncadd.s32 $0xFFFFFE70  }
0x54: {  	[tilespmem:s7], [sflag:$0x1] =	stream.indirect.gather [hbm4b:s2+s6], $0x80, s3, s6, $0xb8;
	[tilespmem:$0xCA00] =	vst v63  }
0x55: {  	_ =	swait.ge [sflag:s8], $0xC800  }
0x56: {  	[sflag:s8] =	ssyncset.done $0x0  }
0x57: {  	[sflag:s8] =	ssyncadd.s32 $0xFFFF3800  }
0x58: {  	[hbm4b:s11+s3] =	stream.linear.scatter [tilespmem:s7], [sflag:$0x2], $0xC800, $0x38;
	[tilespmem:$0xCA00] =	vst v63  }
0x59: {  	_ =	swait.ge [sflag:s4], $0xC800  }
0x5a: {  	[sflag:s4] =	ssyncset.done $0x0  }
0x5b: {  	[sflag:s4] =	ssyncadd.s32 $0xFFFF3800  }
0x5c: {  	[tilespmem:s3], [sflag:$0x2] =	stream.linear.gather [hbm4b:s12+s3], $0x190, $0x38;
	[tilespmem:$0xCA00] =	vst v63  }
0x5d: {  	_ =	swait.ge [sflag:s4], $0x190  }
0x5e: {  	[sflag:s4] =	ssyncset.done $0x0  }
0x5f: {  	[sflag:s4] =	ssyncadd.s32 $0xFFFFFE70  }
0x60: {  	[tilespmem:s7], [sflag:$0x1] =	stream.indirect.gather [hbm4b:s2+s6], $0x80, s3, s6, $0xb8;
	[tilespmem:$0xCA00] =	vst v63  }
0x61: {  	_ =	swait.ge [sflag:s8], $0xC800  }
0x62: {  	[sflag:s8] =	ssyncset.done $0x0  }
0x63: {  	[sflag:s8] =	ssyncadd.s32 $0xFFFF3800  }
0x64: {  	[hbm4b:s13+s3] =	stream.linear.scatter [tilespmem:s7], [sflag:$0x2], $0xC800, $0x38;
	[tilespmem:$0xCA00] =	vst v63  }
0x65: {  	_ =	swait.ge [sflag:s4], $0xC800  }
0x66: {  	[sflag:s4] =	ssyncset.done $0x0  }
0x67: {  	[sflag:s4] =	ssyncadd.s32 $0xFFFF3800  }
0x68: {  	[tilespmem:s3], [sflag:$0x2] =	stream.linear.gather [hbm4b:s14+s3], $0x190, $0x38;
	[tilespmem:$0xCA00] =	vst v63  }
0x69: {  	_ =	swait.ge [sflag:s4], $0x190  }
0x6a: {  	[sflag:s4] =	ssyncset.done $0x0  }
0x6b: {  	[sflag:s4] =	ssyncadd.s32 $0xFFFFFE70  }
0x6c: {  	[tilespmem:s7], [sflag:$0x1] =	stream.indirect.gather [hbm4b:s2+s6], $0x80, s3, s6, $0xb8;
	[tilespmem:$0xCA00] =	vst v63  }
0x6d: {  	_ =	swait.ge [sflag:s8], $0xC800  }
0x6e: {  	[sflag:s8] =	ssyncset.done $0x0  }
0x6f: {  	[sflag:s8] =	ssyncadd.s32 $0xFFFF3800  }
0x70: {  	[hbm4b:s15+s3] =	stream.linear.scatter [tilespmem:s7], [sflag:$0x2], $0xC800, $0x38;
	[tilespmem:$0xCA00] =	vst v63  }
0x71: {  	_ =	swait.ge [sflag:s4], $0xC800  }
0x72: {  	[sflag:s4] =	ssyncset.done $0x0  }
0x73: {  	[sflag:s4] =	ssyncadd.s32 $0xFFFF3800  }
0x74: {  	[tilespmem:s3], [sflag:$0x2] =	stream.linear.gather [hbm4b:s16+s3], $0x190, $0x38;
	[tilespmem:$0xCA00] =	vst v63  }
0x75: {  	_ =	swait.ge [sflag:s4], $0x190  }
0x76: {  	[sflag:s4] =	ssyncset.done $0x0  }
0x77: {  	[sflag:s4] =	ssyncadd.s32 $0xFFFFFE70  }
0x78: {  	[tilespmem:s7], [sflag:$0x1] =	stream.indirect.gather [hbm4b:s2+s6], $0x80, s3, s6, $0xb8;
	[tilespmem:$0xCA00] =	vst v63  }
0x79: {  	_ =	swait.ge [sflag:s8], $0xC800  }
.Ltmp1:
0x7a: {  	[sflag:s8] =	ssyncset.done $0x0;
	(pc) =	sbr.rel @p0 .LBB2_1-.Ltmp1, $4  }
0x7b: {  	[sflag:s8] =	ssyncadd.s32 $0xFFFF3800  }
0x7c: {  	[hbm4b:s17+s3] =	stream.linear.scatter [tilespmem:s7], [sflag:$0x2], $0xC800, $0x38;
	[tilespmem:$0xCA00] =	vst v63  }
0x7d: {  	_ =	swait.ge [sflag:s4], $0xC800  }
0x7e: {  	[sflag:s4] =	ssyncset.done $0x0  }
.LBB2_2:
0x7f: {  	[sflag:s4] =	ssyncadd.s32 $0xFFFF3800  }
0x80: {  	_ =	sfence.sel $0x180000  }
0x81: {  	[bflag:$0x0] =	sbarrier.arrive $0xFFFF  }
0x82: {  	p0 =	sne.s32 s0, $0x0;
	_ =	strace $0x90000053  }
0x83: {  	s0 =	sadd.s32 @!p0 $0x100000, s1;
	[bflag:$0x2] =	sbarrier.arrive $0xFFFF  }
0x84: {  	[sflag:s0] =	ssyncadd.tile.s32 @!p0 $0x1;
	_ =	shalt  }
.Lfunc_end2:
_tile_overlayer_lowered:
.L_overlay_start_2:
0x85: {  	(tag) =	ssettag $0x2  }
0x86: {  	s0 =	rddreg [dreg:$0x0];
	s2 =	stileid.u32  }
0x87: {  	s1 =	rddreg [dreg:$0x1];
	p0 =	sne.s32 s2, $0x0  }
0x88: {  	s3 =	rddreg [dreg:$0x2];
	[bflag:$0x3] =	sbarrier.arrive $0xFFFF;
	s2 =	simm.s32 @!p0 $0x1C02  }
0x89: {  	[timem:s3], [sflag:s2] =	dma.local @!p0 [hbm:s0], s1  }
0x8a: {  	s0 =	simm.s32 @!p0 $0x2  }
0x8b: {  	_ =	swait.ge @!p0 [sflag:s0], s1  }
0x8c: {  	s1 =	ssub.s32 @!p0 $0x0, s1;
	[sflag:s0] =	ssyncset.done @!p0 $0x0  }
0x8d: {  	[sflag:s0] =	ssyncadd.s32 @!p0 s1  }
0x8e: {  	[bflag:$0x3] =	sbarrier.arrive $0xFFFF  }
0x8f: {  	_ =	shalt  }

// kernel: kernel.18.cloned.1.call-start
scs
__scs_entry_jumppad:
0x0: {  	(pc) =	sbr.rel $0x88, $3  }
0x1: {  	(tag) =	ssettag $0x0;
	lr =	simm.s32 $0x1  }
0x2: {  	[smem:$0x3F8E] =	sst lr;
	_ =	strace $0xD0000000  }
0x3: {  	_ = 	snop  }
0x4: {  	_ = 	snop  }
0x5: {  	_ = 	snop  }
0x6: {  	_ = 	snop  }
0x7: {  	_ = 	snop  }
__scs_overlays_trampoline_lowered:
0x8: {  	[smem:$0x3F9D] =	sst s0  }
0x9: {  	[smem:$0x3F9E] =	sst s1  }
0xa: {  	[smem:$0x3F9F] =	sst s2  }
0xb: {  	[smem:$0x3FA0] =	sst s3  }
0xc: {  	[smem:$0x3FA1] =	sst s4  }
0xd: {  	[smem:$0x3FA2] =	sst s5  }
0xe: {  	[smem:$0x3FA3] =	sst s6  }
0xf: {  	[smem:$0x3FA4] =	sst s7  }
0x10: {  	[smem:$0x3FA5] =	sst s8  }
0x11: {  	[smem:$0x3FA6] =	sst s9;
	s0 =	simm.s32 @!p0 $0x0  }
0x12: {  	s1 =	sld [smem:$0x3F8C];
	s0 =	simm.s32 @p0 $0x1  }
0x13: {  	[smem:$0x3FA7] =	sst s0;
	s0 =	simm.s32 @!p1 $0x0  }
0x14: {  	s2 =	sld [smem:$0x3F8B];
	s0 =	simm.s32 @p1 $0x1  }
0x15: {  	[smem:$0x3FA8] =	sst s0;
	s0 =	simm.s32 @!p2 $0x0  }
0x16: {  	s3 =	sld [smem:$0x3FDB];
	s0 =	simm.s32 @p2 $0x1  }
0x17: {  	s4 =	simm.s32 $0x1BF5;
	[smem:$0x3FAA] =	sst s0  }
0x18: {  	s0 =	sld [smem:$0x3F8D];
	_ =	swait.ge [sflag:s4], $0x0  }
0x19: {  	s7 =	sld [smem:$0x3F8E]  }
0x1a: {  	s8 =	sadd.s32 $0xFFFFE003, lr  }
0x1b: {  	s9 =	sadd.s32 $0xFFFFFEF7, lr;
	s5 =	simm.s32 $0xFFFFFFFF;
	p2 =	slt.u32 s8, $0xFFFFF086  }
0x1c: {  	p1 =	slt.u32 s9, $0xF7A;
	s5 =	simm.s32 @!p2 $0x0  }
0x1d: {  	s5 =	simm.s32 @p1 $0x1;
	p0 =	seq.s32 s7, s2  }
0x1e: {  	s7 =	smul.u32 @!p0 $0xF7A, s2;
	p2 =	seq.s32 @!p0 s5, $0x0  }
0x1f: {  	s9 =	smul.u32 $0xF7A, s1;
	s8 =	simm.s32 @!p0 $0x1BF5;
	p2 =	por !p2, p0  }
0x20: {  	[sflag:s8] =	ssyncset.s32 @!p0 $0xFFFFF086;
	s6 =	sadd.s32 @!p0 s3, s7;
	s7 =	simm.s32 @!p0 $0x108  }
0x21: {  	s3 =	sadd.s32 s3, s9;
	s6 =	sadd.s32 @!p0 $0x88, s6;
	s7 =	simm.s32 @p2 $0x1082  }
0x22: {  	[simem:s7], [sflag:s8] =	dma.local @!p0 [hbm:s6], $0xF7A  }
0x23: {  	s9 =	sor.u32 $0xD0000000, s2;
	s6 =	simm.s32 $0x108;
	_ =	swait.ge @!p0 [sflag:s8], $0x0  }
0x24: {  	s3 =	sadd.s32 $0x88, s3;
	s6 =	simm.s32 @!p1 $0x1082;
	[sflag:s4] =	ssyncset.s32 $0xFFFFF086  }
0x25: {  	[simem:s6], [sflag:s4] =	dma.local [hbm:s3], $0xF7A  }
0x26: {  	[smem:$0x3F8E] =	sst s1;
	(tag) =	ssettag s2;
	_ =	strace s9  }
0x27: {  	s1 =	sld [smem:$0x3F9E]  }
0x28: {  	s2 =	sld [smem:$0x3F9F]  }
0x29: {  	s4 =	sld [smem:$0x3FA1]  }
0x2a: {  	p0 =	seq.s32 s5, $0x0;
	s5 =	sld [smem:$0x3FA2]  }
0x2b: {  	s6 =	sld [smem:$0x3FA3]  }
0x2c: {  	s7 =	sld [smem:$0x3FA4]  }
0x2d: {  	s3 =	simm.s32 $0x108;
	s8 =	sld [smem:$0x3FA5]  }
0x2e: {  	s3 =	simm.s32 @!p0 $0x1082;
	s9 =	sld [smem:$0x3FA6]  }
0x2f: {  	lr =	sadd.s32 s0, s3;
	s0 =	sld [smem:$0x3F9D]  }
0x30: {  	s3 =	sld [smem:$0x3FA0]  }
0x31: {  	[smem:$0x3FA9] =	sst s10  }
0x32: {  	s10 =	sld [smem:$0x3FA7];
	_ =	sdelay $0x3  }
0x33: {  	p0 =	seq.s32 s10, $0x1;
	s10 =	sld [smem:$0x3FA9];
	_ =	sdelay $0x3  }
0x34: {  	[smem:$0x3FA9] =	sst s10  }
0x35: {  	s10 =	sld [smem:$0x3FA8];
	_ =	sdelay $0x3  }
0x36: {  	p1 =	seq.s32 s10, $0x1;
	s10 =	sld [smem:$0x3FA9];
	_ =	sdelay $0x3  }
0x37: {  	[smem:$0x3FA9] =	sst s10  }
0x38: {  	s10 =	sld [smem:$0x3FAA]  }
0x39: {  	_ = 	snop;
	(pc) =	sbr.ind lr, $3  }
0x3a: {  	_ = 	snop  }
0x3b: {  	_ = 	snop  }
0x3c: {  	p2 =	seq.s32 s10, $0x1;
	s10 =	sld [smem:$0x3FA9]  }
0x3d: {  	_ =	shalt  }
0x3e: {  	_ =	shalt  }
0x3f: {  	_ =	shalt  }
0x40: {  	_ =	shalt  }
0x41: {  	_ =	shalt  }
0x42: {  	_ =	shalt  }
0x43: {  	_ =	shalt  }
0x44: {  	_ =	shalt  }
0x45: {  	_ =	shalt  }
0x46: {  	_ =	shalt  }
0x47: {  	_ =	shalt  }
0x48: {  	_ =	shalt  }
0x49: {  	_ =	shalt  }
0x4a: {  	_ =	shalt  }
0x4b: {  	_ =	shalt  }
0x4c: {  	_ =	shalt  }
0x4d: {  	_ =	shalt  }
0x4e: {  	_ =	shalt  }
0x4f: {  	_ =	shalt  }
0x50: {  	_ =	shalt  }
0x51: {  	_ =	shalt  }
0x52: {  	_ =	shalt  }
0x53: {  	_ =	shalt  }
0x54: {  	_ =	shalt  }
0x55: {  	_ =	shalt  }
0x56: {  	_ =	shalt  }
0x57: {  	_ =	shalt  }
0x58: {  	_ =	shalt  }
0x59: {  	_ =	shalt  }
0x5a: {  	_ =	shalt  }
0x5b: {  	_ =	shalt  }
0x5c: {  	_ =	shalt  }
0x5d: {  	_ =	shalt  }
0x5e: {  	_ =	shalt  }
0x5f: {  	_ =	shalt  }
0x60: {  	_ =	shalt  }
0x61: {  	_ =	shalt  }
0x62: {  	_ =	shalt  }
0x63: {  	_ =	shalt  }
0x64: {  	_ =	shalt  }
0x65: {  	_ =	shalt  }
0x66: {  	_ =	shalt  }
0x67: {  	_ =	shalt  }
0x68: {  	_ =	shalt  }
0x69: {  	_ =	shalt  }
0x6a: {  	_ =	shalt  }
0x6b: {  	_ =	shalt  }
0x6c: {  	_ =	shalt  }
0x6d: {  	_ =	shalt  }
0x6e: {  	_ =	shalt  }
0x6f: {  	_ =	shalt  }
0x70: {  	_ =	shalt  }
0x71: {  	_ =	shalt  }
0x72: {  	_ =	shalt  }
0x73: {  	_ =	shalt  }
0x74: {  	_ =	shalt  }
0x75: {  	_ =	shalt  }
0x76: {  	_ =	shalt  }
0x77: {  	_ =	shalt  }
0x78: {  	_ =	shalt  }
0x79: {  	_ =	shalt  }
0x7a: {  	_ =	shalt  }
0x7b: {  	_ =	shalt  }
0x7c: {  	_ =	shalt  }
0x7d: {  	_ =	shalt  }
0x7e: {  	_ =	shalt  }
0x7f: {  	_ =	shalt  }
0x80: {  	_ =	shalt  }
0x81: {  	_ =	shalt  }
0x82: {  	_ =	shalt  }
0x83: {  	_ =	shalt  }
0x84: {  	_ =	shalt  }
0x85: {  	_ =	shalt  }
0x86: {  	_ =	shalt  }
0x87: {  	_ =	shalt  }
.Lfunc_end0:
.L_simem_size_0:
called_computation.1_lowered:
.L_overlay_start_0:
0x88: {  	s2 =	sld [smem:$0x3FD9]  }
0x89: {  	s3 =	sld [smem:$0x3FFE];
	_ =	sdelay $0x1  }
0x8a: {  	s1 =	srdreg.scid  }
0x8b: {  	s0 =	sand.u32 $0x1, s1  }
0x8c: {  	s17 =	sshll.u32 s0, $0xA;
	s2 =	sadd.s32 s3, s2  }
0x8d: {  	s2 =	sadd.s32 s2, s17  }
0x8e: {  	[smem:$0x3FB5] =	sst s2  }
0x8f: {  	_ = 	snop  }
0x90: {  	s18 =	sld [smem:$0x3FC6]  }
0x91: {  	s4 =	sld [smem:$0x3FD0];
	(tm) =	ssettm $0x1  }
0x92: {  	s19 =	sld [smem:$0x3FFB];
	_ =	sdelay $0x3  }
0x93: {  	_ =	strace s19  }
0x94: {  	s2 =	sld [smem:$0x3FFC];
	_ =	sdelay $0x3  }
0x95: {  	_ =	strace s2  }
0x96: {  	s2 =	sld [smem:$0x3FFD];
	_ =	sdelay $0x3  }
0x97: {  	_ =	strace s2  }
0x98: {  	_ =	strace $0x8FFFFFFF  }
0x99: {  	s20 =	sld [smem:$0x3FDB];
	_ =	sdelay $0x1  }
0x9a: {  	s5 =	simm.s32 $_scs_section_size  }
0x9b: {  	s6 =	simm.s32 $_size__tile_overlayer_lowered;
	s7 =	simm.s32 $_tile_overlayer_lowered  }
0x9c: {  	s8 =	simm.s32 $0x1BFF;
	s21 =	sshll.u32 s7, $0x1;
	s5 =	sadd.s32 s5, s20  }
0x9d: {  	s22 =	simm.s32 $0x0;
	s6 =	sshll.u32 s6, $0x1;
	s7 =	sadd.s32 s21, s5  }
0x9e: {  	[timem:s22], [sflag:s8] =	dma.local [hbm:s7], s6  }
0x9f: {  	_ =	swait.ge [sflag:s8], s6  }
0xa0: {  	s6 =	ssub.s32 $0x0, s6;
	[sflag:s8] =	ssyncset.done $0x0  }
0xa1: {  	[sflag:s8] =	ssyncadd.s32 s6;
	_ =	sdelay $0x1  }
0xa2: {  	s23 =	simm.s32 $0x1B8B  }
0xa3: {  	_ =	swait.ge [sflag:s23], $0x1  }
0xa4: {  	[sflag:s23] =	ssyncset.done $0x0  }
0xa5: {  	[sflag:s23] =	ssyncadd.s32 $0xFFFFFFFF  }
0xa6: {  	s6 =	sld [smem:$0x0]  }
0xa7: {  	s7 =	sand.u32 $0xFFFFFFFE, s1  }
0xa8: {  	p0 =	sne.s32 s1, s7  }
0xa9: {  	s7 =	sshll.u32 @p0 s7, $0xE  }
0xaa: {  	s7 =	sadd.s32 @p0 $0x11B8D, s7;
	s8 =	sshll.u32 @p0 s6, $0x11  }
0xab: {  	s7 =	sor.u32 @p0 s8, s7  }
0xac: {  	[sflag:s7] =	ssyncadd.remote.s32 @p0 $0x1;
	_ =	sdelay $0x1  }
0xad: {  	s7 =	simm.s32 @p0 $0x1B8D  }
0xae: {  	_ =	swait.eq @p0 [sflag:s7], $0x1  }
0xaf: {  	[sflag:s7] =	ssyncadd.s32 @p0 $0xFFFFFFFF  }
0xb0: {  	s8 =	sshll.u32 @!p0 s1, $0xE  }
0xb1: {  	s8 =	sor.u32 @!p0 $0x4000, s8;
	s7 =	simm.s32 @!p0 $0x1B8D  }
0xb2: {  	s6 =	sshll.u32 @!p0 s6, $0x11;
	s8 =	sadd.s32 @!p0 $0x11B8D, s8;
	_ =	swait.eq @!p0 [sflag:s7], $0x1  }
0xb3: {  	s6 =	sor.u32 @!p0 s6, s8;
	[sflag:s7] =	ssyncadd.s32 @!p0 $0xFFFFFFFF  }
0xb4: {  	s25 =	simm.s32 $0x1B8E;
	s24 =	sld [smem:$0x3FFE];
	[sflag:s6] =	ssyncadd.remote.s32 @!p0 $0x1  }
0xb5: {  	s26 =	simm.s32 $execute0_lowered;
	[smem:$0x3FD2] =	sst s25  }
0xb6: {  	s7 =	sshll.u32 s26, $0x1;
	_ =	strace $0x8000004F;
	[dreg:$0x1] =	wrdreg $0xFFFFFFFF  }
0xb7: {  	s28 =	simm.s32 $_size_execute0_lowered;
	s5 =	sadd.s32 s5, s7;
	[dreg:$0x0] =	wrdreg $0x0  }
0xb8: {  	s7 =	sshll.u32 s28, $0x1;
	[dreg:$0x2] =	wrdreg s5  }
0xb9: {  	[dreg:$0x3] =	wrdreg s7  }
0xba: {  	[dreg:$0x4] =	wrdreg $0xC0  }
0xbb: {  	_ =	task [dreg:s22], $0x5FFFF  }
0xbc: {  	[dreg:$0x1] =	wrdreg $0xFFFFFFFF  }
0xbd: {  	[dreg:$0x0] =	wrdreg $0x60  }
0xbe: {  	[dreg:$0x2] =	wrdreg s4  }
0xbf: {  	[dreg:$0x3] =	wrdreg s18  }
0xc0: {  	[dreg:$0x4] =	wrdreg s24  }
0xc1: {  	[dreg:$0x5] =	wrdreg $0xA  }
0xc2: {  	_ =	task.clear_ibuf [dreg:s22], $0x6FFFF;
	_ =	strace $0x9000004F  }
0xc3: {  	s29 =	simm.s32 $0xA;
	_ =	strace $0x80000051  }
0xc4: {  	_ =	swait.ge [sflag:s29], $0x1  }
0xc5: {  	[sflag:s29] =	ssyncadd.s32 $0xFFFFFFFF  }
0xc6: {  	_ =	strace $0x90000051  }
0xc7: {  	_ =	sfence  }
0xc8: {  	s30 =	sld [smem:$0x0];
	_ =	sdelay $0x2  }
0xc9: {  	s31 =	sshll.u32 s1, $0xD;
	s1 =	sshrl.u32 s1, $0x2  }
0xca: {  	s4 =	sand.u32 $0x4000, s31;
	s1 =	sadd.s32 s1, s30  }
0xcb: {  	s0 =	sor.u32 s4, s0;
	s1 =	sshll.u32 s1, $0x11  }
0xcc: {  	s0 =	sor.u32 s1, s0  }
0xcd: {  	s0 =	sadd.s32 $0x8F2B, s0  }
0xce: {  	[sflag:s0] =	ssyncadd.remote.s32 $0x1  }
0xcf: {  	_ =	sfence.sel $0xFFFF  }
0xd0: {  	[dreg:$0x0] =	wrdreg $0xFFFFFFFF;
	(pc) =	sbr.abs _section_cstart, $3  }
0xd1: {  	[dreg:$0x1] =	wrdreg $0xFFFFFFFF  }
0xd2: {  	_ =	task.clear_ibuf [dreg:s22], $0x2FFFF;
	_ =	strace $0x9FFFFFFF  }
0xd3: {  	(tm) =	ssettm $0x7FFFFFFF  }
tec
execute0_lowered:
.L_overlay_start_1:
0x0: {  	(tag) =	ssettag $0x1  }
0x1: {  	s1 =	srdreg.scid;
	s0 =	stileid.u32  }
0x2: {  	s17 =	sand.u32 $0x1, s1;
	s31 =	sshll.u32 s0, $0x1  }
0x3: {  	s2 =	rddreg [dreg:$0x0];
	s6 =	sor.u32 s17, s31  }
0x4: {  	s4 =	rddreg [dreg:$0x1];
	s5 =	smul.u32 $0x7D0, s6  }
0x5: {  	s9 =	rddreg [dreg:$0x2]  }
0x6: {  	s3 =	simm.s32 $0x0;
	s1 =	rddreg [dreg:$0x3];
	s5 =	sshrl.u32 s5, $0x3  }
0x7: {  	[smem:$0x7FF] =	sst s3;
	s16 =	sadd.s32 s4, s5  }
0x8: {  	_ =	strace $0x80000050;
	s4 =	simm.s32 $0x2;
	s5 =	sadd.s32 $0x1F40, s16  }
0x9: {  	[tilespmem:s3], [sflag:$0x2] =	stream.linear.gather [hbm4b:s5+s3], $0x190, $0x38;
	[tilespmem:$0xCA00] =	vst v63  }
0xa: {  	_ =	swait.ge [sflag:s4], $0x190  }
0xb: {  	s7 =	simm.s32 $0x200;
	s8 =	simm.s32 $0x1;
	[sflag:s4] =	ssyncset.done $0x0  }
0xc: {  	s10 =	smul.u32 $0x7D00, s6;
	s6 =	simm.s32 $0x190;
	[sflag:s4] =	ssyncadd.s32 $0xFFFFFE70  }
0xd: {  	[tilespmem:s7], [sflag:$0x1] =	stream.indirect.gather [hbm4b:s2+s6], $0x80, s3, s6, $0xb8;
	[tilespmem:$0xCA00] =	vst v63  }
0xe: {  	_ =	swait.ge [sflag:s8], $0xC800  }
0xf: {  	s18 =	sadd.s32 s10, s9;
	[sflag:s8] =	ssyncset.done $0x0  }
0x10: {  	s9 =	sadd.s32 $0x2F2A00, s18;
	[sflag:s8] =	ssyncadd.s32 $0xFFFF3800  }
0x11: {  	[hbm4b:s9+s3] =	stream.linear.scatter [tilespmem:s7], [sflag:$0x2], $0xC800, $0x38;
	[tilespmem:$0xCA00] =	vst v63  }
0x12: {  	_ =	swait.ge [sflag:s4], $0xC800  }
0x13: {  	[sflag:s4] =	ssyncset.done $0x0  }
0x14: {  	s10 =	sadd.s32 $0x1F72, s16;
	[sflag:s4] =	ssyncadd.s32 $0xFFFF3800  }
0x15: {  	[tilespmem:s3], [sflag:$0x2] =	stream.linear.gather [hbm4b:s10+s3], $0x190, $0x38;
	[tilespmem:$0xCA00] =	vst v63  }
0x16: {  	_ =	swait.ge [sflag:s4], $0x190  }
0x17: {  	[sflag:s4] =	ssyncset.done $0x0  }
0x18: {  	[sflag:s4] =	ssyncadd.s32 $0xFFFFFE70  }
0x19: {  	[tilespmem:s7], [sflag:$0x1] =	stream.indirect.gather [hbm4b:s2+s6], $0x80, s3, s6, $0xb8;
	[tilespmem:$0xCA00] =	vst v63  }
0x1a: {  	_ =	swait.ge [sflag:s8], $0xC800  }
0x1b: {  	[sflag:s8] =	ssyncset.done $0x0  }
0x1c: {  	s11 =	sadd.s32 $0x2F4300, s18;
	[sflag:s8] =	ssyncadd.s32 $0xFFFF3800  }
0x1d: {  	[hbm4b:s11+s3] =	stream.linear.scatter [tilespmem:s7], [sflag:$0x2], $0xC800, $0x38;
	[tilespmem:$0xCA00] =	vst v63  }
0x1e: {  	_ =	swait.ge [sflag:s4], $0xC800  }
0x1f: {  	[sflag:s4] =	ssyncset.done $0x0  }
0x20: {  	s12 =	sadd.s32 $0x1FA4, s16;
	[sflag:s4] =	ssyncadd.s32 $0xFFFF3800  }
0x21: {  	[tilespmem:s3], [sflag:$0x2] =	stream.linear.gather [hbm4b:s12+s3], $0x190, $0x38;
	[tilespmem:$0xCA00] =	vst v63  }
0x22: {  	_ =	swait.ge [sflag:s4], $0x190  }
0x23: {  	[sflag:s4] =	ssyncset.done $0x0  }
0x24: {  	[sflag:s4] =	ssyncadd.s32 $0xFFFFFE70  }
0x25: {  	[tilespmem:s7], [sflag:$0x1] =	stream.indirect.gather [hbm4b:s2+s6], $0x80, s3, s6, $0xb8;
	[tilespmem:$0xCA00] =	vst v63  }
0x26: {  	_ =	swait.ge [sflag:s8], $0xC800  }
0x27: {  	[sflag:s8] =	ssyncset.done $0x0  }
0x28: {  	s13 =	sadd.s32 $0x2F5C00, s18;
	[sflag:s8] =	ssyncadd.s32 $0xFFFF3800  }
0x29: {  	[hbm4b:s13+s3] =	stream.linear.scatter [tilespmem:s7], [sflag:$0x2], $0xC800, $0x38;
	[tilespmem:$0xCA00] =	vst v63  }
0x2a: {  	_ =	swait.ge [sflag:s4], $0xC800  }
0x2b: {  	[sflag:s4] =	ssyncset.done $0x0  }
0x2c: {  	s14 =	sadd.s32 $0x1FD6, s16;
	[sflag:s4] =	ssyncadd.s32 $0xFFFF3800  }
0x2d: {  	[tilespmem:s3], [sflag:$0x2] =	stream.linear.gather [hbm4b:s14+s3], $0x190, $0x38;
	[tilespmem:$0xCA00] =	vst v63  }
0x2e: {  	_ =	swait.ge [sflag:s4], $0x190  }
0x2f: {  	[sflag:s4] =	ssyncset.done $0x0  }
0x30: {  	[sflag:s4] =	ssyncadd.s32 $0xFFFFFE70  }
0x31: {  	[tilespmem:s7], [sflag:$0x1] =	stream.indirect.gather [hbm4b:s2+s6], $0x80, s3, s6, $0xb8;
	[tilespmem:$0xCA00] =	vst v63  }
0x32: {  	_ =	swait.ge [sflag:s8], $0xC800  }
0x33: {  	[sflag:s8] =	ssyncset.done $0x0  }
0x34: {  	s15 =	sadd.s32 $0x2F7500, s18;
	[sflag:s8] =	ssyncadd.s32 $0xFFFF3800  }
0x35: {  	[hbm4b:s15+s3] =	stream.linear.scatter [tilespmem:s7], [sflag:$0x2], $0xC800, $0x38;
	[tilespmem:$0xCA00] =	vst v63  }
0x36: {  	_ =	swait.ge [sflag:s4], $0xC800  }
0x37: {  	[sflag:s4] =	ssyncset.done $0x0  }
0x38: {  	s17 =	ssub.s32 $0x2, s17;
	s16 =	sadd.s32 $0x2008, s16;
	[sflag:s4] =	ssyncadd.s32 $0xFFFF3800  }
0x39: {  	[tilespmem:s3], [sflag:$0x2] =	stream.linear.gather [hbm4b:s16+s3], $0x190, $0x38;
	[tilespmem:$0xCA00] =	vst v63  }
0x3a: {  	s19 =	sshrl.u32 s17, $0x1;
	_ =	swait.ge [sflag:s4], $0x190  }
0x3b: {  	s17 =	ssub.s32 s17, s19;
	[sflag:s4] =	ssyncset.done $0x0  }
0x3c: {  	s19 =	smax.u32 s17, $0x1;
	[sflag:s4] =	ssyncadd.s32 $0xFFFFFE70  }
0x3d: {  	[tilespmem:s7], [sflag:$0x1] =	stream.indirect.gather [hbm4b:s2+s6], $0x80, s3, s6, $0xb8;
	[tilespmem:$0xCA00] =	vst v63  }
0x3e: {  	p0 =	sne.s32 s19, $0x1;
	_ =	swait.ge [sflag:s8], $0xC800  }
.Ltmp0:
0x3f: {  	[sflag:s8] =	ssyncset.done $0x0;
	(pc) =	sbr.rel @!p0 .LBB2_2-.Ltmp0, $4  }
0x40: {  	s17 =	sadd.s32 $0x2F8E00, s18;
	[sflag:s8] =	ssyncadd.s32 $0xFFFF3800  }
0x41: {  	[hbm4b:s17+s3] =	stream.linear.scatter [tilespmem:s7], [sflag:$0x2], $0xC800, $0x38;
	[tilespmem:$0xCA00] =	vst v63  }
0x42: {  	_ =	swait.ge [sflag:s4], $0xC800  }
0x43: {  	s18 =	sadd.s32 $0xFFFFFFFF, s19;
	[sflag:s4] =	ssyncset.done $0x0  }
.LBB2_1:
0x44: {  	p0 =	sne.s32 s18, $0x1;
	s18 =	sadd.s32 $0xFFFFFFFF, s18;
	[sflag:s4] =	ssyncadd.s32 $0xFFFF3800  }
0x45: {  	[tilespmem:s3], [sflag:$0x2] =	stream.linear.gather [hbm4b:s5+s3], $0x190, $0x38;
	[tilespmem:$0xCA00] =	vst v63  }
0x46: {  	_ =	swait.ge [sflag:s4], $0x190  }
0x47: {  	[sflag:s4] =	ssyncset.done $0x0  }
0x48: {  	[sflag:s4] =	ssyncadd.s32 $0xFFFFFE70  }
0x49: {  	[tilespmem:s7], [sflag:$0x1] =	stream.indirect.gather [hbm4b:s2+s6], $0x80, s3, s6, $0xb8;
	[tilespmem:$0xCA00] =	vst v63  }
0x4a: {  	_ =	swait.ge [sflag:s8], $0xC800  }
0x4b: {  	[sflag:s8] =	ssyncset.done $0x0  }
0x4c: {  	[sflag:s8] =	ssyncadd.s32 $0xFFFF3800  }
0x4d: {  	[hbm4b:s9+s3] =	stream.linear.scatter [tilespmem:s7], [sflag:$0x2], $0xC800, $0x38;
	[tilespmem:$0xCA00] =	vst v63  }
0x4e: {  	_ =	swait.ge [sflag:s4], $0xC800  }
0x4f: {  	[sflag:s4] =	ssyncset.done $0x0  }
0x50: {  	[sflag:s4] =	ssyncadd.s32 $0xFFFF3800  }
0x51: {  	[tilespmem:s3], [sflag:$0x2] =	stream.linear.gather [hbm4b:s10+s3], $0x190, $0x38;
	[tilespmem:$0xCA00] =	vst v63  }
0x52: {  	_ =	swait.ge [sflag:s4], $0x190  }
0x53: {  	[sflag:s4] =	ssyncset.done $0x0  }
0x54: {  	[sflag:s4] =	ssyncadd.s32 $0xFFFFFE70  }
0x55: {  	[tilespmem:s7], [sflag:$0x1] =	stream.indirect.gather [hbm4b:s2+s6], $0x80, s3, s6, $0xb8;
	[tilespmem:$0xCA00] =	vst v63  }
0x56: {  	_ =	swait.ge [sflag:s8], $0xC800  }
0x57: {  	[sflag:s8] =	ssyncset.done $0x0  }
0x58: {  	[sflag:s8] =	ssyncadd.s32 $0xFFFF3800  }
0x59: {  	[hbm4b:s11+s3] =	stream.linear.scatter [tilespmem:s7], [sflag:$0x2], $0xC800, $0x38;
	[tilespmem:$0xCA00] =	vst v63  }
0x5a: {  	_ =	swait.ge [sflag:s4], $0xC800  }
0x5b: {  	[sflag:s4] =	ssyncset.done $0x0  }
0x5c: {  	[sflag:s4] =	ssyncadd.s32 $0xFFFF3800  }
0x5d: {  	[tilespmem:s3], [sflag:$0x2] =	stream.linear.gather [hbm4b:s12+s3], $0x190, $0x38;
	[tilespmem:$0xCA00] =	vst v63  }
0x5e: {  	_ =	swait.ge [sflag:s4], $0x190  }
0x5f: {  	[sflag:s4] =	ssyncset.done $0x0  }
0x60: {  	[sflag:s4] =	ssyncadd.s32 $0xFFFFFE70  }
0x61: {  	[tilespmem:s7], [sflag:$0x1] =	stream.indirect.gather [hbm4b:s2+s6], $0x80, s3, s6, $0xb8;
	[tilespmem:$0xCA00] =	vst v63  }
0x62: {  	_ =	swait.ge [sflag:s8], $0xC800  }
0x63: {  	[sflag:s8] =	ssyncset.done $0x0  }
0x64: {  	[sflag:s8] =	ssyncadd.s32 $0xFFFF3800  }
0x65: {  	[hbm4b:s13+s3] =	stream.linear.scatter [tilespmem:s7], [sflag:$0x2], $0xC800, $0x38;
	[tilespmem:$0xCA00] =	vst v63  }
0x66: {  	_ =	swait.ge [sflag:s4], $0xC800  }
0x67: {  	[sflag:s4] =	ssyncset.done $0x0  }
0x68: {  	[sflag:s4] =	ssyncadd.s32 $0xFFFF3800  }
0x69: {  	[tilespmem:s3], [sflag:$0x2] =	stream.linear.gather [hbm4b:s14+s3], $0x190, $0x38;
	[tilespmem:$0xCA00] =	vst v63  }
0x6a: {  	_ =	swait.ge [sflag:s4], $0x190  }
0x6b: {  	[sflag:s4] =	ssyncset.done $0x0  }
0x6c: {  	[sflag:s4] =	ssyncadd.s32 $0xFFFFFE70  }
0x6d: {  	[tilespmem:s7], [sflag:$0x1] =	stream.indirect.gather [hbm4b:s2+s6], $0x80, s3, s6, $0xb8;
	[tilespmem:$0xCA00] =	vst v63  }
0x6e: {  	_ =	swait.ge [sflag:s8], $0xC800  }
0x6f: {  	[sflag:s8] =	ssyncset.done $0x0  }
0x70: {  	[sflag:s8] =	ssyncadd.s32 $0xFFFF3800  }
0x71: {  	[hbm4b:s15+s3] =	stream.linear.scatter [tilespmem:s7], [sflag:$0x2], $0xC800, $0x38;
	[tilespmem:$0xCA00] =	vst v63  }
0x72: {  	_ =	swait.ge [sflag:s4], $0xC800  }
0x73: {  	[sflag:s4] =	ssyncset.done $0x0  }
0x74: {  	[sflag:s4] =	ssyncadd.s32 $0xFFFF3800  }
0x75: {  	[tilespmem:s3], [sflag:$0x2] =	stream.linear.gather [hbm4b:s16+s3], $0x190, $0x38;
	[tilespmem:$0xCA00] =	vst v63  }
0x76: {  	_ =	swait.ge [sflag:s4], $0x190  }
0x77: {  	[sflag:s4] =	ssyncset.done $0x0  }
0x78: {  	[sflag:s4] =	ssyncadd.s32 $0xFFFFFE70  }
0x79: {  	[tilespmem:s7], [sflag:$0x1] =	stream.indirect.gather [hbm4b:s2+s6], $0x80, s3, s6, $0xb8;
	[tilespmem:$0xCA00] =	vst v63  }
0x7a: {  	_ =	swait.ge [sflag:s8], $0xC800  }
.Ltmp1:
0x7b: {  	[sflag:s8] =	ssyncset.done $0x0;
	(pc) =	sbr.rel @p0 .LBB2_1-.Ltmp1, $4  }
0x7c: {  	[sflag:s8] =	ssyncadd.s32 $0xFFFF3800  }
0x7d: {  	[hbm4b:s17+s3] =	stream.linear.scatter [tilespmem:s7], [sflag:$0x2], $0xC800, $0x38;
	[tilespmem:$0xCA00] =	vst v63  }
0x7e: {  	_ =	swait.ge [sflag:s4], $0xC800  }
0x7f: {  	[sflag:s4] =	ssyncset.done $0x0  }
.LBB2_2:
0x80: {  	[sflag:s4] =	ssyncadd.s32 $0xFFFF3800  }
0x81: {  	_ =	sfence.sel $0x180000  }
0x82: {  	[bflag:$0x0] =	sbarrier.arrive $0xFFFF  }
0x83: {  	p0 =	sne.s32 s0, $0x0;
	_ =	strace $0x90000050  }
0x84: {  	s0 =	sadd.s32 @!p0 $0x100000, s1;
	[bflag:$0x2] =	sbarrier.arrive $0xFFFF  }
0x85: {  	[sflag:s0] =	ssyncadd.tile.s32 @!p0 $0x1;
	_ =	shalt  }
.Lfunc_end2:
_tile_overlayer_lowered:
.L_overlay_start_2:
0x86: {  	(tag) =	ssettag $0x2  }
0x87: {  	s0 =	rddreg [dreg:$0x0];
	s2 =	stileid.u32  }
0x88: {  	s1 =	rddreg [dreg:$0x1];
	p0 =	sne.s32 s2, $0x0  }
0x89: {  	s3 =	rddreg [dreg:$0x2];
	[bflag:$0x3] =	sbarrier.arrive $0xFFFF;
	s2 =	simm.s32 @!p0 $0x1C02  }
0x8a: {  	[timem:s3], [sflag:s2] =	dma.local @!p0 [hbm:s0], s1  }
0x8b: {  	s0 =	simm.s32 @!p0 $0x2  }
0x8c: {  	_ =	swait.ge @!p0 [sflag:s0], s1  }
0x8d: {  	s1 =	ssub.s32 @!p0 $0x0, s1;
	[sflag:s0] =	ssyncset.done @!p0 $0x0  }
0x8e: {  	[sflag:s0] =	ssyncadd.s32 @!p0 s1  }
0x8f: {  	[bflag:$0x3] =	sbarrier.arrive $0xFFFF  }
0x90: {  	_ =	shalt  }

// kernel: kernel.21.cloned.1.call-start
scs
__scs_entry_jumppad:
0x0: {  	(pc) =	sbr.rel $0x88, $3  }
0x1: {  	(tag) =	ssettag $0x0;
	lr =	simm.s32 $0x1  }
0x2: {  	[smem:$0x3F8E] =	sst lr;
	_ =	strace $0xD0000000  }
0x3: {  	_ = 	snop  }
0x4: {  	_ = 	snop  }
0x5: {  	_ = 	snop  }
0x6: {  	_ = 	snop  }
0x7: {  	_ = 	snop  }
__scs_overlays_trampoline_lowered:
0x8: {  	[smem:$0x3F9D] =	sst s0  }
0x9: {  	[smem:$0x3F9E] =	sst s1  }
0xa: {  	[smem:$0x3F9F] =	sst s2  }
0xb: {  	[smem:$0x3FA0] =	sst s3  }
0xc: {  	[smem:$0x3FA1] =	sst s4  }
0xd: {  	[smem:$0x3FA2] =	sst s5  }
0xe: {  	[smem:$0x3FA3] =	sst s6  }
0xf: {  	[smem:$0x3FA4] =	sst s7  }
0x10: {  	[smem:$0x3FA5] =	sst s8  }
0x11: {  	[smem:$0x3FA6] =	sst s9;
	s0 =	simm.s32 @!p0 $0x0  }
0x12: {  	s1 =	sld [smem:$0x3F8C];
	s0 =	simm.s32 @p0 $0x1  }
0x13: {  	[smem:$0x3FA7] =	sst s0;
	s0 =	simm.s32 @!p1 $0x0  }
0x14: {  	s2 =	sld [smem:$0x3F8B];
	s0 =	simm.s32 @p1 $0x1  }
0x15: {  	[smem:$0x3FA8] =	sst s0;
	s0 =	simm.s32 @!p2 $0x0  }
0x16: {  	s3 =	sld [smem:$0x3FDB];
	s0 =	simm.s32 @p2 $0x1  }
0x17: {  	s4 =	simm.s32 $0x1BF5;
	[smem:$0x3FAA] =	sst s0  }
0x18: {  	s0 =	sld [smem:$0x3F8D];
	_ =	swait.ge [sflag:s4], $0x0  }
0x19: {  	s7 =	sld [smem:$0x3F8E]  }
0x1a: {  	s8 =	sadd.s32 $0xFFFFE003, lr  }
0x1b: {  	s9 =	sadd.s32 $0xFFFFFEF7, lr;
	s5 =	simm.s32 $0xFFFFFFFF;
	p2 =	slt.u32 s8, $0xFFFFF086  }
0x1c: {  	p1 =	slt.u32 s9, $0xF7A;
	s5 =	simm.s32 @!p2 $0x0  }
0x1d: {  	s5 =	simm.s32 @p1 $0x1;
	p0 =	seq.s32 s7, s2  }
0x1e: {  	s7 =	smul.u32 @!p0 $0xF7A, s2;
	p2 =	seq.s32 @!p0 s5, $0x0  }
0x1f: {  	s9 =	smul.u32 $0xF7A, s1;
	s8 =	simm.s32 @!p0 $0x1BF5;
	p2 =	por !p2, p0  }
0x20: {  	[sflag:s8] =	ssyncset.s32 @!p0 $0xFFFFF086;
	s6 =	sadd.s32 @!p0 s3, s7;
	s7 =	simm.s32 @!p0 $0x108  }
0x21: {  	s3 =	sadd.s32 s3, s9;
	s6 =	sadd.s32 @!p0 $0x88, s6;
	s7 =	simm.s32 @p2 $0x1082  }
0x22: {  	[simem:s7], [sflag:s8] =	dma.local @!p0 [hbm:s6], $0xF7A  }
0x23: {  	s9 =	sor.u32 $0xD0000000, s2;
	s6 =	simm.s32 $0x108;
	_ =	swait.ge @!p0 [sflag:s8], $0x0  }
0x24: {  	s3 =	sadd.s32 $0x88, s3;
	s6 =	simm.s32 @!p1 $0x1082;
	[sflag:s4] =	ssyncset.s32 $0xFFFFF086  }
0x25: {  	[simem:s6], [sflag:s4] =	dma.local [hbm:s3], $0xF7A  }
0x26: {  	[smem:$0x3F8E] =	sst s1;
	(tag) =	ssettag s2;
	_ =	strace s9  }
0x27: {  	s1 =	sld [smem:$0x3F9E]  }
0x28: {  	s2 =	sld [smem:$0x3F9F]  }
0x29: {  	s4 =	sld [smem:$0x3FA1]  }
0x2a: {  	p0 =	seq.s32 s5, $0x0;
	s5 =	sld [smem:$0x3FA2]  }
0x2b: {  	s6 =	sld [smem:$0x3FA3]  }
0x2c: {  	s7 =	sld [smem:$0x3FA4]  }
0x2d: {  	s3 =	simm.s32 $0x108;
	s8 =	sld [smem:$0x3FA5]  }
0x2e: {  	s3 =	simm.s32 @!p0 $0x1082;
	s9 =	sld [smem:$0x3FA6]  }
0x2f: {  	lr =	sadd.s32 s0, s3;
	s0 =	sld [smem:$0x3F9D]  }
0x30: {  	s3 =	sld [smem:$0x3FA0]  }
0x31: {  	[smem:$0x3FA9] =	sst s10  }
0x32: {  	s10 =	sld [smem:$0x3FA7];
	_ =	sdelay $0x3  }
0x33: {  	p0 =	seq.s32 s10, $0x1;
	s10 =	sld [smem:$0x3FA9];
	_ =	sdelay $0x3  }
0x34: {  	[smem:$0x3FA9] =	sst s10  }
0x35: {  	s10 =	sld [smem:$0x3FA8];
	_ =	sdelay $0x3  }
0x36: {  	p1 =	seq.s32 s10, $0x1;
	s10 =	sld [smem:$0x3FA9];
	_ =	sdelay $0x3  }
0x37: {  	[smem:$0x3FA9] =	sst s10  }
0x38: {  	s10 =	sld [smem:$0x3FAA]  }
0x39: {  	_ = 	snop;
	(pc) =	sbr.ind lr, $3  }
0x3a: {  	_ = 	snop  }
0x3b: {  	_ = 	snop  }
0x3c: {  	p2 =	seq.s32 s10, $0x1;
	s10 =	sld [smem:$0x3FA9]  }
0x3d: {  	_ =	shalt  }
0x3e: {  	_ =	shalt  }
0x3f: {  	_ =	shalt  }
0x40: {  	_ =	shalt  }
0x41: {  	_ =	shalt  }
0x42: {  	_ =	shalt  }
0x43: {  	_ =	shalt  }
0x44: {  	_ =	shalt  }
0x45: {  	_ =	shalt  }
0x46: {  	_ =	shalt  }
0x47: {  	_ =	shalt  }
0x48: {  	_ =	shalt  }
0x49: {  	_ =	shalt  }
0x4a: {  	_ =	shalt  }
0x4b: {  	_ =	shalt  }
0x4c: {  	_ =	shalt  }
0x4d: {  	_ =	shalt  }
0x4e: {  	_ =	shalt  }
0x4f: {  	_ =	shalt  }
0x50: {  	_ =	shalt  }
0x51: {  	_ =	shalt  }
0x52: {  	_ =	shalt  }
0x53: {  	_ =	shalt  }
0x54: {  	_ =	shalt  }
0x55: {  	_ =	shalt  }
0x56: {  	_ =	shalt  }
0x57: {  	_ =	shalt  }
0x58: {  	_ =	shalt  }
0x59: {  	_ =	shalt  }
0x5a: {  	_ =	shalt  }
0x5b: {  	_ =	shalt  }
0x5c: {  	_ =	shalt  }
0x5d: {  	_ =	shalt  }
0x5e: {  	_ =	shalt  }
0x5f: {  	_ =	shalt  }
0x60: {  	_ =	shalt  }
0x61: {  	_ =	shalt  }
0x62: {  	_ =	shalt  }
0x63: {  	_ =	shalt  }
0x64: {  	_ =	shalt  }
0x65: {  	_ =	shalt  }
0x66: {  	_ =	shalt  }
0x67: {  	_ =	shalt  }
0x68: {  	_ =	shalt  }
0x69: {  	_ =	shalt  }
0x6a: {  	_ =	shalt  }
0x6b: {  	_ =	shalt  }
0x6c: {  	_ =	shalt  }
0x6d: {  	_ =	shalt  }
0x6e: {  	_ =	shalt  }
0x6f: {  	_ =	shalt  }
0x70: {  	_ =	shalt  }
0x71: {  	_ =	shalt  }
0x72: {  	_ =	shalt  }
0x73: {  	_ =	shalt  }
0x74: {  	_ =	shalt  }
0x75: {  	_ =	shalt  }
0x76: {  	_ =	shalt  }
0x77: {  	_ =	shalt  }
0x78: {  	_ =	shalt  }
0x79: {  	_ =	shalt  }
0x7a: {  	_ =	shalt  }
0x7b: {  	_ =	shalt  }
0x7c: {  	_ =	shalt  }
0x7d: {  	_ =	shalt  }
0x7e: {  	_ =	shalt  }
0x7f: {  	_ =	shalt  }
0x80: {  	_ =	shalt  }
0x81: {  	_ =	shalt  }
0x82: {  	_ =	shalt  }
0x83: {  	_ =	shalt  }
0x84: {  	_ =	shalt  }
0x85: {  	_ =	shalt  }
0x86: {  	_ =	shalt  }
0x87: {  	_ =	shalt  }
.Lfunc_end0:
.L_simem_size_0:
called_computation.2_lowered:
.L_overlay_start_0:
0x88: {  	s2 =	sld [smem:$0x3FD9]  }
0x89: {  	s3 =	sld [smem:$0x3FFE];
	_ =	sdelay $0x1  }
0x8a: {  	s1 =	srdreg.scid  }
0x8b: {  	s0 =	sand.u32 $0x1, s1  }
0x8c: {  	s17 =	sshll.u32 s0, $0xA;
	s2 =	sadd.s32 s3, s2  }
0x8d: {  	s2 =	sadd.s32 s2, s17  }
0x8e: {  	[smem:$0x3FB5] =	sst s2  }
0x8f: {  	_ = 	snop  }
0x90: {  	s18 =	sld [smem:$0x3FC6]  }
0x91: {  	s4 =	sld [smem:$0x3FD0];
	(tm) =	ssettm $0x1  }
0x92: {  	s19 =	sld [smem:$0x3FFB];
	_ =	sdelay $0x3  }
0x93: {  	_ =	strace s19  }
0x94: {  	s2 =	sld [smem:$0x3FFC];
	_ =	sdelay $0x3  }
0x95: {  	_ =	strace s2  }
0x96: {  	s2 =	sld [smem:$0x3FFD];
	_ =	sdelay $0x3  }
0x97: {  	_ =	strace s2  }
0x98: {  	_ =	strace $0x8FFFFFFF  }
0x99: {  	s20 =	sld [smem:$0x3FDB];
	_ =	sdelay $0x1  }
0x9a: {  	s5 =	simm.s32 $_scs_section_size  }
0x9b: {  	s6 =	simm.s32 $_size__tile_overlayer_lowered;
	s7 =	simm.s32 $_tile_overlayer_lowered  }
0x9c: {  	s8 =	simm.s32 $0x1BFF;
	s21 =	sshll.u32 s7, $0x1;
	s5 =	sadd.s32 s5, s20  }
0x9d: {  	s22 =	simm.s32 $0x0;
	s6 =	sshll.u32 s6, $0x1;
	s7 =	sadd.s32 s21, s5  }
0x9e: {  	[timem:s22], [sflag:s8] =	dma.local [hbm:s7], s6  }
0x9f: {  	_ =	swait.ge [sflag:s8], s6  }
0xa0: {  	s6 =	ssub.s32 $0x0, s6;
	[sflag:s8] =	ssyncset.done $0x0  }
0xa1: {  	[sflag:s8] =	ssyncadd.s32 s6;
	_ =	sdelay $0x1  }
0xa2: {  	s23 =	simm.s32 $0x1B8B  }
0xa3: {  	_ =	swait.ge [sflag:s23], $0x1  }
0xa4: {  	[sflag:s23] =	ssyncset.done $0x0  }
0xa5: {  	[sflag:s23] =	ssyncadd.s32 $0xFFFFFFFF  }
0xa6: {  	s6 =	sld [smem:$0x0]  }
0xa7: {  	s7 =	sand.u32 $0xFFFFFFFE, s1  }
0xa8: {  	p0 =	sne.s32 s1, s7  }
0xa9: {  	s7 =	sshll.u32 @p0 s7, $0xE  }
0xaa: {  	s7 =	sadd.s32 @p0 $0x11B8D, s7;
	s8 =	sshll.u32 @p0 s6, $0x11  }
0xab: {  	s7 =	sor.u32 @p0 s8, s7  }
0xac: {  	[sflag:s7] =	ssyncadd.remote.s32 @p0 $0x1;
	_ =	sdelay $0x1  }
0xad: {  	s7 =	simm.s32 @p0 $0x1B8D  }
0xae: {  	_ =	swait.eq @p0 [sflag:s7], $0x1  }
0xaf: {  	[sflag:s7] =	ssyncadd.s32 @p0 $0xFFFFFFFF  }
0xb0: {  	s8 =	sshll.u32 @!p0 s1, $0xE  }
0xb1: {  	s8 =	sor.u32 @!p0 $0x4000, s8;
	s7 =	simm.s32 @!p0 $0x1B8D  }
0xb2: {  	s6 =	sshll.u32 @!p0 s6, $0x11;
	s8 =	sadd.s32 @!p0 $0x11B8D, s8;
	_ =	swait.eq @!p0 [sflag:s7], $0x1  }
0xb3: {  	s6 =	sor.u32 @!p0 s6, s8;
	[sflag:s7] =	ssyncadd.s32 @!p0 $0xFFFFFFFF  }
0xb4: {  	s25 =	simm.s32 $0x1B8E;
	s24 =	sld [smem:$0x3FFE];
	[sflag:s6] =	ssyncadd.remote.s32 @!p0 $0x1  }
0xb5: {  	s26 =	simm.s32 $execute0_lowered;
	[smem:$0x3FD2] =	sst s25  }
0xb6: {  	s7 =	sshll.u32 s26, $0x1;
	_ =	strace $0x8000004C;
	[dreg:$0x1] =	wrdreg $0xFFFFFFFF  }
0xb7: {  	s28 =	simm.s32 $_size_execute0_lowered;
	s5 =	sadd.s32 s5, s7;
	[dreg:$0x0] =	wrdreg $0x0  }
0xb8: {  	s7 =	sshll.u32 s28, $0x1;
	[dreg:$0x2] =	wrdreg s5  }
0xb9: {  	[dreg:$0x3] =	wrdreg s7  }
0xba: {  	[dreg:$0x4] =	wrdreg $0xC0  }
0xbb: {  	_ =	task [dreg:s22], $0x5FFFF  }
0xbc: {  	[dreg:$0x1] =	wrdreg $0xFFFFFFFF  }
0xbd: {  	[dreg:$0x0] =	wrdreg $0x60  }
0xbe: {  	[dreg:$0x2] =	wrdreg s4  }
0xbf: {  	[dreg:$0x3] =	wrdreg s18  }
0xc0: {  	[dreg:$0x4] =	wrdreg s24  }
0xc1: {  	[dreg:$0x5] =	wrdreg $0xB  }
0xc2: {  	_ =	task.clear_ibuf [dreg:s22], $0x6FFFF;
	_ =	strace $0x9000004C  }
0xc3: {  	s29 =	simm.s32 $0xB;
	_ =	strace $0x8000004E  }
0xc4: {  	_ =	swait.ge [sflag:s29], $0x1  }
0xc5: {  	[sflag:s29] =	ssyncadd.s32 $0xFFFFFFFF  }
0xc6: {  	_ =	strace $0x9000004E  }
0xc7: {  	_ =	sfence  }
0xc8: {  	s30 =	sld [smem:$0x0];
	_ =	sdelay $0x2  }
0xc9: {  	s31 =	sshll.u32 s1, $0xD;
	s1 =	sshrl.u32 s1, $0x2  }
0xca: {  	s4 =	sand.u32 $0x4000, s31;
	s1 =	sadd.s32 s1, s30  }
0xcb: {  	s0 =	sor.u32 s4, s0;
	s1 =	sshll.u32 s1, $0x11  }
0xcc: {  	s0 =	sor.u32 s1, s0  }
0xcd: {  	s0 =	sadd.s32 $0x8F2B, s0  }
0xce: {  	[sflag:s0] =	ssyncadd.remote.s32 $0x1  }
0xcf: {  	_ =	sfence.sel $0xFFFF  }
0xd0: {  	[dreg:$0x0] =	wrdreg $0xFFFFFFFF;
	(pc) =	sbr.abs _section_cstart, $3  }
0xd1: {  	[dreg:$0x1] =	wrdreg $0xFFFFFFFF  }
0xd2: {  	_ =	task.clear_ibuf [dreg:s22], $0x2FFFF;
	_ =	strace $0x9FFFFFFF  }
0xd3: {  	(tm) =	ssettm $0x7FFFFFFF  }
tec
execute0_lowered:
.L_overlay_start_1:
0x0: {  	(tag) =	ssettag $0x1  }
0x1: {  	s1 =	srdreg.scid;
	s0 =	stileid.u32  }
0x2: {  	s17 =	sand.u32 $0x1, s1;
	s31 =	sshll.u32 s0, $0x1  }
0x3: {  	s2 =	rddreg [dreg:$0x0];
	s6 =	sor.u32 s17, s31  }
0x4: {  	s4 =	rddreg [dreg:$0x1];
	s5 =	smul.u32 $0x7D0, s6  }
0x5: {  	s9 =	rddreg [dreg:$0x2]  }
0x6: {  	s3 =	simm.s32 $0x0;
	s1 =	rddreg [dreg:$0x3];
	s5 =	sshrl.u32 s5, $0x3  }
0x7: {  	[smem:$0x7FF] =	sst s3;
	s16 =	sadd.s32 s4, s5  }
0x8: {  	_ =	strace $0x8000004D;
	s4 =	simm.s32 $0x2;
	s5 =	sadd.s32 $0x3E80, s16  }
0x9: {  	[tilespmem:s3], [sflag:$0x2] =	stream.linear.gather [hbm4b:s5+s3], $0x190, $0x38;
	[tilespmem:$0xCA00] =	vst v63  }
0xa: {  	_ =	swait.ge [sflag:s4], $0x190  }
0xb: {  	s7 =	simm.s32 $0x200;
	s8 =	simm.s32 $0x1;
	[sflag:s4] =	ssyncset.done $0x0  }
0xc: {  	s10 =	smul.u32 $0x7D00, s6;
	s6 =	simm.s32 $0x190;
	[sflag:s4] =	ssyncadd.s32 $0xFFFFFE70  }
0xd: {  	[tilespmem:s7], [sflag:$0x1] =	stream.indirect.gather [hbm4b:s2+s6], $0x80, s3, s6, $0xb8;
	[tilespmem:$0xCA00] =	vst v63  }
0xe: {  	_ =	swait.ge [sflag:s8], $0xC800  }
0xf: {  	s18 =	sadd.s32 s10, s9;
	[sflag:s8] =	ssyncset.done $0x0  }
0x10: {  	s9 =	sadd.s32 $0x1F8A00, s18;
	[sflag:s8] =	ssyncadd.s32 $0xFFFF3800  }
0x11: {  	[hbm4b:s9+s3] =	stream.linear.scatter [tilespmem:s7], [sflag:$0x2], $0xC800, $0x38;
	[tilespmem:$0xCA00] =	vst v63  }
0x12: {  	_ =	swait.ge [sflag:s4], $0xC800  }
0x13: {  	[sflag:s4] =	ssyncset.done $0x0  }
0x14: {  	s10 =	sadd.s32 $0x3EB2, s16;
	[sflag:s4] =	ssyncadd.s32 $0xFFFF3800  }
0x15: {  	[tilespmem:s3], [sflag:$0x2] =	stream.linear.gather [hbm4b:s10+s3], $0x190, $0x38;
	[tilespmem:$0xCA00] =	vst v63  }
0x16: {  	_ =	swait.ge [sflag:s4], $0x190  }
0x17: {  	[sflag:s4] =	ssyncset.done $0x0  }
0x18: {  	[sflag:s4] =	ssyncadd.s32 $0xFFFFFE70  }
0x19: {  	[tilespmem:s7], [sflag:$0x1] =	stream.indirect.gather [hbm4b:s2+s6], $0x80, s3, s6, $0xb8;
	[tilespmem:$0xCA00] =	vst v63  }
0x1a: {  	_ =	swait.ge [sflag:s8], $0xC800  }
0x1b: {  	[sflag:s8] =	ssyncset.done $0x0  }
0x1c: {  	s11 =	sadd.s32 $0x1FA300, s18;
	[sflag:s8] =	ssyncadd.s32 $0xFFFF3800  }
0x1d: {  	[hbm4b:s11+s3] =	stream.linear.scatter [tilespmem:s7], [sflag:$0x2], $0xC800, $0x38;
	[tilespmem:$0xCA00] =	vst v63  }
0x1e: {  	_ =	swait.ge [sflag:s4], $0xC800  }
0x1f: {  	[sflag:s4] =	ssyncset.done $0x0  }
0x20: {  	s12 =	sadd.s32 $0x3EE4, s16;
	[sflag:s4] =	ssyncadd.s32 $0xFFFF3800  }
0x21: {  	[tilespmem:s3], [sflag:$0x2] =	stream.linear.gather [hbm4b:s12+s3], $0x190, $0x38;
	[tilespmem:$0xCA00] =	vst v63  }
0x22: {  	_ =	swait.ge [sflag:s4], $0x190  }
0x23: {  	[sflag:s4] =	ssyncset.done $0x0  }
0x24: {  	[sflag:s4] =	ssyncadd.s32 $0xFFFFFE70  }
0x25: {  	[tilespmem:s7], [sflag:$0x1] =	stream.indirect.gather [hbm4b:s2+s6], $0x80, s3, s6, $0xb8;
	[tilespmem:$0xCA00] =	vst v63  }
0x26: {  	_ =	swait.ge [sflag:s8], $0xC800  }
0x27: {  	[sflag:s8] =	ssyncset.done $0x0  }
0x28: {  	s13 =	sadd.s32 $0x1FBC00, s18;
	[sflag:s8] =	ssyncadd.s32 $0xFFFF3800  }
0x29: {  	[hbm4b:s13+s3] =	stream.linear.scatter [tilespmem:s7], [sflag:$0x2], $0xC800, $0x38;
	[tilespmem:$0xCA00] =	vst v63  }
0x2a: {  	_ =	swait.ge [sflag:s4], $0xC800  }
0x2b: {  	[sflag:s4] =	ssyncset.done $0x0  }
0x2c: {  	s14 =	sadd.s32 $0x3F16, s16;
	[sflag:s4] =	ssyncadd.s32 $0xFFFF3800  }
0x2d: {  	[tilespmem:s3], [sflag:$0x2] =	stream.linear.gather [hbm4b:s14+s3], $0x190, $0x38;
	[tilespmem:$0xCA00] =	vst v63  }
0x2e: {  	_ =	swait.ge [sflag:s4], $0x190  }
0x2f: {  	[sflag:s4] =	ssyncset.done $0x0  }
0x30: {  	[sflag:s4] =	ssyncadd.s32 $0xFFFFFE70  }
0x31: {  	[tilespmem:s7], [sflag:$0x1] =	stream.indirect.gather [hbm4b:s2+s6], $0x80, s3, s6, $0xb8;
	[tilespmem:$0xCA00] =	vst v63  }
0x32: {  	_ =	swait.ge [sflag:s8], $0xC800  }
0x33: {  	[sflag:s8] =	ssyncset.done $0x0  }
0x34: {  	s15 =	sadd.s32 $0x1FD500, s18;
	[sflag:s8] =	ssyncadd.s32 $0xFFFF3800  }
0x35: {  	[hbm4b:s15+s3] =	stream.linear.scatter [tilespmem:s7], [sflag:$0x2], $0xC800, $0x38;
	[tilespmem:$0xCA00] =	vst v63  }
0x36: {  	_ =	swait.ge [sflag:s4], $0xC800  }
0x37: {  	[sflag:s4] =	ssyncset.done $0x0  }
0x38: {  	s17 =	ssub.s32 $0x2, s17;
	s16 =	sadd.s32 $0x3F48, s16;
	[sflag:s4] =	ssyncadd.s32 $0xFFFF3800  }
0x39: {  	[tilespmem:s3], [sflag:$0x2] =	stream.linear.gather [hbm4b:s16+s3], $0x190, $0x38;
	[tilespmem:$0xCA00] =	vst v63  }
0x3a: {  	s19 =	sshrl.u32 s17, $0x1;
	_ =	swait.ge [sflag:s4], $0x190  }
0x3b: {  	s17 =	ssub.s32 s17, s19;
	[sflag:s4] =	ssyncset.done $0x0  }
0x3c: {  	s19 =	smax.u32 s17, $0x1;
	[sflag:s4] =	ssyncadd.s32 $0xFFFFFE70  }
0x3d: {  	[tilespmem:s7], [sflag:$0x1] =	stream.indirect.gather [hbm4b:s2+s6], $0x80, s3, s6, $0xb8;
	[tilespmem:$0xCA00] =	vst v63  }
0x3e: {  	p0 =	sne.s32 s19, $0x1;
	_ =	swait.ge [sflag:s8], $0xC800  }
.Ltmp0:
0x3f: {  	[sflag:s8] =	ssyncset.done $0x0;
	(pc) =	sbr.rel @!p0 .LBB2_2-.Ltmp0, $4  }
0x40: {  	s17 =	sadd.s32 $0x1FEE00, s18;
	[sflag:s8] =	ssyncadd.s32 $0xFFFF3800  }
0x41: {  	[hbm4b:s17+s3] =	stream.linear.scatter [tilespmem:s7], [sflag:$0x2], $0xC800, $0x38;
	[tilespmem:$0xCA00] =	vst v63  }
0x42: {  	_ =	swait.ge [sflag:s4], $0xC800  }
0x43: {  	s18 =	sadd.s32 $0xFFFFFFFF, s19;
	[sflag:s4] =	ssyncset.done $0x0  }
.LBB2_1:
0x44: {  	p0 =	sne.s32 s18, $0x1;
	s18 =	sadd.s32 $0xFFFFFFFF, s18;
	[sflag:s4] =	ssyncadd.s32 $0xFFFF3800  }
0x45: {  	[tilespmem:s3], [sflag:$0x2] =	stream.linear.gather [hbm4b:s5+s3], $0x190, $0x38;
	[tilespmem:$0xCA00] =	vst v63  }
0x46: {  	_ =	swait.ge [sflag:s4], $0x190  }
0x47: {  	[sflag:s4] =	ssyncset.done $0x0  }
0x48: {  	[sflag:s4] =	ssyncadd.s32 $0xFFFFFE70  }
0x49: {  	[tilespmem:s7], [sflag:$0x1] =	stream.indirect.gather [hbm4b:s2+s6], $0x80, s3, s6, $0xb8;
	[tilespmem:$0xCA00] =	vst v63  }
0x4a: {  	_ =	swait.ge [sflag:s8], $0xC800  }
0x4b: {  	[sflag:s8] =	ssyncset.done $0x0  }
0x4c: {  	[sflag:s8] =	ssyncadd.s32 $0xFFFF3800  }
0x4d: {  	[hbm4b:s9+s3] =	stream.linear.scatter [tilespmem:s7], [sflag:$0x2], $0xC800, $0x38;
	[tilespmem:$0xCA00] =	vst v63  }
0x4e: {  	_ =	swait.ge [sflag:s4], $0xC800  }
0x4f: {  	[sflag:s4] =	ssyncset.done $0x0  }
0x50: {  	[sflag:s4] =	ssyncadd.s32 $0xFFFF3800  }
0x51: {  	[tilespmem:s3], [sflag:$0x2] =	stream.linear.gather [hbm4b:s10+s3], $0x190, $0x38;
	[tilespmem:$0xCA00] =	vst v63  }
0x52: {  	_ =	swait.ge [sflag:s4], $0x190  }
0x53: {  	[sflag:s4] =	ssyncset.done $0x0  }
0x54: {  	[sflag:s4] =	ssyncadd.s32 $0xFFFFFE70  }
0x55: {  	[tilespmem:s7], [sflag:$0x1] =	stream.indirect.gather [hbm4b:s2+s6], $0x80, s3, s6, $0xb8;
	[tilespmem:$0xCA00] =	vst v63  }
0x56: {  	_ =	swait.ge [sflag:s8], $0xC800  }
0x57: {  	[sflag:s8] =	ssyncset.done $0x0  }
0x58: {  	[sflag:s8] =	ssyncadd.s32 $0xFFFF3800  }
0x59: {  	[hbm4b:s11+s3] =	stream.linear.scatter [tilespmem:s7], [sflag:$0x2], $0xC800, $0x38;
	[tilespmem:$0xCA00] =	vst v63  }
0x5a: {  	_ =	swait.ge [sflag:s4], $0xC800  }
0x5b: {  	[sflag:s4] =	ssyncset.done $0x0  }
0x5c: {  	[sflag:s4] =	ssyncadd.s32 $0xFFFF3800  }
0x5d: {  	[tilespmem:s3], [sflag:$0x2] =	stream.linear.gather [hbm4b:s12+s3], $0x190, $0x38;
	[tilespmem:$0xCA00] =	vst v63  }
0x5e: {  	_ =	swait.ge [sflag:s4], $0x190  }
0x5f: {  	[sflag:s4] =	ssyncset.done $0x0  }
0x60: {  	[sflag:s4] =	ssyncadd.s32 $0xFFFFFE70  }
0x61: {  	[tilespmem:s7], [sflag:$0x1] =	stream.indirect.gather [hbm4b:s2+s6], $0x80, s3, s6, $0xb8;
	[tilespmem:$0xCA00] =	vst v63  }
0x62: {  	_ =	swait.ge [sflag:s8], $0xC800  }
0x63: {  	[sflag:s8] =	ssyncset.done $0x0  }
0x64: {  	[sflag:s8] =	ssyncadd.s32 $0xFFFF3800  }
0x65: {  	[hbm4b:s13+s3] =	stream.linear.scatter [tilespmem:s7], [sflag:$0x2], $0xC800, $0x38;
	[tilespmem:$0xCA00] =	vst v63  }
0x66: {  	_ =	swait.ge [sflag:s4], $0xC800  }
0x67: {  	[sflag:s4] =	ssyncset.done $0x0  }
0x68: {  	[sflag:s4] =	ssyncadd.s32 $0xFFFF3800  }
0x69: {  	[tilespmem:s3], [sflag:$0x2] =	stream.linear.gather [hbm4b:s14+s3], $0x190, $0x38;
	[tilespmem:$0xCA00] =	vst v63  }
0x6a: {  	_ =	swait.ge [sflag:s4], $0x190  }
0x6b: {  	[sflag:s4] =	ssyncset.done $0x0  }
0x6c: {  	[sflag:s4] =	ssyncadd.s32 $0xFFFFFE70  }
0x6d: {  	[tilespmem:s7], [sflag:$0x1] =	stream.indirect.gather [hbm4b:s2+s6], $0x80, s3, s6, $0xb8;
	[tilespmem:$0xCA00] =	vst v63  }
0x6e: {  	_ =	swait.ge [sflag:s8], $0xC800  }
0x6f: {  	[sflag:s8] =	ssyncset.done $0x0  }
0x70: {  	[sflag:s8] =	ssyncadd.s32 $0xFFFF3800  }
0x71: {  	[hbm4b:s15+s3] =	stream.linear.scatter [tilespmem:s7], [sflag:$0x2], $0xC800, $0x38;
	[tilespmem:$0xCA00] =	vst v63  }
0x72: {  	_ =	swait.ge [sflag:s4], $0xC800  }
0x73: {  	[sflag:s4] =	ssyncset.done $0x0  }
0x74: {  	[sflag:s4] =	ssyncadd.s32 $0xFFFF3800  }
0x75: {  	[tilespmem:s3], [sflag:$0x2] =	stream.linear.gather [hbm4b:s16+s3], $0x190, $0x38;
	[tilespmem:$0xCA00] =	vst v63  }
0x76: {  	_ =	swait.ge [sflag:s4], $0x190  }
0x77: {  	[sflag:s4] =	ssyncset.done $0x0  }
0x78: {  	[sflag:s4] =	ssyncadd.s32 $0xFFFFFE70  }
0x79: {  	[tilespmem:s7], [sflag:$0x1] =	stream.indirect.gather [hbm4b:s2+s6], $0x80, s3, s6, $0xb8;
	[tilespmem:$0xCA00] =	vst v63  }
0x7a: {  	_ =	swait.ge [sflag:s8], $0xC800  }
.Ltmp1:
0x7b: {  	[sflag:s8] =	ssyncset.done $0x0;
	(pc) =	sbr.rel @p0 .LBB2_1-.Ltmp1, $4  }
0x7c: {  	[sflag:s8] =	ssyncadd.s32 $0xFFFF3800  }
0x7d: {  	[hbm4b:s17+s3] =	stream.linear.scatter [tilespmem:s7], [sflag:$0x2], $0xC800, $0x38;
	[tilespmem:$0xCA00] =	vst v63  }
0x7e: {  	_ =	swait.ge [sflag:s4], $0xC800  }
0x7f: {  	[sflag:s4] =	ssyncset.done $0x0  }
.LBB2_2:
0x80: {  	[sflag:s4] =	ssyncadd.s32 $0xFFFF3800  }
0x81: {  	_ =	sfence.sel $0x180000  }
0x82: {  	[bflag:$0x0] =	sbarrier.arrive $0xFFFF  }
0x83: {  	p0 =	sne.s32 s0, $0x0;
	_ =	strace $0x9000004D  }
0x84: {  	s0 =	sadd.s32 @!p0 $0x100000, s1;
	[bflag:$0x2] =	sbarrier.arrive $0xFFFF  }
0x85: {  	[sflag:s0] =	ssyncadd.tile.s32 @!p0 $0x1;
	_ =	shalt  }
.Lfunc_end2:
_tile_overlayer_lowered:
.L_overlay_start_2:
0x86: {  	(tag) =	ssettag $0x2  }
0x87: {  	s0 =	rddreg [dreg:$0x0];
	s2 =	stileid.u32  }
0x88: {  	s1 =	rddreg [dreg:$0x1];
	p0 =	sne.s32 s2, $0x0  }
0x89: {  	s3 =	rddreg [dreg:$0x2];
	[bflag:$0x3] =	sbarrier.arrive $0xFFFF;
	s2 =	simm.s32 @!p0 $0x1C02  }
0x8a: {  	[timem:s3], [sflag:s2] =	dma.local @!p0 [hbm:s0], s1  }
0x8b: {  	s0 =	simm.s32 @!p0 $0x2  }
0x8c: {  	_ =	swait.ge @!p0 [sflag:s0], s1  }
0x8d: {  	s1 =	ssub.s32 @!p0 $0x0, s1;
	[sflag:s0] =	ssyncset.done @!p0 $0x0  }
0x8e: {  	[sflag:s0] =	ssyncadd.s32 @!p0 s1  }
0x8f: {  	[bflag:$0x3] =	sbarrier.arrive $0xFFFF  }
0x90: {  	_ =	shalt  }

// kernel: kernel.24.cloned.1.call-start
scs
__scs_entry_jumppad:
0x0: {  	(pc) =	sbr.rel $0x88, $3  }
0x1: {  	(tag) =	ssettag $0x0;
	lr =	simm.s32 $0x1  }
0x2: {  	[smem:$0x3F8E] =	sst lr;
	_ =	strace $0xD0000000  }
0x3: {  	_ = 	snop  }
0x4: {  	_ = 	snop  }
0x5: {  	_ = 	snop  }
0x6: {  	_ = 	snop  }
0x7: {  	_ = 	snop  }
__scs_overlays_trampoline_lowered:
0x8: {  	[smem:$0x3F9D] =	sst s0  }
0x9: {  	[smem:$0x3F9E] =	sst s1  }
0xa: {  	[smem:$0x3F9F] =	sst s2  }
0xb: {  	[smem:$0x3FA0] =	sst s3  }
0xc: {  	[smem:$0x3FA1] =	sst s4  }
0xd: {  	[smem:$0x3FA2] =	sst s5  }
0xe: {  	[smem:$0x3FA3] =	sst s6  }
0xf: {  	[smem:$0x3FA4] =	sst s7  }
0x10: {  	[smem:$0x3FA5] =	sst s8  }
0x11: {  	[smem:$0x3FA6] =	sst s9;
	s0 =	simm.s32 @!p0 $0x0  }
0x12: {  	s1 =	sld [smem:$0x3F8C];
	s0 =	simm.s32 @p0 $0x1  }
0x13: {  	[smem:$0x3FA7] =	sst s0;
	s0 =	simm.s32 @!p1 $0x0  }
0x14: {  	s2 =	sld [smem:$0x3F8B];
	s0 =	simm.s32 @p1 $0x1  }
0x15: {  	[smem:$0x3FA8] =	sst s0;
	s0 =	simm.s32 @!p2 $0x0  }
0x16: {  	s3 =	sld [smem:$0x3FDB];
	s0 =	simm.s32 @p2 $0x1  }
0x17: {  	s4 =	simm.s32 $0x1BF5;
	[smem:$0x3FAA] =	sst s0  }
0x18: {  	s0 =	sld [smem:$0x3F8D];
	_ =	swait.ge [sflag:s4], $0x0  }
0x19: {  	s7 =	sld [smem:$0x3F8E]  }
0x1a: {  	s8 =	sadd.s32 $0xFFFFE003, lr  }
0x1b: {  	s9 =	sadd.s32 $0xFFFFFEF7, lr;
	s5 =	simm.s32 $0xFFFFFFFF;
	p2 =	slt.u32 s8, $0xFFFFF086  }
0x1c: {  	p1 =	slt.u32 s9, $0xF7A;
	s5 =	simm.s32 @!p2 $0x0  }
0x1d: {  	s5 =	simm.s32 @p1 $0x1;
	p0 =	seq.s32 s7, s2  }
0x1e: {  	s7 =	smul.u32 @!p0 $0xF7A, s2;
	p2 =	seq.s32 @!p0 s5, $0x0  }
0x1f: {  	s9 =	smul.u32 $0xF7A, s1;
	s8 =	simm.s32 @!p0 $0x1BF5;
	p2 =	por !p2, p0  }
0x20: {  	[sflag:s8] =	ssyncset.s32 @!p0 $0xFFFFF086;
	s6 =	sadd.s32 @!p0 s3, s7;
	s7 =	simm.s32 @!p0 $0x108  }
0x21: {  	s3 =	sadd.s32 s3, s9;
	s6 =	sadd.s32 @!p0 $0x88, s6;
	s7 =	simm.s32 @p2 $0x1082  }
0x22: {  	[simem:s7], [sflag:s8] =	dma.local @!p0 [hbm:s6], $0xF7A  }
0x23: {  	s9 =	sor.u32 $0xD0000000, s2;
	s6 =	simm.s32 $0x108;
	_ =	swait.ge @!p0 [sflag:s8], $0x0  }
0x24: {  	s3 =	sadd.s32 $0x88, s3;
	s6 =	simm.s32 @!p1 $0x1082;
	[sflag:s4] =	ssyncset.s32 $0xFFFFF086  }
0x25: {  	[simem:s6], [sflag:s4] =	dma.local [hbm:s3], $0xF7A  }
0x26: {  	[smem:$0x3F8E] =	sst s1;
	(tag) =	ssettag s2;
	_ =	strace s9  }
0x27: {  	s1 =	sld [smem:$0x3F9E]  }
0x28: {  	s2 =	sld [smem:$0x3F9F]  }
0x29: {  	s4 =	sld [smem:$0x3FA1]  }
0x2a: {  	p0 =	seq.s32 s5, $0x0;
	s5 =	sld [smem:$0x3FA2]  }
0x2b: {  	s6 =	sld [smem:$0x3FA3]  }
0x2c: {  	s7 =	sld [smem:$0x3FA4]  }
0x2d: {  	s3 =	simm.s32 $0x108;
	s8 =	sld [smem:$0x3FA5]  }
0x2e: {  	s3 =	simm.s32 @!p0 $0x1082;
	s9 =	sld [smem:$0x3FA6]  }
0x2f: {  	lr =	sadd.s32 s0, s3;
	s0 =	sld [smem:$0x3F9D]  }
0x30: {  	s3 =	sld [smem:$0x3FA0]  }
0x31: {  	[smem:$0x3FA9] =	sst s10  }
0x32: {  	s10 =	sld [smem:$0x3FA7];
	_ =	sdelay $0x3  }
0x33: {  	p0 =	seq.s32 s10, $0x1;
	s10 =	sld [smem:$0x3FA9];
	_ =	sdelay $0x3  }
0x34: {  	[smem:$0x3FA9] =	sst s10  }
0x35: {  	s10 =	sld [smem:$0x3FA8];
	_ =	sdelay $0x3  }
0x36: {  	p1 =	seq.s32 s10, $0x1;
	s10 =	sld [smem:$0x3FA9];
	_ =	sdelay $0x3  }
0x37: {  	[smem:$0x3FA9] =	sst s10  }
0x38: {  	s10 =	sld [smem:$0x3FAA]  }
0x39: {  	_ = 	snop;
	(pc) =	sbr.ind lr, $3  }
0x3a: {  	_ = 	snop  }
0x3b: {  	_ = 	snop  }
0x3c: {  	p2 =	seq.s32 s10, $0x1;
	s10 =	sld [smem:$0x3FA9]  }
0x3d: {  	_ =	shalt  }
0x3e: {  	_ =	shalt  }
0x3f: {  	_ =	shalt  }
0x40: {  	_ =	shalt  }
0x41: {  	_ =	shalt  }
0x42: {  	_ =	shalt  }
0x43: {  	_ =	shalt  }
0x44: {  	_ =	shalt  }
0x45: {  	_ =	shalt  }
0x46: {  	_ =	shalt  }
0x47: {  	_ =	shalt  }
0x48: {  	_ =	shalt  }
0x49: {  	_ =	shalt  }
0x4a: {  	_ =	shalt  }
0x4b: {  	_ =	shalt  }
0x4c: {  	_ =	shalt  }
0x4d: {  	_ =	shalt  }
0x4e: {  	_ =	shalt  }
0x4f: {  	_ =	shalt  }
0x50: {  	_ =	shalt  }
0x51: {  	_ =	shalt  }
0x52: {  	_ =	shalt  }
0x53: {  	_ =	shalt  }
0x54: {  	_ =	shalt  }
0x55: {  	_ =	shalt  }
0x56: {  	_ =	shalt  }
0x57: {  	_ =	shalt  }
0x58: {  	_ =	shalt  }
0x59: {  	_ =	shalt  }
0x5a: {  	_ =	shalt  }
0x5b: {  	_ =	shalt  }
0x5c: {  	_ =	shalt  }
0x5d: {  	_ =	shalt  }
0x5e: {  	_ =	shalt  }
0x5f: {  	_ =	shalt  }
0x60: {  	_ =	shalt  }
0x61: {  	_ =	shalt  }
0x62: {  	_ =	shalt  }
0x63: {  	_ =	shalt  }
0x64: {  	_ =	shalt  }
0x65: {  	_ =	shalt  }
0x66: {  	_ =	shalt  }
0x67: {  	_ =	shalt  }
0x68: {  	_ =	shalt  }
0x69: {  	_ =	shalt  }
0x6a: {  	_ =	shalt  }
0x6b: {  	_ =	shalt  }
0x6c: {  	_ =	shalt  }
0x6d: {  	_ =	shalt  }
0x6e: {  	_ =	shalt  }
0x6f: {  	_ =	shalt  }
0x70: {  	_ =	shalt  }
0x71: {  	_ =	shalt  }
0x72: {  	_ =	shalt  }
0x73: {  	_ =	shalt  }
0x74: {  	_ =	shalt  }
0x75: {  	_ =	shalt  }
0x76: {  	_ =	shalt  }
0x77: {  	_ =	shalt  }
0x78: {  	_ =	shalt  }
0x79: {  	_ =	shalt  }
0x7a: {  	_ =	shalt  }
0x7b: {  	_ =	shalt  }
0x7c: {  	_ =	shalt  }
0x7d: {  	_ =	shalt  }
0x7e: {  	_ =	shalt  }
0x7f: {  	_ =	shalt  }
0x80: {  	_ =	shalt  }
0x81: {  	_ =	shalt  }
0x82: {  	_ =	shalt  }
0x83: {  	_ =	shalt  }
0x84: {  	_ =	shalt  }
0x85: {  	_ =	shalt  }
0x86: {  	_ =	shalt  }
0x87: {  	_ =	shalt  }
.Lfunc_end0:
.L_simem_size_0:
called_computation.3_lowered:
.L_overlay_start_0:
0x88: {  	s2 =	sld [smem:$0x3FD9]  }
0x89: {  	s3 =	sld [smem:$0x3FFE];
	_ =	sdelay $0x1  }
0x8a: {  	s1 =	srdreg.scid  }
0x8b: {  	s0 =	sand.u32 $0x1, s1  }
0x8c: {  	s17 =	sshll.u32 s0, $0xA;
	s2 =	sadd.s32 s3, s2  }
0x8d: {  	s2 =	sadd.s32 s2, s17  }
0x8e: {  	[smem:$0x3FB5] =	sst s2  }
0x8f: {  	_ = 	snop  }
0x90: {  	s18 =	sld [smem:$0x3FC6]  }
0x91: {  	s4 =	sld [smem:$0x3FD0];
	(tm) =	ssettm $0x1  }
0x92: {  	s19 =	sld [smem:$0x3FFB];
	_ =	sdelay $0x3  }
0x93: {  	_ =	strace s19  }
0x94: {  	s2 =	sld [smem:$0x3FFC];
	_ =	sdelay $0x3  }
0x95: {  	_ =	strace s2  }
0x96: {  	s2 =	sld [smem:$0x3FFD];
	_ =	sdelay $0x3  }
0x97: {  	_ =	strace s2  }
0x98: {  	_ =	strace $0x8FFFFFFF  }
0x99: {  	s20 =	sld [smem:$0x3FDB];
	_ =	sdelay $0x1  }
0x9a: {  	s5 =	simm.s32 $_scs_section_size  }
0x9b: {  	s6 =	simm.s32 $_size__tile_overlayer_lowered;
	s7 =	simm.s32 $_tile_overlayer_lowered  }
0x9c: {  	s8 =	simm.s32 $0x1BFF;
	s21 =	sshll.u32 s7, $0x1;
	s5 =	sadd.s32 s5, s20  }
0x9d: {  	s22 =	simm.s32 $0x0;
	s6 =	sshll.u32 s6, $0x1;
	s7 =	sadd.s32 s21, s5  }
0x9e: {  	[timem:s22], [sflag:s8] =	dma.local [hbm:s7], s6  }
0x9f: {  	_ =	swait.ge [sflag:s8], s6  }
0xa0: {  	s6 =	ssub.s32 $0x0, s6;
	[sflag:s8] =	ssyncset.done $0x0  }
0xa1: {  	[sflag:s8] =	ssyncadd.s32 s6;
	_ =	sdelay $0x1  }
0xa2: {  	s23 =	simm.s32 $0x1B8B  }
0xa3: {  	_ =	swait.ge [sflag:s23], $0x1  }
0xa4: {  	[sflag:s23] =	ssyncset.done $0x0  }
0xa5: {  	[sflag:s23] =	ssyncadd.s32 $0xFFFFFFFF  }
0xa6: {  	s6 =	sld [smem:$0x0]  }
0xa7: {  	s7 =	sand.u32 $0xFFFFFFFE, s1  }
0xa8: {  	p0 =	sne.s32 s1, s7  }
0xa9: {  	s7 =	sshll.u32 @p0 s7, $0xE  }
0xaa: {  	s7 =	sadd.s32 @p0 $0x11B8D, s7;
	s8 =	sshll.u32 @p0 s6, $0x11  }
0xab: {  	s7 =	sor.u32 @p0 s8, s7  }
0xac: {  	[sflag:s7] =	ssyncadd.remote.s32 @p0 $0x1;
	_ =	sdelay $0x1  }
0xad: {  	s7 =	simm.s32 @p0 $0x1B8D  }
0xae: {  	_ =	swait.eq @p0 [sflag:s7], $0x1  }
0xaf: {  	[sflag:s7] =	ssyncadd.s32 @p0 $0xFFFFFFFF  }
0xb0: {  	s8 =	sshll.u32 @!p0 s1, $0xE  }
0xb1: {  	s8 =	sor.u32 @!p0 $0x4000, s8;
	s7 =	simm.s32 @!p0 $0x1B8D  }
0xb2: {  	s6 =	sshll.u32 @!p0 s6, $0x11;
	s8 =	sadd.s32 @!p0 $0x11B8D, s8;
	_ =	swait.eq @!p0 [sflag:s7], $0x1  }
0xb3: {  	s6 =	sor.u32 @!p0 s6, s8;
	[sflag:s7] =	ssyncadd.s32 @!p0 $0xFFFFFFFF  }
0xb4: {  	s25 =	simm.s32 $0x1B8E;
	s24 =	sld [smem:$0x3FFE];
	[sflag:s6] =	ssyncadd.remote.s32 @!p0 $0x1  }
0xb5: {  	s26 =	simm.s32 $execute0_lowered;
	[smem:$0x3FD2] =	sst s25  }
0xb6: {  	s7 =	sshll.u32 s26, $0x1;
	_ =	strace $0x80000049;
	[dreg:$0x1] =	wrdreg $0xFFFFFFFF  }
0xb7: {  	s28 =	simm.s32 $_size_execute0_lowered;
	s5 =	sadd.s32 s5, s7;
	[dreg:$0x0] =	wrdreg $0x0  }
0xb8: {  	s7 =	sshll.u32 s28, $0x1;
	[dreg:$0x2] =	wrdreg s5  }
0xb9: {  	[dreg:$0x3] =	wrdreg s7  }
0xba: {  	[dreg:$0x4] =	wrdreg $0xC0  }
0xbb: {  	_ =	task [dreg:s22], $0x5FFFF  }
0xbc: {  	[dreg:$0x1] =	wrdreg $0xFFFFFFFF  }
0xbd: {  	[dreg:$0x0] =	wrdreg $0x60  }
0xbe: {  	[dreg:$0x2] =	wrdreg s4  }
0xbf: {  	[dreg:$0x3] =	wrdreg s18  }
0xc0: {  	[dreg:$0x4] =	wrdreg s24  }
0xc1: {  	[dreg:$0x5] =	wrdreg $0xC  }
0xc2: {  	_ =	task.clear_ibuf [dreg:s22], $0x6FFFF;
	_ =	strace $0x90000049  }
0xc3: {  	s29 =	simm.s32 $0xC;
	_ =	strace $0x8000004B  }
0xc4: {  	_ =	swait.ge [sflag:s29], $0x1  }
0xc5: {  	[sflag:s29] =	ssyncadd.s32 $0xFFFFFFFF  }
0xc6: {  	_ =	strace $0x9000004B  }
0xc7: {  	_ =	sfence  }
0xc8: {  	s30 =	sld [smem:$0x0];
	_ =	sdelay $0x2  }
0xc9: {  	s31 =	sshll.u32 s1, $0xD;
	s1 =	sshrl.u32 s1, $0x2  }
0xca: {  	s4 =	sand.u32 $0x4000, s31;
	s1 =	sadd.s32 s1, s30  }
0xcb: {  	s0 =	sor.u32 s4, s0;
	s1 =	sshll.u32 s1, $0x11  }
0xcc: {  	s0 =	sor.u32 s1, s0  }
0xcd: {  	s0 =	sadd.s32 $0x8F2B, s0  }
0xce: {  	[sflag:s0] =	ssyncadd.remote.s32 $0x1  }
0xcf: {  	_ =	sfence.sel $0xFFFF  }
0xd0: {  	[dreg:$0x0] =	wrdreg $0xFFFFFFFF;
	(pc) =	sbr.abs _section_cstart, $3  }
0xd1: {  	[dreg:$0x1] =	wrdreg $0xFFFFFFFF  }
0xd2: {  	_ =	task.clear_ibuf [dreg:s22], $0x2FFFF;
	_ =	strace $0x9FFFFFFF  }
0xd3: {  	(tm) =	ssettm $0x7FFFFFFF  }
tec
execute0_lowered:
.L_overlay_start_1:
0x0: {  	(tag) =	ssettag $0x1  }
0x1: {  	s1 =	srdreg.scid;
	s0 =	stileid.u32  }
0x2: {  	s17 =	sand.u32 $0x1, s1;
	s31 =	sshll.u32 s0, $0x1  }
0x3: {  	s2 =	rddreg [dreg:$0x0];
	s6 =	sor.u32 s17, s31  }
0x4: {  	s4 =	rddreg [dreg:$0x1];
	s5 =	smul.u32 $0x7D0, s6  }
0x5: {  	s9 =	rddreg [dreg:$0x2]  }
0x6: {  	s3 =	simm.s32 $0x0;
	s1 =	rddreg [dreg:$0x3];
	s5 =	sshrl.u32 s5, $0x3  }
0x7: {  	[smem:$0x7FF] =	sst s3;
	s16 =	sadd.s32 s4, s5  }
0x8: {  	_ =	strace $0x8000004A;
	s4 =	simm.s32 $0x2;
	s5 =	sadd.s32 $0x5DC0, s16  }
0x9: {  	[tilespmem:s3], [sflag:$0x2] =	stream.linear.gather [hbm4b:s5+s3], $0x190, $0x38;
	[tilespmem:$0xCA00] =	vst v63  }
0xa: {  	_ =	swait.ge [sflag:s4], $0x190  }
0xb: {  	s7 =	simm.s32 $0x200;
	s8 =	simm.s32 $0x1;
	[sflag:s4] =	ssyncset.done $0x0  }
0xc: {  	s10 =	smul.u32 $0x7D00, s6;
	s6 =	simm.s32 $0x190;
	[sflag:s4] =	ssyncadd.s32 $0xFFFFFE70  }
0xd: {  	[tilespmem:s7], [sflag:$0x1] =	stream.indirect.gather [hbm4b:s2+s6], $0x80, s3, s6, $0xb8;
	[tilespmem:$0xCA00] =	vst v63  }
0xe: {  	_ =	swait.ge [sflag:s8], $0xC800  }
0xf: {  	s18 =	sadd.s32 s10, s9;
	[sflag:s8] =	ssyncset.done $0x0  }
0x10: {  	s9 =	sadd.s32 $0xFEA00, s18;
	[sflag:s8] =	ssyncadd.s32 $0xFFFF3800  }
0x11: {  	[hbm4b:s9+s3] =	stream.linear.scatter [tilespmem:s7], [sflag:$0x2], $0xC800, $0x38;
	[tilespmem:$0xCA00] =	vst v63  }
0x12: {  	_ =	swait.ge [sflag:s4], $0xC800  }
0x13: {  	[sflag:s4] =	ssyncset.done $0x0  }
0x14: {  	s10 =	sadd.s32 $0x5DF2, s16;
	[sflag:s4] =	ssyncadd.s32 $0xFFFF3800  }
0x15: {  	[tilespmem:s3], [sflag:$0x2] =	stream.linear.gather [hbm4b:s10+s3], $0x190, $0x38;
	[tilespmem:$0xCA00] =	vst v63  }
0x16: {  	_ =	swait.ge [sflag:s4], $0x190  }
0x17: {  	[sflag:s4] =	ssyncset.done $0x0  }
0x18: {  	[sflag:s4] =	ssyncadd.s32 $0xFFFFFE70  }
0x19: {  	[tilespmem:s7], [sflag:$0x1] =	stream.indirect.gather [hbm4b:s2+s6], $0x80, s3, s6, $0xb8;
	[tilespmem:$0xCA00] =	vst v63  }
0x1a: {  	_ =	swait.ge [sflag:s8], $0xC800  }
0x1b: {  	[sflag:s8] =	ssyncset.done $0x0  }
0x1c: {  	s11 =	sadd.s32 $0x100300, s18;
	[sflag:s8] =	ssyncadd.s32 $0xFFFF3800  }
0x1d: {  	[hbm4b:s11+s3] =	stream.linear.scatter [tilespmem:s7], [sflag:$0x2], $0xC800, $0x38;
	[tilespmem:$0xCA00] =	vst v63  }
0x1e: {  	_ =	swait.ge [sflag:s4], $0xC800  }
0x1f: {  	[sflag:s4] =	ssyncset.done $0x0  }
0x20: {  	s12 =	sadd.s32 $0x5E24, s16;
	[sflag:s4] =	ssyncadd.s32 $0xFFFF3800  }
0x21: {  	[tilespmem:s3], [sflag:$0x2] =	stream.linear.gather [hbm4b:s12+s3], $0x190, $0x38;
	[tilespmem:$0xCA00] =	vst v63  }
0x22: {  	_ =	swait.ge [sflag:s4], $0x190  }
0x23: {  	[sflag:s4] =	ssyncset.done $0x0  }
0x24: {  	[sflag:s4] =	ssyncadd.s32 $0xFFFFFE70  }
0x25: {  	[tilespmem:s7], [sflag:$0x1] =	stream.indirect.gather [hbm4b:s2+s6], $0x80, s3, s6, $0xb8;
	[tilespmem:$0xCA00] =	vst v63  }
0x26: {  	_ =	swait.ge [sflag:s8], $0xC800  }
0x27: {  	[sflag:s8] =	ssyncset.done $0x0  }
0x28: {  	s13 =	sadd.s32 $0x101C00, s18;
	[sflag:s8] =	ssyncadd.s32 $0xFFFF3800  }
0x29: {  	[hbm4b:s13+s3] =	stream.linear.scatter [tilespmem:s7], [sflag:$0x2], $0xC800, $0x38;
	[tilespmem:$0xCA00] =	vst v63  }
0x2a: {  	_ =	swait.ge [sflag:s4], $0xC800  }
0x2b: {  	[sflag:s4] =	ssyncset.done $0x0  }
0x2c: {  	s14 =	sadd.s32 $0x5E56, s16;
	[sflag:s4] =	ssyncadd.s32 $0xFFFF3800  }
0x2d: {  	[tilespmem:s3], [sflag:$0x2] =	stream.linear.gather [hbm4b:s14+s3], $0x190, $0x38;
	[tilespmem:$0xCA00] =	vst v63  }
0x2e: {  	_ =	swait.ge [sflag:s4], $0x190  }
0x2f: {  	[sflag:s4] =	ssyncset.done $0x0  }
0x30: {  	[sflag:s4] =	ssyncadd.s32 $0xFFFFFE70  }
0x31: {  	[tilespmem:s7], [sflag:$0x1] =	stream.indirect.gather [hbm4b:s2+s6], $0x80, s3, s6, $0xb8;
	[tilespmem:$0xCA00] =	vst v63  }
0x32: {  	_ =	swait.ge [sflag:s8], $0xC800  }
0x33: {  	[sflag:s8] =	ssyncset.done $0x0  }
0x34: {  	s15 =	sadd.s32 $0x103500, s18;
	[sflag:s8] =	ssyncadd.s32 $0xFFFF3800  }
0x35: {  	[hbm4b:s15+s3] =	stream.linear.scatter [tilespmem:s7], [sflag:$0x2], $0xC800, $0x38;
	[tilespmem:$0xCA00] =	vst v63  }
0x36: {  	_ =	swait.ge [sflag:s4], $0xC800  }
0x37: {  	[sflag:s4] =	ssyncset.done $0x0  }
0x38: {  	s17 =	ssub.s32 $0x2, s17;
	s16 =	sadd.s32 $0x5E88, s16;
	[sflag:s4] =	ssyncadd.s32 $0xFFFF3800  }
0x39: {  	[tilespmem:s3], [sflag:$0x2] =	stream.linear.gather [hbm4b:s16+s3], $0x190, $0x38;
	[tilespmem:$0xCA00] =	vst v63  }
0x3a: {  	s19 =	sshrl.u32 s17, $0x1;
	_ =	swait.ge [sflag:s4], $0x190  }
0x3b: {  	s17 =	ssub.s32 s17, s19;
	[sflag:s4] =	ssyncset.done $0x0  }
0x3c: {  	s19 =	smax.u32 s17, $0x1;
	[sflag:s4] =	ssyncadd.s32 $0xFFFFFE70  }
0x3d: {  	[tilespmem:s7], [sflag:$0x1] =	stream.indirect.gather [hbm4b:s2+s6], $0x80, s3, s6, $0xb8;
	[tilespmem:$0xCA00] =	vst v63  }
0x3e: {  	p0 =	sne.s32 s19, $0x1;
	_ =	swait.ge [sflag:s8], $0xC800  }
.Ltmp0:
0x3f: {  	[sflag:s8] =	ssyncset.done $0x0;
	(pc) =	sbr.rel @!p0 .LBB2_2-.Ltmp0, $4  }
0x40: {  	s17 =	sadd.s32 $0x104E00, s18;
	[sflag:s8] =	ssyncadd.s32 $0xFFFF3800  }
0x41: {  	[hbm4b:s17+s3] =	stream.linear.scatter [tilespmem:s7], [sflag:$0x2], $0xC800, $0x38;
	[tilespmem:$0xCA00] =	vst v63  }
0x42: {  	_ =	swait.ge [sflag:s4], $0xC800  }
0x43: {  	s18 =	sadd.s32 $0xFFFFFFFF, s19;
	[sflag:s4] =	ssyncset.done $0x0  }
.LBB2_1:
0x44: {  	p0 =	sne.s32 s18, $0x1;
	s18 =	sadd.s32 $0xFFFFFFFF, s18;
	[sflag:s4] =	ssyncadd.s32 $0xFFFF3800  }
0x45: {  	[tilespmem:s3], [sflag:$0x2] =	stream.linear.gather [hbm4b:s5+s3], $0x190, $0x38;
	[tilespmem:$0xCA00] =	vst v63  }
0x46: {  	_ =	swait.ge [sflag:s4], $0x190  }
0x47: {  	[sflag:s4] =	ssyncset.done $0x0  }
0x48: {  	[sflag:s4] =	ssyncadd.s32 $0xFFFFFE70  }
0x49: {  	[tilespmem:s7], [sflag:$0x1] =	stream.indirect.gather [hbm4b:s2+s6], $0x80, s3, s6, $0xb8;
	[tilespmem:$0xCA00] =	vst v63  }
0x4a: {  	_ =	swait.ge [sflag:s8], $0xC800  }
0x4b: {  	[sflag:s8] =	ssyncset.done $0x0  }
0x4c: {  	[sflag:s8] =	ssyncadd.s32 $0xFFFF3800  }
0x4d: {  	[hbm4b:s9+s3] =	stream.linear.scatter [tilespmem:s7], [sflag:$0x2], $0xC800, $0x38;
	[tilespmem:$0xCA00] =	vst v63  }
0x4e: {  	_ =	swait.ge [sflag:s4], $0xC800  }
0x4f: {  	[sflag:s4] =	ssyncset.done $0x0  }
0x50: {  	[sflag:s4] =	ssyncadd.s32 $0xFFFF3800  }
0x51: {  	[tilespmem:s3], [sflag:$0x2] =	stream.linear.gather [hbm4b:s10+s3], $0x190, $0x38;
	[tilespmem:$0xCA00] =	vst v63  }
0x52: {  	_ =	swait.ge [sflag:s4], $0x190  }
0x53: {  	[sflag:s4] =	ssyncset.done $0x0  }
0x54: {  	[sflag:s4] =	ssyncadd.s32 $0xFFFFFE70  }
0x55: {  	[tilespmem:s7], [sflag:$0x1] =	stream.indirect.gather [hbm4b:s2+s6], $0x80, s3, s6, $0xb8;
	[tilespmem:$0xCA00] =	vst v63  }
0x56: {  	_ =	swait.ge [sflag:s8], $0xC800  }
0x57: {  	[sflag:s8] =	ssyncset.done $0x0  }
0x58: {  	[sflag:s8] =	ssyncadd.s32 $0xFFFF3800  }
0x59: {  	[hbm4b:s11+s3] =	stream.linear.scatter [tilespmem:s7], [sflag:$0x2], $0xC800, $0x38;
	[tilespmem:$0xCA00] =	vst v63  }
0x5a: {  	_ =	swait.ge [sflag:s4], $0xC800  }
0x5b: {  	[sflag:s4] =	ssyncset.done $0x0  }
0x5c: {  	[sflag:s4] =	ssyncadd.s32 $0xFFFF3800  }
0x5d: {  	[tilespmem:s3], [sflag:$0x2] =	stream.linear.gather [hbm4b:s12+s3], $0x190, $0x38;
	[tilespmem:$0xCA00] =	vst v63  }
0x5e: {  	_ =	swait.ge [sflag:s4], $0x190  }
0x5f: {  	[sflag:s4] =	ssyncset.done $0x0  }
0x60: {  	[sflag:s4] =	ssyncadd.s32 $0xFFFFFE70  }
0x61: {  	[tilespmem:s7], [sflag:$0x1] =	stream.indirect.gather [hbm4b:s2+s6], $0x80, s3, s6, $0xb8;
	[tilespmem:$0xCA00] =	vst v63  }
0x62: {  	_ =	swait.ge [sflag:s8], $0xC800  }
0x63: {  	[sflag:s8] =	ssyncset.done $0x0  }
0x64: {  	[sflag:s8] =	ssyncadd.s32 $0xFFFF3800  }
0x65: {  	[hbm4b:s13+s3] =	stream.linear.scatter [tilespmem:s7], [sflag:$0x2], $0xC800, $0x38;
	[tilespmem:$0xCA00] =	vst v63  }
0x66: {  	_ =	swait.ge [sflag:s4], $0xC800  }
0x67: {  	[sflag:s4] =	ssyncset.done $0x0  }
0x68: {  	[sflag:s4] =	ssyncadd.s32 $0xFFFF3800  }
0x69: {  	[tilespmem:s3], [sflag:$0x2] =	stream.linear.gather [hbm4b:s14+s3], $0x190, $0x38;
	[tilespmem:$0xCA00] =	vst v63  }
0x6a: {  	_ =	swait.ge [sflag:s4], $0x190  }
0x6b: {  	[sflag:s4] =	ssyncset.done $0x0  }
0x6c: {  	[sflag:s4] =	ssyncadd.s32 $0xFFFFFE70  }
0x6d: {  	[tilespmem:s7], [sflag:$0x1] =	stream.indirect.gather [hbm4b:s2+s6], $0x80, s3, s6, $0xb8;
	[tilespmem:$0xCA00] =	vst v63  }
0x6e: {  	_ =	swait.ge [sflag:s8], $0xC800  }
0x6f: {  	[sflag:s8] =	ssyncset.done $0x0  }
0x70: {  	[sflag:s8] =	ssyncadd.s32 $0xFFFF3800  }
0x71: {  	[hbm4b:s15+s3] =	stream.linear.scatter [tilespmem:s7], [sflag:$0x2], $0xC800, $0x38;
	[tilespmem:$0xCA00] =	vst v63  }
0x72: {  	_ =	swait.ge [sflag:s4], $0xC800  }
0x73: {  	[sflag:s4] =	ssyncset.done $0x0  }
0x74: {  	[sflag:s4] =	ssyncadd.s32 $0xFFFF3800  }
0x75: {  	[tilespmem:s3], [sflag:$0x2] =	stream.linear.gather [hbm4b:s16+s3], $0x190, $0x38;
	[tilespmem:$0xCA00] =	vst v63  }
0x76: {  	_ =	swait.ge [sflag:s4], $0x190  }
0x77: {  	[sflag:s4] =	ssyncset.done $0x0  }
0x78: {  	[sflag:s4] =	ssyncadd.s32 $0xFFFFFE70  }
0x79: {  	[tilespmem:s7], [sflag:$0x1] =	stream.indirect.gather [hbm4b:s2+s6], $0x80, s3, s6, $0xb8;
	[tilespmem:$0xCA00] =	vst v63  }
0x7a: {  	_ =	swait.ge [sflag:s8], $0xC800  }
.Ltmp1:
0x7b: {  	[sflag:s8] =	ssyncset.done $0x0;
	(pc) =	sbr.rel @p0 .LBB2_1-.Ltmp1, $4  }
0x7c: {  	[sflag:s8] =	ssyncadd.s32 $0xFFFF3800  }
0x7d: {  	[hbm4b:s17+s3] =	stream.linear.scatter [tilespmem:s7], [sflag:$0x2], $0xC800, $0x38;
	[tilespmem:$0xCA00] =	vst v63  }
0x7e: {  	_ =	swait.ge [sflag:s4], $0xC800  }
0x7f: {  	[sflag:s4] =	ssyncset.done $0x0  }
.LBB2_2:
0x80: {  	[sflag:s4] =	ssyncadd.s32 $0xFFFF3800  }
0x81: {  	_ =	sfence.sel $0x180000  }
0x82: {  	[bflag:$0x0] =	sbarrier.arrive $0xFFFF  }
0x83: {  	p0 =	sne.s32 s0, $0x0;
	_ =	strace $0x9000004A  }
0x84: {  	s0 =	sadd.s32 @!p0 $0x100000, s1;
	[bflag:$0x2] =	sbarrier.arrive $0xFFFF  }
0x85: {  	[sflag:s0] =	ssyncadd.tile.s32 @!p0 $0x1;
	_ =	shalt  }
.Lfunc_end2:
_tile_overlayer_lowered:
.L_overlay_start_2:
0x86: {  	(tag) =	ssettag $0x2  }
0x87: {  	s0 =	rddreg [dreg:$0x0];
	s2 =	stileid.u32  }
0x88: {  	s1 =	rddreg [dreg:$0x1];
	p0 =	sne.s32 s2, $0x0  }
0x89: {  	s3 =	rddreg [dreg:$0x2];
	[bflag:$0x3] =	sbarrier.arrive $0xFFFF;
	s2 =	simm.s32 @!p0 $0x1C02  }
0x8a: {  	[timem:s3], [sflag:s2] =	dma.local @!p0 [hbm:s0], s1  }
0x8b: {  	s0 =	simm.s32 @!p0 $0x2  }
0x8c: {  	_ =	swait.ge @!p0 [sflag:s0], s1  }
0x8d: {  	s1 =	ssub.s32 @!p0 $0x0, s1;
	[sflag:s0] =	ssyncset.done @!p0 $0x0  }
0x8e: {  	[sflag:s0] =	ssyncadd.s32 @!p0 s1  }
0x8f: {  	[bflag:$0x3] =	sbarrier.arrive $0xFFFF  }
0x90: {  	_ =	shalt  }

// kernel: kernel.27.cloned.1.call-start
scs
__scs_entry_jumppad:
0x0: {  	(pc) =	sbr.rel $0x88, $3  }
0x1: {  	(tag) =	ssettag $0x0;
	lr =	simm.s32 $0x1  }
0x2: {  	[smem:$0x3F8E] =	sst lr;
	_ =	strace $0xD0000000  }
0x3: {  	_ = 	snop  }
0x4: {  	_ = 	snop  }
0x5: {  	_ = 	snop  }
0x6: {  	_ = 	snop  }
0x7: {  	_ = 	snop  }
__scs_overlays_trampoline_lowered:
0x8: {  	[smem:$0x3F9D] =	sst s0  }
0x9: {  	[smem:$0x3F9E] =	sst s1  }
0xa: {  	[smem:$0x3F9F] =	sst s2  }
0xb: {  	[smem:$0x3FA0] =	sst s3  }
0xc: {  	[smem:$0x3FA1] =	sst s4  }
0xd: {  	[smem:$0x3FA2] =	sst s5  }
0xe: {  	[smem:$0x3FA3] =	sst s6  }
0xf: {  	[smem:$0x3FA4] =	sst s7  }
0x10: {  	[smem:$0x3FA5] =	sst s8  }
0x11: {  	[smem:$0x3FA6] =	sst s9;
	s0 =	simm.s32 @!p0 $0x0  }
0x12: {  	s1 =	sld [smem:$0x3F8C];
	s0 =	simm.s32 @p0 $0x1  }
0x13: {  	[smem:$0x3FA7] =	sst s0;
	s0 =	simm.s32 @!p1 $0x0  }
0x14: {  	s2 =	sld [smem:$0x3F8B];
	s0 =	simm.s32 @p1 $0x1  }
0x15: {  	[smem:$0x3FA8] =	sst s0;
	s0 =	simm.s32 @!p2 $0x0  }
0x16: {  	s3 =	sld [smem:$0x3FDB];
	s0 =	simm.s32 @p2 $0x1  }
0x17: {  	s4 =	simm.s32 $0x1BF5;
	[smem:$0x3FAA] =	sst s0  }
0x18: {  	s0 =	sld [smem:$0x3F8D];
	_ =	swait.ge [sflag:s4], $0x0  }
0x19: {  	s7 =	sld [smem:$0x3F8E]  }
0x1a: {  	s8 =	sadd.s32 $0xFFFFE003, lr  }
0x1b: {  	s9 =	sadd.s32 $0xFFFFFEF7, lr;
	s5 =	simm.s32 $0xFFFFFFFF;
	p2 =	slt.u32 s8, $0xFFFFF086  }
0x1c: {  	p1 =	slt.u32 s9, $0xF7A;
	s5 =	simm.s32 @!p2 $0x0  }
0x1d: {  	s5 =	simm.s32 @p1 $0x1;
	p0 =	seq.s32 s7, s2  }
0x1e: {  	s7 =	smul.u32 @!p0 $0xF7A, s2;
	p2 =	seq.s32 @!p0 s5, $0x0  }
0x1f: {  	s9 =	smul.u32 $0xF7A, s1;
	s8 =	simm.s32 @!p0 $0x1BF5;
	p2 =	por !p2, p0  }
0x20: {  	[sflag:s8] =	ssyncset.s32 @!p0 $0xFFFFF086;
	s6 =	sadd.s32 @!p0 s3, s7;
	s7 =	simm.s32 @!p0 $0x108  }
0x21: {  	s3 =	sadd.s32 s3, s9;
	s6 =	sadd.s32 @!p0 $0x88, s6;
	s7 =	simm.s32 @p2 $0x1082  }
0x22: {  	[simem:s7], [sflag:s8] =	dma.local @!p0 [hbm:s6], $0xF7A  }
0x23: {  	s9 =	sor.u32 $0xD0000000, s2;
	s6 =	simm.s32 $0x108;
	_ =	swait.ge @!p0 [sflag:s8], $0x0  }
0x24: {  	s3 =	sadd.s32 $0x88, s3;
	s6 =	simm.s32 @!p1 $0x1082;
	[sflag:s4] =	ssyncset.s32 $0xFFFFF086  }
0x25: {  	[simem:s6], [sflag:s4] =	dma.local [hbm:s3], $0xF7A  }
0x26: {  	[smem:$0x3F8E] =	sst s1;
	(tag) =	ssettag s2;
	_ =	strace s9  }
0x27: {  	s1 =	sld [smem:$0x3F9E]  }
0x28: {  	s2 =	sld [smem:$0x3F9F]  }
0x29: {  	s4 =	sld [smem:$0x3FA1]  }
0x2a: {  	p0 =	seq.s32 s5, $0x0;
	s5 =	sld [smem:$0x3FA2]  }
0x2b: {  	s6 =	sld [smem:$0x3FA3]  }
0x2c: {  	s7 =	sld [smem:$0x3FA4]  }
0x2d: {  	s3 =	simm.s32 $0x108;
	s8 =	sld [smem:$0x3FA5]  }
0x2e: {  	s3 =	simm.s32 @!p0 $0x1082;
	s9 =	sld [smem:$0x3FA6]  }
0x2f: {  	lr =	sadd.s32 s0, s3;
	s0 =	sld [smem:$0x3F9D]  }
0x30: {  	s3 =	sld [smem:$0x3FA0]  }
0x31: {  	[smem:$0x3FA9] =	sst s10  }
0x32: {  	s10 =	sld [smem:$0x3FA7];
	_ =	sdelay $0x3  }
0x33: {  	p0 =	seq.s32 s10, $0x1;
	s10 =	sld [smem:$0x3FA9];
	_ =	sdelay $0x3  }
0x34: {  	[smem:$0x3FA9] =	sst s10  }
0x35: {  	s10 =	sld [smem:$0x3FA8];
	_ =	sdelay $0x3  }
0x36: {  	p1 =	seq.s32 s10, $0x1;
	s10 =	sld [smem:$0x3FA9];
	_ =	sdelay $0x3  }
0x37: {  	[smem:$0x3FA9] =	sst s10  }
0x38: {  	s10 =	sld [smem:$0x3FAA]  }
0x39: {  	_ = 	snop;
	(pc) =	sbr.ind lr, $3  }
0x3a: {  	_ = 	snop  }
0x3b: {  	_ = 	snop  }
0x3c: {  	p2 =	seq.s32 s10, $0x1;
	s10 =	sld [smem:$0x3FA9]  }
0x3d: {  	_ =	shalt  }
0x3e: {  	_ =	shalt  }
0x3f: {  	_ =	shalt  }
0x40: {  	_ =	shalt  }
0x41: {  	_ =	shalt  }
0x42: {  	_ =	shalt  }
0x43: {  	_ =	shalt  }
0x44: {  	_ =	shalt  }
0x45: {  	_ =	shalt  }
0x46: {  	_ =	shalt  }
0x47: {  	_ =	shalt  }
0x48: {  	_ =	shalt  }
0x49: {  	_ =	shalt  }
0x4a: {  	_ =	shalt  }
0x4b: {  	_ =	shalt  }
0x4c: {  	_ =	shalt  }
0x4d: {  	_ =	shalt  }
0x4e: {  	_ =	shalt  }
0x4f: {  	_ =	shalt  }
0x50: {  	_ =	shalt  }
0x51: {  	_ =	shalt  }
0x52: {  	_ =	shalt  }
0x53: {  	_ =	shalt  }
0x54: {  	_ =	shalt  }
0x55: {  	_ =	shalt  }
0x56: {  	_ =	shalt  }
0x57: {  	_ =	shalt  }
0x58: {  	_ =	shalt  }
0x59: {  	_ =	shalt  }
0x5a: {  	_ =	shalt  }
0x5b: {  	_ =	shalt  }
0x5c: {  	_ =	shalt  }
0x5d: {  	_ =	shalt  }
0x5e: {  	_ =	shalt  }
0x5f: {  	_ =	shalt  }
0x60: {  	_ =	shalt  }
0x61: {  	_ =	shalt  }
0x62: {  	_ =	shalt  }
0x63: {  	_ =	shalt  }
0x64: {  	_ =	shalt  }
0x65: {  	_ =	shalt  }
0x66: {  	_ =	shalt  }
0x67: {  	_ =	shalt  }
0x68: {  	_ =	shalt  }
0x69: {  	_ =	shalt  }
0x6a: {  	_ =	shalt  }
0x6b: {  	_ =	shalt  }
0x6c: {  	_ =	shalt  }
0x6d: {  	_ =	shalt  }
0x6e: {  	_ =	shalt  }
0x6f: {  	_ =	shalt  }
0x70: {  	_ =	shalt  }
0x71: {  	_ =	shalt  }
0x72: {  	_ =	shalt  }
0x73: {  	_ =	shalt  }
0x74: {  	_ =	shalt  }
0x75: {  	_ =	shalt  }
0x76: {  	_ =	shalt  }
0x77: {  	_ =	shalt  }
0x78: {  	_ =	shalt  }
0x79: {  	_ =	shalt  }
0x7a: {  	_ =	shalt  }
0x7b: {  	_ =	shalt  }
0x7c: {  	_ =	shalt  }
0x7d: {  	_ =	shalt  }
0x7e: {  	_ =	shalt  }
0x7f: {  	_ =	shalt  }
0x80: {  	_ =	shalt  }
0x81: {  	_ =	shalt  }
0x82: {  	_ =	shalt  }
0x83: {  	_ =	shalt  }
0x84: {  	_ =	shalt  }
0x85: {  	_ =	shalt  }
0x86: {  	_ =	shalt  }
0x87: {  	_ =	shalt  }
.Lfunc_end0:
.L_simem_size_0:
called_computation.4_lowered:
.L_overlay_start_0:
0x88: {  	s2 =	sld [smem:$0x3FD9]  }
0x89: {  	s3 =	sld [smem:$0x3FFE];
	_ =	sdelay $0x1  }
0x8a: {  	s1 =	srdreg.scid  }
0x8b: {  	s0 =	sand.u32 $0x1, s1  }
0x8c: {  	s17 =	sshll.u32 s0, $0xA;
	s2 =	sadd.s32 s3, s2  }
0x8d: {  	s2 =	sadd.s32 s2, s17  }
0x8e: {  	[smem:$0x3FB5] =	sst s2  }
0x8f: {  	_ = 	snop  }
0x90: {  	s2 =	sld [smem:$0x3FC6]  }
0x91: {  	s18 =	sld [smem:$0x3FD0];
	(tm) =	ssettm $0x1  }
0x92: {  	s4 =	sld [smem:$0x3FFB];
	_ =	sdelay $0x3  }
0x93: {  	_ =	strace s4  }
0x94: {  	s4 =	sld [smem:$0x3FFC];
	_ =	sdelay $0x3  }
0x95: {  	_ =	strace s4  }
0x96: {  	s4 =	sld [smem:$0x3FFD];
	_ =	sdelay $0x3  }
0x97: {  	_ =	strace s4  }
0x98: {  	_ =	strace $0x8FFFFFFF  }
0x99: {  	s19 =	sld [smem:$0x3FDB];
	_ =	sdelay $0x1  }
0x9a: {  	s5 =	simm.s32 $_scs_section_size  }
0x9b: {  	s6 =	simm.s32 $_size__tile_overlayer_lowered;
	s7 =	simm.s32 $_tile_overlayer_lowered  }
0x9c: {  	s22 =	simm.s32 $0x1BFF;
	s21 =	sshll.u32 s7, $0x1;
	s4 =	sadd.s32 s5, s19  }
0x9d: {  	s8 =	simm.s32 $0x0;
	s20 =	sshll.u32 s6, $0x1;
	s6 =	sadd.s32 s21, s4  }
0x9e: {  	[timem:s8], [sflag:s22] =	dma.local [hbm:s6], s20  }
0x9f: {  	_ =	swait.ge [sflag:s22], s20  }
0xa0: {  	s5 =	ssub.s32 $0x0, s20;
	[sflag:s22] =	ssyncset.done $0x0  }
0xa1: {  	[sflag:s22] =	ssyncadd.s32 s5;
	_ =	sdelay $0x1  }
0xa2: {  	s23 =	simm.s32 $0x1B8B  }
0xa3: {  	_ =	swait.ge [sflag:s23], $0x1  }
0xa4: {  	[sflag:s23] =	ssyncset.done $0x0  }
0xa5: {  	s25 =	simm.s32 $0x1B8E;
	s24 =	sld [smem:$0x3FFE];
	[sflag:s23] =	ssyncadd.s32 $0xFFFFFFFF  }
0xa6: {  	s26 =	simm.s32 $execute0_lowered;
	[smem:$0x3FD2] =	sst s25  }
0xa7: {  	s6 =	sshll.u32 s26, $0x1;
	_ =	strace $0x80000046;
	[dreg:$0x1] =	wrdreg $0xFFFFFFFF  }
0xa8: {  	s28 =	simm.s32 $_size_execute0_lowered;
	s4 =	sadd.s32 s4, s6;
	[dreg:$0x0] =	wrdreg $0x0  }
0xa9: {  	s6 =	sshll.u32 s28, $0x1;
	[dreg:$0x2] =	wrdreg s4  }
0xaa: {  	[dreg:$0x3] =	wrdreg s6  }
0xab: {  	[dreg:$0x4] =	wrdreg $0xC0  }
0xac: {  	_ =	task [dreg:s8], $0x5FFFF  }
0xad: {  	[dreg:$0x1] =	wrdreg $0xFFFFFFFF  }
0xae: {  	[dreg:$0x0] =	wrdreg $0x60  }
0xaf: {  	[dreg:$0x2] =	wrdreg s18  }
0xb0: {  	[dreg:$0x3] =	wrdreg s2  }
0xb1: {  	[dreg:$0x4] =	wrdreg s24  }
0xb2: {  	[dreg:$0x5] =	wrdreg $0xD  }
0xb3: {  	_ =	task.clear_ibuf [dreg:s8], $0x6FFFF;
	_ =	strace $0x90000046  }
0xb4: {  	s29 =	simm.s32 $0xD;
	_ =	strace $0x80000048  }
0xb5: {  	_ =	swait.ge [sflag:s29], $0x1  }
0xb6: {  	[sflag:s29] =	ssyncadd.s32 $0xFFFFFFFF  }
0xb7: {  	_ =	strace $0x90000048  }
0xb8: {  	_ =	sfence  }
0xb9: {  	s30 =	sld [smem:$0x0];
	_ =	sdelay $0x2  }
0xba: {  	s31 =	sshll.u32 s1, $0xD;
	s1 =	sshrl.u32 s1, $0x2  }
0xbb: {  	s3 =	sand.u32 $0x4000, s31;
	s1 =	sadd.s32 s1, s30  }
0xbc: {  	s0 =	sor.u32 s3, s0;
	s1 =	sshll.u32 s1, $0x11  }
0xbd: {  	s0 =	sor.u32 s1, s0  }
0xbe: {  	s0 =	sadd.s32 $0x8F2B, s0  }
0xbf: {  	[sflag:s0] =	ssyncadd.remote.s32 $0x1  }
0xc0: {  	_ =	sfence.sel $0xFFFF  }
0xc1: {  	[dreg:$0x0] =	wrdreg $0xFFFFFFFF;
	(pc) =	sbr.abs _section_cstart, $3  }
0xc2: {  	[dreg:$0x1] =	wrdreg $0xFFFFFFFF  }
0xc3: {  	_ =	task.clear_ibuf [dreg:s8], $0x2FFFF;
	_ =	strace $0x9FFFFFFF  }
0xc4: {  	(tm) =	ssettm $0x7FFFFFFF  }
0xc5: {  	_ =	shalt  }
tec
execute0_lowered:
.L_overlay_start_1:
0x0: {  	(tag) =	ssettag $0x1  }
0x1: {  	s1 =	srdreg.scid;
	s0 =	stileid.u32  }
0x2: {  	s17 =	sand.u32 $0x1, s1;
	s31 =	sshll.u32 s0, $0x1  }
0x3: {  	s2 =	rddreg [dreg:$0x0];
	s6 =	sor.u32 s17, s31  }
0x4: {  	s4 =	rddreg [dreg:$0x1];
	s5 =	smul.u32 $0x7D0, s6  }
0x5: {  	s9 =	rddreg [dreg:$0x2]  }
0x6: {  	s3 =	simm.s32 $0x0;
	s1 =	rddreg [dreg:$0x3];
	s5 =	sshrl.u32 s5, $0x3  }
0x7: {  	[smem:$0x7FF] =	sst s3;
	s16 =	sadd.s32 s4, s5  }
0x8: {  	_ =	strace $0x80000047;
	s4 =	simm.s32 $0x2;
	s5 =	sadd.s32 $0x7D00, s16  }
0x9: {  	[tilespmem:s3], [sflag:$0x2] =	stream.linear.gather [hbm4b:s5+s3], $0x190, $0x38;
	[tilespmem:$0xCA00] =	vst v63  }
0xa: {  	_ =	swait.ge [sflag:s4], $0x190  }
0xb: {  	s7 =	simm.s32 $0x200;
	s8 =	simm.s32 $0x1;
	[sflag:s4] =	ssyncset.done $0x0  }
0xc: {  	s10 =	smul.u32 $0x7D00, s6;
	s6 =	simm.s32 $0x190;
	[sflag:s4] =	ssyncadd.s32 $0xFFFFFE70  }
0xd: {  	[tilespmem:s7], [sflag:$0x1] =	stream.indirect.gather [hbm4b:s2+s6], $0x80, s3, s6, $0xb8;
	[tilespmem:$0xCA00] =	vst v63  }
0xe: {  	_ =	swait.ge [sflag:s8], $0xC800  }
0xf: {  	s18 =	sadd.s32 s10, s9;
	[sflag:s8] =	ssyncset.done $0x0  }
0x10: {  	s9 =	sadd.s32 $0x4A00, s18;
	[sflag:s8] =	ssyncadd.s32 $0xFFFF3800  }
0x11: {  	[hbm4b:s9+s3] =	stream.linear.scatter [tilespmem:s7], [sflag:$0x2], $0xC800, $0x38;
	[tilespmem:$0xCA00] =	vst v63  }
0x12: {  	_ =	swait.ge [sflag:s4], $0xC800  }
0x13: {  	[sflag:s4] =	ssyncset.done $0x0  }
0x14: {  	s10 =	sadd.s32 $0x7D32, s16;
	[sflag:s4] =	ssyncadd.s32 $0xFFFF3800  }
0x15: {  	[tilespmem:s3], [sflag:$0x2] =	stream.linear.gather [hbm4b:s10+s3], $0x190, $0x38;
	[tilespmem:$0xCA00] =	vst v63  }
0x16: {  	_ =	swait.ge [sflag:s4], $0x190  }
0x17: {  	[sflag:s4] =	ssyncset.done $0x0  }
0x18: {  	[sflag:s4] =	ssyncadd.s32 $0xFFFFFE70  }
0x19: {  	[tilespmem:s7], [sflag:$0x1] =	stream.indirect.gather [hbm4b:s2+s6], $0x80, s3, s6, $0xb8;
	[tilespmem:$0xCA00] =	vst v63  }
0x1a: {  	_ =	swait.ge [sflag:s8], $0xC800  }
0x1b: {  	[sflag:s8] =	ssyncset.done $0x0  }
0x1c: {  	s11 =	sadd.s32 $0x6300, s18;
	[sflag:s8] =	ssyncadd.s32 $0xFFFF3800  }
0x1d: {  	[hbm4b:s11+s3] =	stream.linear.scatter [tilespmem:s7], [sflag:$0x2], $0xC800, $0x38;
	[tilespmem:$0xCA00] =	vst v63  }
0x1e: {  	_ =	swait.ge [sflag:s4], $0xC800  }
0x1f: {  	[sflag:s4] =	ssyncset.done $0x0  }
0x20: {  	s12 =	sadd.s32 $0x7D64, s16;
	[sflag:s4] =	ssyncadd.s32 $0xFFFF3800  }
0x21: {  	[tilespmem:s3], [sflag:$0x2] =	stream.linear.gather [hbm4b:s12+s3], $0x190, $0x38;
	[tilespmem:$0xCA00] =	vst v63  }
0x22: {  	_ =	swait.ge [sflag:s4], $0x190  }
0x23: {  	[sflag:s4] =	ssyncset.done $0x0  }
0x24: {  	[sflag:s4] =	ssyncadd.s32 $0xFFFFFE70  }
0x25: {  	[tilespmem:s7], [sflag:$0x1] =	stream.indirect.gather [hbm4b:s2+s6], $0x80, s3, s6, $0xb8;
	[tilespmem:$0xCA00] =	vst v63  }
0x26: {  	_ =	swait.ge [sflag:s8], $0xC800  }
0x27: {  	[sflag:s8] =	ssyncset.done $0x0  }
0x28: {  	s13 =	sadd.s32 $0x7C00, s18;
	[sflag:s8] =	ssyncadd.s32 $0xFFFF3800  }
0x29: {  	[hbm4b:s13+s3] =	stream.linear.scatter [tilespmem:s7], [sflag:$0x2], $0xC800, $0x38;
	[tilespmem:$0xCA00] =	vst v63  }
0x2a: {  	_ =	swait.ge [sflag:s4], $0xC800  }
0x2b: {  	[sflag:s4] =	ssyncset.done $0x0  }
0x2c: {  	s14 =	sadd.s32 $0x7D96, s16;
	[sflag:s4] =	ssyncadd.s32 $0xFFFF3800  }
0x2d: {  	[tilespmem:s3], [sflag:$0x2] =	stream.linear.gather [hbm4b:s14+s3], $0x190, $0x38;
	[tilespmem:$0xCA00] =	vst v63  }
0x2e: {  	_ =	swait.ge [sflag:s4], $0x190  }
0x2f: {  	[sflag:s4] =	ssyncset.done $0x0  }
0x30: {  	[sflag:s4] =	ssyncadd.s32 $0xFFFFFE70  }
0x31: {  	[tilespmem:s7], [sflag:$0x1] =	stream.indirect.gather [hbm4b:s2+s6], $0x80, s3, s6, $0xb8;
	[tilespmem:$0xCA00] =	vst v63  }
0x32: {  	_ =	swait.ge [sflag:s8], $0xC800  }
0x33: {  	[sflag:s8] =	ssyncset.done $0x0  }
0x34: {  	s15 =	sadd.s32 $0x9500, s18;
	[sflag:s8] =	ssyncadd.s32 $0xFFFF3800  }
0x35: {  	[hbm4b:s15+s3] =	stream.linear.scatter [tilespmem:s7], [sflag:$0x2], $0xC800, $0x38;
	[tilespmem:$0xCA00] =	vst v63  }
0x36: {  	_ =	swait.ge [sflag:s4], $0xC800  }
0x37: {  	[sflag:s4] =	ssyncset.done $0x0  }
0x38: {  	s17 =	ssub.s32 $0x2, s17;
	s16 =	sadd.s32 $0x7DC8, s16;
	[sflag:s4] =	ssyncadd.s32 $0xFFFF3800  }
0x39: {  	[tilespmem:s3], [sflag:$0x2] =	stream.linear.gather [hbm4b:s16+s3], $0x190, $0x38;
	[tilespmem:$0xCA00] =	vst v63  }
0x3a: {  	s19 =	sshrl.u32 s17, $0x1;
	_ =	swait.ge [sflag:s4], $0x190  }
0x3b: {  	s17 =	ssub.s32 s17, s19;
	[sflag:s4] =	ssyncset.done $0x0  }
0x3c: {  	s19 =	smax.u32 s17, $0x1;
	[sflag:s4] =	ssyncadd.s32 $0xFFFFFE70  }
0x3d: {  	[tilespmem:s7], [sflag:$0x1] =	stream.indirect.gather [hbm4b:s2+s6], $0x80, s3, s6, $0xb8;
	[tilespmem:$0xCA00] =	vst v63  }
0x3e: {  	p0 =	sne.s32 s19, $0x1;
	_ =	swait.ge [sflag:s8], $0xC800  }
.Ltmp0:
0x3f: {  	[sflag:s8] =	ssyncset.done $0x0;
	(pc) =	sbr.rel @!p0 .LBB2_2-.Ltmp0, $4  }
0x40: {  	s17 =	sadd.s32 $0xAE00, s18;
	[sflag:s8] =	ssyncadd.s32 $0xFFFF3800  }
0x41: {  	[hbm4b:s17+s3] =	stream.linear.scatter [tilespmem:s7], [sflag:$0x2], $0xC800, $0x38;
	[tilespmem:$0xCA00] =	vst v63  }
0x42: {  	_ =	swait.ge [sflag:s4], $0xC800  }
0x43: {  	s18 =	sadd.s32 $0xFFFFFFFF, s19;
	[sflag:s4] =	ssyncset.done $0x0  }
.LBB2_1:
0x44: {  	p0 =	sne.s32 s18, $0x1;
	s18 =	sadd.s32 $0xFFFFFFFF, s18;
	[sflag:s4] =	ssyncadd.s32 $0xFFFF3800  }
0x45: {  	[tilespmem:s3], [sflag:$0x2] =	stream.linear.gather [hbm4b:s5+s3], $0x190, $0x38;
	[tilespmem:$0xCA00] =	vst v63  }
0x46: {  	_ =	swait.ge [sflag:s4], $0x190  }
0x47: {  	[sflag:s4] =	ssyncset.done $0x0  }
0x48: {  	[sflag:s4] =	ssyncadd.s32 $0xFFFFFE70  }
0x49: {  	[tilespmem:s7], [sflag:$0x1] =	stream.indirect.gather [hbm4b:s2+s6], $0x80, s3, s6, $0xb8;
	[tilespmem:$0xCA00] =	vst v63  }
0x4a: {  	_ =	swait.ge [sflag:s8], $0xC800  }
0x4b: {  	[sflag:s8] =	ssyncset.done $0x0  }
0x4c: {  	[sflag:s8] =	ssyncadd.s32 $0xFFFF3800  }
0x4d: {  	[hbm4b:s9+s3] =	stream.linear.scatter [tilespmem:s7], [sflag:$0x2], $0xC800, $0x38;
	[tilespmem:$0xCA00] =	vst v63  }
0x4e: {  	_ =	swait.ge [sflag:s4], $0xC800  }
0x4f: {  	[sflag:s4] =	ssyncset.done $0x0  }
0x50: {  	[sflag:s4] =	ssyncadd.s32 $0xFFFF3800  }
0x51: {  	[tilespmem:s3], [sflag:$0x2] =	stream.linear.gather [hbm4b:s10+s3], $0x190, $0x38;
	[tilespmem:$0xCA00] =	vst v63  }
0x52: {  	_ =	swait.ge [sflag:s4], $0x190  }
0x53: {  	[sflag:s4] =	ssyncset.done $0x0  }
0x54: {  	[sflag:s4] =	ssyncadd.s32 $0xFFFFFE70  }
0x55: {  	[tilespmem:s7], [sflag:$0x1] =	stream.indirect.gather [hbm4b:s2+s6], $0x80, s3, s6, $0xb8;
	[tilespmem:$0xCA00] =	vst v63  }
0x56: {  	_ =	swait.ge [sflag:s8], $0xC800  }
0x57: {  	[sflag:s8] =	ssyncset.done $0x0  }
0x58: {  	[sflag:s8] =	ssyncadd.s32 $0xFFFF3800  }
0x59: {  	[hbm4b:s11+s3] =	stream.linear.scatter [tilespmem:s7], [sflag:$0x2], $0xC800, $0x38;
	[tilespmem:$0xCA00] =	vst v63  }
0x5a: {  	_ =	swait.ge [sflag:s4], $0xC800  }
0x5b: {  	[sflag:s4] =	ssyncset.done $0x0  }
0x5c: {  	[sflag:s4] =	ssyncadd.s32 $0xFFFF3800  }
0x5d: {  	[tilespmem:s3], [sflag:$0x2] =	stream.linear.gather [hbm4b:s12+s3], $0x190, $0x38;
	[tilespmem:$0xCA00] =	vst v63  }
0x5e: {  	_ =	swait.ge [sflag:s4], $0x190  }
0x5f: {  	[sflag:s4] =	ssyncset.done $0x0  }
0x60: {  	[sflag:s4] =	ssyncadd.s32 $0xFFFFFE70  }
0x61: {  	[tilespmem:s7], [sflag:$0x1] =	stream.indirect.gather [hbm4b:s2+s6], $0x80, s3, s6, $0xb8;
	[tilespmem:$0xCA00] =	vst v63  }
0x62: {  	_ =	swait.ge [sflag:s8], $0xC800  }
0x63: {  	[sflag:s8] =	ssyncset.done $0x0  }
0x64: {  	[sflag:s8] =	ssyncadd.s32 $0xFFFF3800  }
0x65: {  	[hbm4b:s13+s3] =	stream.linear.scatter [tilespmem:s7], [sflag:$0x2], $0xC800, $0x38;
	[tilespmem:$0xCA00] =	vst v63  }
0x66: {  	_ =	swait.ge [sflag:s4], $0xC800  }
0x67: {  	[sflag:s4] =	ssyncset.done $0x0  }
0x68: {  	[sflag:s4] =	ssyncadd.s32 $0xFFFF3800  }
0x69: {  	[tilespmem:s3], [sflag:$0x2] =	stream.linear.gather [hbm4b:s14+s3], $0x190, $0x38;
	[tilespmem:$0xCA00] =	vst v63  }
0x6a: {  	_ =	swait.ge [sflag:s4], $0x190  }
0x6b: {  	[sflag:s4] =	ssyncset.done $0x0  }
0x6c: {  	[sflag:s4] =	ssyncadd.s32 $0xFFFFFE70  }
0x6d: {  	[tilespmem:s7], [sflag:$0x1] =	stream.indirect.gather [hbm4b:s2+s6], $0x80, s3, s6, $0xb8;
	[tilespmem:$0xCA00] =	vst v63  }
0x6e: {  	_ =	swait.ge [sflag:s8], $0xC800  }
0x6f: {  	[sflag:s8] =	ssyncset.done $0x0  }
0x70: {  	[sflag:s8] =	ssyncadd.s32 $0xFFFF3800  }
0x71: {  	[hbm4b:s15+s3] =	stream.linear.scatter [tilespmem:s7], [sflag:$0x2], $0xC800, $0x38;
	[tilespmem:$0xCA00] =	vst v63  }
0x72: {  	_ =	swait.ge [sflag:s4], $0xC800  }
0x73: {  	[sflag:s4] =	ssyncset.done $0x0  }
0x74: {  	[sflag:s4] =	ssyncadd.s32 $0xFFFF3800  }
0x75: {  	[tilespmem:s3], [sflag:$0x2] =	stream.linear.gather [hbm4b:s16+s3], $0x190, $0x38;
	[tilespmem:$0xCA00] =	vst v63  }
0x76: {  	_ =	swait.ge [sflag:s4], $0x190  }
0x77: {  	[sflag:s4] =	ssyncset.done $0x0  }
0x78: {  	[sflag:s4] =	ssyncadd.s32 $0xFFFFFE70  }
0x79: {  	[tilespmem:s7], [sflag:$0x1] =	stream.indirect.gather [hbm4b:s2+s6], $0x80, s3, s6, $0xb8;
	[tilespmem:$0xCA00] =	vst v63  }
0x7a: {  	_ =	swait.ge [sflag:s8], $0xC800  }
.Ltmp1:
0x7b: {  	[sflag:s8] =	ssyncset.done $0x0;
	(pc) =	sbr.rel @p0 .LBB2_1-.Ltmp1, $4  }
0x7c: {  	[sflag:s8] =	ssyncadd.s32 $0xFFFF3800  }
0x7d: {  	[hbm4b:s17+s3] =	stream.linear.scatter [tilespmem:s7], [sflag:$0x2], $0xC800, $0x38;
	[tilespmem:$0xCA00] =	vst v63  }
0x7e: {  	_ =	swait.ge [sflag:s4], $0xC800  }
0x7f: {  	[sflag:s4] =	ssyncset.done $0x0  }
.LBB2_2:
0x80: {  	[sflag:s4] =	ssyncadd.s32 $0xFFFF3800  }
0x81: {  	_ =	sfence.sel $0x180000  }
0x82: {  	[bflag:$0x0] =	sbarrier.arrive $0xFFFF  }
0x83: {  	p0 =	sne.s32 s0, $0x0;
	_ =	strace $0x90000047  }
0x84: {  	s0 =	sadd.s32 @!p0 $0x100000, s1;
	[bflag:$0x2] =	sbarrier.arrive $0xFFFF  }
0x85: {  	[sflag:s0] =	ssyncadd.tile.s32 @!p0 $0x1;
	_ =	shalt  }
.Lfunc_end2:
_tile_overlayer_lowered:
.L_overlay_start_2:
0x86: {  	(tag) =	ssettag $0x2  }
0x87: {  	s0 =	rddreg [dreg:$0x0];
	s2 =	stileid.u32  }
0x88: {  	s1 =	rddreg [dreg:$0x1];
	p0 =	sne.s32 s2, $0x0  }
0x89: {  	s3 =	rddreg [dreg:$0x2];
	[bflag:$0x3] =	sbarrier.arrive $0xFFFF;
	s2 =	simm.s32 @!p0 $0x1C02  }
0x8a: {  	[timem:s3], [sflag:s2] =	dma.local @!p0 [hbm:s0], s1  }
0x8b: {  	s0 =	simm.s32 @!p0 $0x2  }
0x8c: {  	_ =	swait.ge @!p0 [sflag:s0], s1  }
0x8d: {  	s1 =	ssub.s32 @!p0 $0x0, s1;
	[sflag:s0] =	ssyncset.done @!p0 $0x0  }
0x8e: {  	[sflag:s0] =	ssyncadd.s32 @!p0 s1  }
0x8f: {  	[bflag:$0x3] =	sbarrier.arrive $0xFFFF  }
0x90: {  	_ =	shalt  }

</sc_bundles>
